<compile_context>
chip_gen: v7x
topology: tpu7x:2x2x1
jax: 0.10.2.dev20260603
libtpu: 0.0.44.dev20260713+nightly
codegen_flags: <defaults>
</compile_context>

<pallas_src>
import functools

import jax
import jax.numpy as jnp
from jax import lax
from jax.experimental import pallas as pl
from jax.experimental.pallas import tpu as pltpu
from jax.experimental.pallas import tpu_sc as plsc

_NUM_BINS = 15
_GAMMA_INITIAL = 1.0
_ROWS_PER_BLOCK = 512
_NC = 2
_NS = 16
_NW = _NC * _NS
_LANES = 16


def _lse_body(x_ref, lse_ref):
    x = x_ref[...]
    m = jnp.max(x, axis=1, keepdims=True)
    s = jnp.sum(jnp.exp(x - m), axis=1, keepdims=True)
    lse_ref[...] = m + jnp.log(s)


def _tc_lse(input):
    batch, ncls = input.shape
    grid = batch // _ROWS_PER_BLOCK
    return pl.pallas_call(
        _lse_body,
        grid=(grid,),
        in_specs=[pl.BlockSpec((_ROWS_PER_BLOCK, ncls), lambda i: (i, 0))],
        out_specs=pl.BlockSpec((_ROWS_PER_BLOCK, 1), lambda i: (i, 0)),
        out_shape=jax.ShapeDtypeStruct((batch, 1), jnp.float32),
    )(input)


def _make_sc_tail(batch, ncls):
    bpw = batch // _NW
    nchunks = bpw // 128
    mesh = plsc.VectorSubcoreMesh(core_axis_name="c", subcore_axis_name="s")

    @functools.partial(
        pl.kernel,
        out_type=jax.ShapeDtypeStruct((_NW, _LANES), jnp.float32),
        mesh=mesh,
        scratch_types=[
            pltpu.VMEM((bpw,), jnp.int32),
            pltpu.VMEM((bpw,), jnp.float32),
            pltpu.VMEM((nchunks, 128), jnp.int32),
            pltpu.VMEM((nchunks, 128), jnp.float32),
            pltpu.VMEM((_LANES,), jnp.float32),
            pltpu.VMEM((_LANES,), jnp.float32),
            pltpu.SemaphoreType.DMA,
        ],
    )
    def tail(inp_hbm, tgt_hbm, lse_hbm, out_hbm,
             tgt_v, lse_v, idx_v, xt_v, acc_v, gam_v, sem):
        wid = lax.axis_index("s") * _NC + lax.axis_index("c")
        base = wid * bpw
        pltpu.sync_copy(tgt_hbm.at[pl.ds(base, bpw)], tgt_v)
        pltpu.sync_copy(lse_hbm.at[pl.ds(base, bpw)], lse_v)
        gam_v[...] = jnp.full((_LANES,), _GAMMA_INITIAL, jnp.float32)

        col = lax.iota(jnp.int32, _LANES) * ncls
        for j in range(bpw // _LANES):
            t16 = tgt_v[pl.ds(j * _LANES, _LANES)]
            idx16 = (base + j * _LANES) * ncls + col + t16
            k, off = divmod(j * _LANES, 128)
            idx_v[k, pl.ds(off, _LANES)] = idx16

        copies = [
            pltpu.async_copy(inp_hbm.at[idx_v.at[k]], xt_v.at[k], sem)
            for k in range(nchunks)
        ]
        for c in copies:
            c.wait()

        acc = jnp.zeros((_LANES,), jnp.float32)
        for j in range(bpw // _LANES):
            k, off = divmod(j * _LANES, 128)
            xt16 = xt_v[k, pl.ds(off, _LANES)]
            lse16 = lse_v[pl.ds(j * _LANES, _LANES)]
            logpt = xt16 - lse16
            pt = jnp.exp(logpt)
            bin16 = jnp.clip((pt * float(_NUM_BINS)).astype(jnp.int32),
                             0, _NUM_BINS - 1)
            gam = jnp.where(bin16 >= 0, _GAMMA_INITIAL, _GAMMA_INITIAL)
            pt_signed = jnp.sign(gam) * pt
            acc = acc + (-1.0) * (1.0 - pt_signed + 1e-20) * logpt
        acc_v[...] = acc
        pltpu.sync_copy(acc_v, out_hbm.at[wid])

    return tail


def kernel(input, target):
    batch, ncls = input.shape
    lse = _tc_lse(input)
    sc_tail = _make_sc_tail(batch, ncls)
    partials = sc_tail(
        input.reshape(-1),
        target.astype(jnp.int32),
        lse.reshape(-1),
    )
    return jnp.sum(partials)

# --- scband reference (transcript-rebuilt; emitter-appended) ---
"""Pipeline reference for scband-ada-focal-loss-88098369175613 (READ-ONLY COPY).

The authoritative reference and input builder live on the scoring server;
editing this copy changes nothing except your own understanding.
"""

import jax, jax.numpy as jnp
import numpy as np

NUM_BINS = 15
GAMMA_INITIAL = 1.0
BATCH = 16384
NUM_CLASSES = 1000


def setup_inputs(seed: int = 0) -> dict:
    key = jax.random.key(seed)
    k1, k2 = jax.random.split(key)
    inp = jax.random.normal(k1, (BATCH, NUM_CLASSES), dtype=jnp.float32)
    target = jax.random.randint(k2, (BATCH,), 0, NUM_CLASSES, dtype=jnp.int32)
    return {"input": inp, "target": target}


def reference(input, target):
    # bin_stats at init: uniform boundaries bin_no/NUM_BINS .. (bin_no+1)/NUM_BINS,
    # gamma = GAMMA_INITIAL for every bin. Binning reduces to floor(pt*NUM_BINS)
    # clipped to [0, NUM_BINS-1] (first bin catches pt < upper0, last bin catches pt >= lower_last).
    gamma_table = jnp.full((NUM_BINS,), GAMMA_INITIAL, dtype=jnp.float32)
    logpt_all = jax.nn.log_softmax(input, axis=1)
    logpt = jnp.take_along_axis(logpt_all, target.reshape(-1, 1).astype(jnp.int32), axis=1).reshape(-1)
    pt = jnp.exp(logpt)
    bin_idx = jnp.clip(jnp.floor(pt * NUM_BINS).astype(jnp.int32), 0, NUM_BINS - 1)
    gamma = gamma_table[bin_idx]
    gamma_sign = jnp.sign(gamma)
    gamma_mag = jnp.abs(gamma)
    pt_signed = gamma_sign * pt
    loss = -1.0 * (1.0 - pt_signed + 1e-20) ** gamma_mag * logpt
    return loss.sum()

if __name__ == "__main__":
    import jax
    _d = setup_inputs()
    print(jax.jit(kernel)(*tuple(_d.values())))

</pallas_src>

<mosaic_0001>
#map = affine_map<(d0, d1) -> (0)>
#map1 = affine_map<(d0, d1) -> (0, 0)>
module attributes {stable_mosaic.version = 14 : i64} {
  func.func @tail(%arg0: i32, %arg1: i32, %arg2: memref<16384000xf32, #tpu.memory_space<hbm>>, %arg3: memref<16384xi32, #tpu.memory_space<hbm>>, %arg4: memref<16384xf32, #tpu.memory_space<hbm>>, %arg5: memref<32x16xf32, #tpu.memory_space<hbm>>, %arg6: memref<512xi32, #tpu.memory_space<vmem>>, %arg7: memref<512xf32, #tpu.memory_space<vmem>>, %arg8: memref<4x128xi32, #tpu.memory_space<vmem>>, %arg9: memref<4x128xf32, #tpu.memory_space<vmem>>, %arg10: memref<16xf32, #tpu.memory_space<vmem>>, %arg11: memref<16xf32, #tpu.memory_space<vmem>>, %arg12: memref<!tpu.dma_semaphore, #tpu.memory_space<semaphore_mem>>) attributes {dimension_semantics = [#tpu.dimension_semantics<core_parallel>, #tpu.dimension_semantics<subcore_parallel>], iteration_bounds = array<i64: 2, 16>, scalar_prefetch = 0 : i64, scratch_operands = 7 : i64, tpu.core_type = #tpu.core_type<sc_vector_subcore>, window_params = [{transform_indices = #map}, {transform_indices = #map}, {transform_indices = #map}, {transform_indices = #map1}]} {
    %mul3A = arith.constant 2 : i32
    %mul3A_0 = arith.muli %arg1, %mul3A : i32
    %add3A = arith.addi %mul3A_0, %arg0 : i32
    %mul3A_1 = arith.constant 512 : i32
    %mul3A_2 = arith.muli %add3A, %mul3A_1 : i32
    "tpu.region"() ({
      %run_scoped3A = tpu.sem_alloc : memref<!tpu.dma_semaphore, #tpu.memory_space<semaphore_mem>>
      %dma_start3A_2292 = tpu.memref_slice %arg3[%mul3A_2] : memref<16384xi32, #tpu.memory_space<hbm>> -> memref<512xi32, #tpu.memory_space<hbm>>
      %dma_start3A_2293 = tpu.memref_slice %arg3[%mul3A_2] : memref<16384xi32, #tpu.memory_space<hbm>> -> memref<512xi32, #tpu.memory_space<hbm>>
      tpu.enqueue_dma source(%dma_start3A_2293 : memref<512xi32, #tpu.memory_space<hbm>>) target(%arg6 : memref<512xi32, #tpu.memory_space<vmem>>) target_semaphore(%run_scoped3A : memref<!tpu.dma_semaphore, #tpu.memory_space<semaphore_mem>>)
      %dma_wait3A_2294 = tpu.memref_slice %arg3[%mul3A_2] : memref<16384xi32, #tpu.memory_space<hbm>> -> memref<512xi32, #tpu.memory_space<hbm>>
      %dma_wait3A_2295 = tpu.memref_slice %arg3[%mul3A_2] : memref<16384xi32, #tpu.memory_space<hbm>> -> memref<512xi32, #tpu.memory_space<hbm>>
      tpu.wait_dma2 semaphore(%run_scoped3A : memref<!tpu.dma_semaphore, #tpu.memory_space<semaphore_mem>>) src(%dma_wait3A_2295 : memref<512xi32, #tpu.memory_space<hbm>>) dst(%arg6 : memref<512xi32, #tpu.memory_space<vmem>>)
      tpu.yield
    }) : () -> ()
    "tpu.region"() ({
      %run_scoped3A = tpu.sem_alloc : memref<!tpu.dma_semaphore, #tpu.memory_space<semaphore_mem>>
      %dma_start3A_2292 = tpu.memref_slice %arg4[%mul3A_2] : memref<16384xf32, #tpu.memory_space<hbm>> -> memref<512xf32, #tpu.memory_space<hbm>>
      %dma_start3A_2293 = tpu.memref_slice %arg4[%mul3A_2] : memref<16384xf32, #tpu.memory_space<hbm>> -> memref<512xf32, #tpu.memory_space<hbm>>
      tpu.enqueue_dma source(%dma_start3A_2293 : memref<512xf32, #tpu.memory_space<hbm>>) target(%arg7 : memref<512xf32, #tpu.memory_space<vmem>>) target_semaphore(%run_scoped3A : memref<!tpu.dma_semaphore, #tpu.memory_space<semaphore_mem>>)
      %dma_wait3A_2294 = tpu.memref_slice %arg4[%mul3A_2] : memref<16384xf32, #tpu.memory_space<hbm>> -> memref<512xf32, #tpu.memory_space<hbm>>
      %dma_wait3A_2295 = tpu.memref_slice %arg4[%mul3A_2] : memref<16384xf32, #tpu.memory_space<hbm>> -> memref<512xf32, #tpu.memory_space<hbm>>
      tpu.wait_dma2 semaphore(%run_scoped3A : memref<!tpu.dma_semaphore, #tpu.memory_space<semaphore_mem>>) src(%dma_wait3A_2295 : memref<512xf32, #tpu.memory_space<hbm>>) dst(%arg7 : memref<512xf32, #tpu.memory_space<vmem>>)
      tpu.yield
    }) : () -> ()
    %broadcast_in_dim3A = arith.constant 1.000000e+00 : f32
    %broadcast_in_dim3A_3 = vector.broadcast %broadcast_in_dim3A : f32 to vector<16xf32>
    %swap3A = arith.constant 0 : index
    %swap3A_4 = tpu.vector_load %arg11[%swap3A] {strides = array<i32>} : memref<16xf32, #tpu.memory_space<vmem>>, vector<16xf32>,
    %swap3A_5 = vector.shape_cast %swap3A_4 : vector<16xf32> to vector<16xf32>
    %swap3A_6 = vector.shape_cast %broadcast_in_dim3A_3 : vector<16xf32> to vector<16xf32>
    tpu.vector_store %arg11[%swap3A], %swap3A_6 {strides = array<i32>} : memref<16xf32, #tpu.memory_space<vmem>>, vector<16xf32>,
    %iota3A = tpu.iota {dimensions = array<i32: 0>} : vector<16xi32>
    %mul3A_7 = arith.constant 1000 : i32
    %mul3A_8 = vector.broadcast %mul3A_7 : i32 to vector<16xi32>
    %mul3A_9 = arith.muli %iota3A, %mul3A_8 : vector<16xi32>
    %get3A = arith.constant 0 : index
    %get3A_10 = tpu.vector_load %arg6[%get3A] {strides = array<i32>} : memref<512xi32, #tpu.memory_space<vmem>>, vector<16xi32>,
    %get3A_11 = vector.shape_cast %get3A_10 : vector<16xi32> to vector<16xi32>
    %add3A_12 = arith.constant 0 : i32
    %add3A_13 = arith.addi %mul3A_2, %add3A_12 : i32
    %mul3A_14 = arith.constant 1000 : i32
    %mul3A_15 = arith.muli %add3A_13, %mul3A_14 : i32
    %add3A_16 = vector.broadcast %mul3A_15 : i32 to vector<16xi32>
    %add3A_17 = arith.addi %add3A_16, %mul3A_9 : vector<16xi32>
    %add3A_18 = arith.addi %add3A_17, %get3A_11 : vector<16xi32>
    %swap3A_19 = arith.constant 0 : i32
    %swap3A_20 = arith.index_cast %swap3A_19 : i32 to index
    %swap3A_21 = arith.constant 0 : index
    %swap3A_22 = tpu.vector_load %arg8[%swap3A_20, %swap3A_21] {strides = array<i32>} : memref<4x128xi32, #tpu.memory_space<vmem>>, vector<1x16xi32>,
    %swap3A_23 = vector.shape_cast %swap3A_22 : vector<1x16xi32> to vector<16xi32>
    %swap3A_24 = vector.shape_cast %add3A_18 : vector<16xi32> to vector<1x16xi32>
    tpu.vector_store %arg8[%swap3A_20, %swap3A_21], %swap3A_24 {strides = array<i32>} : memref<4x128xi32, #tpu.memory_space<vmem>>, vector<1x16xi32>,
    %get3A_25 = arith.constant 16 : index
    %get3A_26 = tpu.vector_load %arg6[%get3A_25] {strides = array<i32>} : memref<512xi32, #tpu.memory_space<vmem>>, vector<16xi32>,
    %get3A_27 = vector.shape_cast %get3A_26 : vector<16xi32> to vector<16xi32>
    %add3A_28 = arith.constant 16 : i32
    %add3A_29 = arith.addi %mul3A_2, %add3A_28 : i32
    %mul3A_30 = arith.constant 1000 : i32
    %mul3A_31 = arith.muli %add3A_29, %mul3A_30 : i32
    %add3A_32 = vector.broadcast %mul3A_31 : i32 to vector<16xi32>
    %add3A_33 = arith.addi %add3A_32, %mul3A_9 : vector<16xi32>
    %add3A_34 = arith.addi %add3A_33, %get3A_27 : vector<16xi32>
    %swap3A_35 = arith.constant 0 : i32
    %swap3A_36 = arith.index_cast %swap3A_35 : i32 to index
    %swap3A_37 = arith.constant 16 : index
    %swap3A_38 = tpu.vector_load %arg8[%swap3A_36, %swap3A_37] {strides = array<i32>} : memref<4x128xi32, #tpu.memory_space<vmem>>, vector<1x16xi32>,
    %swap3A_39 = vector.shape_cast %swap3A_38 : vector<1x16xi32> to vector<16xi32>
    %swap3A_40 = vector.shape_cast %add3A_34 : vector<16xi32> to vector<1x16xi32>
    tpu.vector_store %arg8[%swap3A_36, %swap3A_37], %swap3A_40 {strides = array<i32>} : memref<4x128xi32, #tpu.memory_space<vmem>>, vector<1x16xi32>,
    %get3A_41 = arith.constant 32 : index
    %get3A_42 = tpu.vector_load %arg6[%get3A_41] {strides = array<i32>} : memref<512xi32, #tpu.memory_space<vmem>>, vector<16xi32>,
    %get3A_43 = vector.shape_cast %get3A_42 : vector<16xi32> to vector<16xi32>
    %add3A_44 = arith.constant 32 : i32
    %add3A_45 = arith.addi %mul3A_2, %add3A_44 : i32
    %mul3A_46 = arith.constant 1000 : i32
    %mul3A_47 = arith.muli %add3A_45, %mul3A_46 : i32
    %add3A_48 = vector.broadcast %mul3A_47 : i32 to vector<16xi32>
    %add3A_49 = arith.addi %add3A_48, %mul3A_9 : vector<16xi32>
    %add3A_50 = arith.addi %add3A_49, %get3A_43 : vector<16xi32>
    %swap3A_51 = arith.constant 0 : i32
    %swap3A_52 = arith.index_cast %swap3A_51 : i32 to index
    %swap3A_53 = arith.constant 32 : index
    %swap3A_54 = tpu.vector_load %arg8[%swap3A_52, %swap3A_53] {strides = array<i32>} : memref<4x128xi32, #tpu.memory_space<vmem>>, vector<1x16xi32>,
    %swap3A_55 = vector.shape_cast %swap3A_54 : vector<1x16xi32> to vector<16xi32>
    %swap3A_56 = vector.shape_cast %add3A_50 : vector<16xi32> to vector<1x16xi32>
    tpu.vector_store %arg8[%swap3A_52, %swap3A_53], %swap3A_56 {strides = array<i32>} : memref<4x128xi32, #tpu.memory_space<vmem>>, vector<1x16xi32>,
    %get3A_57 = arith.constant 48 : index
    %get3A_58 = tpu.vector_load %arg6[%get3A_57] {strides = array<i32>} : memref<512xi32, #tpu.memory_space<vmem>>, vector<16xi32>,
    %get3A_59 = vector.shape_cast %get3A_58 : vector<16xi32> to vector<16xi32>
    %add3A_60 = arith.constant 48 : i32
    %add3A_61 = arith.addi %mul3A_2, %add3A_60 : i32
    %mul3A_62 = arith.constant 1000 : i32
    %mul3A_63 = arith.muli %add3A_61, %mul3A_62 : i32
    %add3A_64 = vector.broadcast %mul3A_63 : i32 to vector<16xi32>
    %add3A_65 = arith.addi %add3A_64, %mul3A_9 : vector<16xi32>
    %add3A_66 = arith.addi %add3A_65, %get3A_59 : vector<16xi32>
    %swap3A_67 = arith.constant 0 : i32
    %swap3A_68 = arith.index_cast %swap3A_67 : i32 to index
    %swap3A_69 = arith.constant 48 : index
    %swap3A_70 = tpu.vector_load %arg8[%swap3A_68, %swap3A_69] {strides = array<i32>} : memref<4x128xi32, #tpu.memory_space<vmem>>, vector<1x16xi32>,
    %swap3A_71 = vector.shape_cast %swap3A_70 : vector<1x16xi32> to vector<16xi32>
    %swap3A_72 = vector.shape_cast %add3A_66 : vector<16xi32> to vector<1x16xi32>
    tpu.vector_store %arg8[%swap3A_68, %swap3A_69], %swap3A_72 {strides = array<i32>} : memref<4x128xi32, #tpu.memory_space<vmem>>, vector<1x16xi32>,
    %get3A_73 = arith.constant 64 : index
    %get3A_74 = tpu.vector_load %arg6[%get3A_73] {strides = array<i32>} : memref<512xi32, #tpu.memory_space<vmem>>, vector<16xi32>,
    %get3A_75 = vector.shape_cast %get3A_74 : vector<16xi32> to vector<16xi32>
    %add3A_76 = arith.constant 64 : i32
    %add3A_77 = arith.addi %mul3A_2, %add3A_76 : i32
    %mul3A_78 = arith.constant 1000 : i32
    %mul3A_79 = arith.muli %add3A_77, %mul3A_78 : i32
    %add3A_80 = vector.broadcast %mul3A_79 : i32 to vector<16xi32>
    %add3A_81 = arith.addi %add3A_80, %mul3A_9 : vector<16xi32>
    %add3A_82 = arith.addi %add3A_81, %get3A_75 : vector<16xi32>
    %swap3A_83 = arith.constant 0 : i32
    %swap3A_84 = arith.index_cast %swap3A_83 : i32 to index
    %swap3A_85 = arith.constant 64 : index
    %swap3A_86 = tpu.vector_load %arg8[%swap3A_84, %swap3A_85] {strides = array<i32>} : memref<4x128xi32, #tpu.memory_space<vmem>>, vector<1x16xi32>,
    %swap3A_87 = vector.shape_cast %swap3A_86 : vector<1x16xi32> to vector<16xi32>
    %swap3A_88 = vector.shape_cast %add3A_82 : vector<16xi32> to vector<1x16xi32>
    tpu.vector_store %arg8[%swap3A_84, %swap3A_85], %swap3A_88 {strides = array<i32>} : memref<4x128xi32, #tpu.memory_space<vmem>>, vector<1x16xi32>,
    %get3A_89 = arith.constant 80 : index
    %get3A_90 = tpu.vector_load %arg6[%get3A_89] {strides = array<i32>} : memref<512xi32, #tpu.memory_space<vmem>>, vector<16xi32>,
    %get3A_91 = vector.shape_cast %get3A_90 : vector<16xi32> to vector<16xi32>
    %add3A_92 = arith.constant 80 : i32
    %add3A_93 = arith.addi %mul3A_2, %add3A_92 : i32
    %mul3A_94 = arith.constant 1000 : i32
    %mul3A_95 = arith.muli %add3A_93, %mul3A_94 : i32
    %add3A_96 = vector.broadcast %mul3A_95 : i32 to vector<16xi32>
    %add3A_97 = arith.addi %add3A_96, %mul3A_9 : vector<16xi32>
    %add3A_98 = arith.addi %add3A_97, %get3A_91 : vector<16xi32>
    %swap3A_99 = arith.constant 0 : i32
    %swap3A_100 = arith.index_cast %swap3A_99 : i32 to index
    %swap3A_101 = arith.constant 80 : index
    %swap3A_102 = tpu.vector_load %arg8[%swap3A_100, %swap3A_101] {strides = array<i32>} : memref<4x128xi32, #tpu.memory_space<vmem>>, vector<1x16xi32>,
    %swap3A_103 = vector.shape_cast %swap3A_102 : vector<1x16xi32> to vector<16xi32>
    %swap3A_104 = vector.shape_cast %add3A_98 : vector<16xi32> to vector<1x16xi32>
    tpu.vector_store %arg8[%swap3A_100, %swap3A_101], %swap3A_104 {strides = array<i32>} : memref<4x128xi32, #tpu.memory_space<vmem>>, vector<1x16xi32>,
    %get3A_105 = arith.constant 96 : index
    %get3A_106 = tpu.vector_load %arg6[%get3A_105] {strides = array<i32>} : memref<512xi32, #tpu.memory_space<vmem>>, vector<16xi32>,
    %get3A_107 = vector.shape_cast %get3A_106 : vector<16xi32> to vector<16xi32>
    %add3A_108 = arith.constant 96 : i32
    %add3A_109 = arith.addi %mul3A_2, %add3A_108 : i32
    %mul3A_110 = arith.constant 1000 : i32
    %mul3A_111 = arith.muli %add3A_109, %mul3A_110 : i32
    %add3A_112 = vector.broadcast %mul3A_111 : i32 to vector<16xi32>
    %add3A_113 = arith.addi %add3A_112, %mul3A_9 : vector<16xi32>
    %add3A_114 = arith.addi %add3A_113, %get3A_107 : vector<16xi32>
    %swap3A_115 = arith.constant 0 : i32
    %swap3A_116 = arith.index_cast %swap3A_115 : i32 to index
    %swap3A_117 = arith.constant 96 : index
    %swap3A_118 = tpu.vector_load %arg8[%swap3A_116, %swap3A_117] {strides = array<i32>} : memref<4x128xi32, #tpu.memory_space<vmem>>, vector<1x16xi32>,
    %swap3A_119 = vector.shape_cast %swap3A_118 : vector<1x16xi32> to vector<16xi32>
    %swap3A_120 = vector.shape_cast %add3A_114 : vector<16xi32> to vector<1x16xi32>
    tpu.vector_store %arg8[%swap3A_116, %swap3A_117], %swap3A_120 {strides = array<i32>} : memref<4x128xi32, #tpu.memory_space<vmem>>, vector<1x16xi32>,
    %get3A_121 = arith.constant 112 : index
    %get3A_122 = tpu.vector_load %arg6[%get3A_121] {strides = array<i32>} : memref<512xi32, #tpu.memory_space<vmem>>, vector<16xi32>,
    %get3A_123 = vector.shape_cast %get3A_122 : vector<16xi32> to vector<16xi32>
    %add3A_124 = arith.constant 112 : i32
    %add3A_125 = arith.addi %mul3A_2, %add3A_124 : i32
    %mul3A_126 = arith.constant 1000 : i32
    %mul3A_127 = arith.muli %add3A_125, %mul3A_126 : i32
    %add3A_128 = vector.broadcast %mul3A_127 : i32 to vector<16xi32>
    %add3A_129 = arith.addi %add3A_128, %mul3A_9 : vector<16xi32>
    %add3A_130 = arith.addi %add3A_129, %get3A_123 : vector<16xi32>
    %swap3A_131 = arith.constant 0 : i32
    %swap3A_132 = arith.index_cast %swap3A_131 : i32 to index
    %swap3A_133 = arith.constant 112 : index
    %swap3A_134 = tpu.vector_load %arg8[%swap3A_132, %swap3A_133] {strides = array<i32>} : memref<4x128xi32, #tpu.memory_space<vmem>>, vector<1x16xi32>,
    %swap3A_135 = vector.shape_cast %swap3A_134 : vector<1x16xi32> to vector<16xi32>
    %swap3A_136 = vector.shape_cast %add3A_130 : vector<16xi32> to vector<1x16xi32>
    tpu.vector_store %arg8[%swap3A_132, %swap3A_133], %swap3A_136 {strides = array<i32>} : memref<4x128xi32, #tpu.memory_space<vmem>>, vector<1x16xi32>,
    %get3A_137 = arith.constant 128 : index
    %get3A_138 = tpu.vector_load %arg6[%get3A_137] {strides = array<i32>} : memref<512xi32, #tpu.memory_space<vmem>>, vector<16xi32>,
    %get3A_139 = vector.shape_cast %get3A_138 : vector<16xi32> to vector<16xi32>
    %add3A_140 = arith.constant 128 : i32
    %add3A_141 = arith.addi %mul3A_2, %add3A_140 : i32
    %mul3A_142 = arith.constant 1000 : i32
    %mul3A_143 = arith.muli %add3A_141, %mul3A_142 : i32
    %add3A_144 = vector.broadcast %mul3A_143 : i32 to vector<16xi32>
    %add3A_145 = arith.addi %add3A_144, %mul3A_9 : vector<16xi32>
    %add3A_146 = arith.addi %add3A_145, %get3A_139 : vector<16xi32>
    %swap3A_147 = arith.constant 1 : i32
    %swap3A_148 = arith.index_cast %swap3A_147 : i32 to index
    %swap3A_149 = arith.constant 0 : index
    %swap3A_150 = tpu.vector_load %arg8[%swap3A_148, %swap3A_149] {strides = array<i32>} : memref<4x128xi32, #tpu.memory_space<vmem>>, vector<1x16xi32>,
    %swap3A_151 = vector.shape_cast %swap3A_150 : vector<1x16xi32> to vector<16xi32>
    %swap3A_152 = vector.shape_cast %add3A_146 : vector<16xi32> to vector<1x16xi32>
    tpu.vector_store %arg8[%swap3A_148, %swap3A_149], %swap3A_152 {strides = array<i32>} : memref<4x128xi32, #tpu.memory_space<vmem>>, vector<1x16xi32>,
    %get3A_153 = arith.constant 144 : index
    %get3A_154 = tpu.vector_load %arg6[%get3A_153] {strides = array<i32>} : memref<512xi32, #tpu.memory_space<vmem>>, vector<16xi32>,
    %get3A_155 = vector.shape_cast %get3A_154 : vector<16xi32> to vector<16xi32>
    %add3A_156 = arith.constant 144 : i32
    %add3A_157 = arith.addi %mul3A_2, %add3A_156 : i32
    %mul3A_158 = arith.constant 1000 : i32
    %mul3A_159 = arith.muli %add3A_157, %mul3A_158 : i32
    %add3A_160 = vector.broadcast %mul3A_159 : i32 to vector<16xi32>
    %add3A_161 = arith.addi %add3A_160, %mul3A_9 : vector<16xi32>
    %add3A_162 = arith.addi %add3A_161, %get3A_155 : vector<16xi32>
    %swap3A_163 = arith.constant 1 : i32
    %swap3A_164 = arith.index_cast %swap3A_163 : i32 to index
    %swap3A_165 = arith.constant 16 : index
    %swap3A_166 = tpu.vector_load %arg8[%swap3A_164, %swap3A_165] {strides = array<i32>} : memref<4x128xi32, #tpu.memory_space<vmem>>, vector<1x16xi32>,
    %swap3A_167 = vector.shape_cast %swap3A_166 : vector<1x16xi32> to vector<16xi32>
    %swap3A_168 = vector.shape_cast %add3A_162 : vector<16xi32> to vector<1x16xi32>
    tpu.vector_store %arg8[%swap3A_164, %swap3A_165], %swap3A_168 {strides = array<i32>} : memref<4x128xi32, #tpu.memory_space<vmem>>, vector<1x16xi32>,
    %get3A_169 = arith.constant 160 : index
    %get3A_170 = tpu.vector_load %arg6[%get3A_169] {strides = array<i32>} : memref<512xi32, #tpu.memory_space<vmem>>, vector<16xi32>,
    %get3A_171 = vector.shape_cast %get3A_170 : vector<16xi32> to vector<16xi32>
    %add3A_172 = arith.constant 160 : i32
    %add3A_173 = arith.addi %mul3A_2, %add3A_172 : i32
    %mul3A_174 = arith.constant 1000 : i32
    %mul3A_175 = arith.muli %add3A_173, %mul3A_174 : i32
    %add3A_176 = vector.broadcast %mul3A_175 : i32 to vector<16xi32>
    %add3A_177 = arith.addi %add3A_176, %mul3A_9 : vector<16xi32>
    %add3A_178 = arith.addi %add3A_177, %get3A_171 : vector<16xi32>
    %swap3A_179 = arith.constant 1 : i32
    %swap3A_180 = arith.index_cast %swap3A_179 : i32 to index
    %swap3A_181 = arith.constant 32 : index
    %swap3A_182 = tpu.vector_load %arg8[%swap3A_180, %swap3A_181] {strides = array<i32>} : memref<4x128xi32, #tpu.memory_space<vmem>>, vector<1x16xi32>,
    %swap3A_183 = vector.shape_cast %swap3A_182 : vector<1x16xi32> to vector<16xi32>
    %swap3A_184 = vector.shape_cast %add3A_178 : vector<16xi32> to vector<1x16xi32>
    tpu.vector_store %arg8[%swap3A_180, %swap3A_181], %swap3A_184 {strides = array<i32>} : memref<4x128xi32, #tpu.memory_space<vmem>>, vector<1x16xi32>,
    %get3A_185 = arith.constant 176 : index
    %get3A_186 = tpu.vector_load %arg6[%get3A_185] {strides = array<i32>} : memref<512xi32, #tpu.memory_space<vmem>>, vector<16xi32>,
    %get3A_187 = vector.shape_cast %get3A_186 : vector<16xi32> to vector<16xi32>
    %add3A_188 = arith.constant 176 : i32
    %add3A_189 = arith.addi %mul3A_2, %add3A_188 : i32
    %mul3A_190 = arith.constant 1000 : i32
    %mul3A_191 = arith.muli %add3A_189, %mul3A_190 : i32
    %add3A_192 = vector.broadcast %mul3A_191 : i32 to vector<16xi32>
    %add3A_193 = arith.addi %add3A_192, %mul3A_9 : vector<16xi32>
    %add3A_194 = arith.addi %add3A_193, %get3A_187 : vector<16xi32>
    %swap3A_195 = arith.constant 1 : i32
    %swap3A_196 = arith.index_cast %swap3A_195 : i32 to index
    %swap3A_197 = arith.constant 48 : index
    %swap3A_198 = tpu.vector_load %arg8[%swap3A_196, %swap3A_197] {strides = array<i32>} : memref<4x128xi32, #tpu.memory_space<vmem>>, vector<1x16xi32>,
    %swap3A_199 = vector.shape_cast %swap3A_198 : vector<1x16xi32> to vector<16xi32>
    %swap3A_200 = vector.shape_cast %add3A_194 : vector<16xi32> to vector<1x16xi32>
    tpu.vector_store %arg8[%swap3A_196, %swap3A_197], %swap3A_200 {strides = array<i32>} : memref<4x128xi32, #tpu.memory_space<vmem>>, vector<1x16xi32>,
    %get3A_201 = arith.constant 192 : index
    %get3A_202 = tpu.vector_load %arg6[%get3A_201] {strides = array<i32>} : memref<512xi32, #tpu.memory_space<vmem>>, vector<16xi32>,
    %get3A_203 = vector.shape_cast %get3A_202 : vector<16xi32> to vector<16xi32>
    %add3A_204 = arith.constant 192 : i32
    %add3A_205 = arith.addi %mul3A_2, %add3A_204 : i32
    %mul3A_206 = arith.constant 1000 : i32
    %mul3A_207 = arith.muli %add3A_205, %mul3A_206 : i32
    %add3A_208 = vector.broadcast %mul3A_207 : i32 to vector<16xi32>
    %add3A_209 = arith.addi %add3A_208, %mul3A_9 : vector<16xi32>
    %add3A_210 = arith.addi %add3A_209, %get3A_203 : vector<16xi32>
    %swap3A_211 = arith.constant 1 : i32
    %swap3A_212 = arith.index_cast %swap3A_211 : i32 to index
    %swap3A_213 = arith.constant 64 : index
    %swap3A_214 = tpu.vector_load %arg8[%swap3A_212, %swap3A_213] {strides = array<i32>} : memref<4x128xi32, #tpu.memory_space<vmem>>, vector<1x16xi32>,
    %swap3A_215 = vector.shape_cast %swap3A_214 : vector<1x16xi32> to vector<16xi32>
    %swap3A_216 = vector.shape_cast %add3A_210 : vector<16xi32> to vector<1x16xi32>
    tpu.vector_store %arg8[%swap3A_212, %swap3A_213], %swap3A_216 {strides = array<i32>} : memref<4x128xi32, #tpu.memory_space<vmem>>, vector<1x16xi32>,
    %get3A_217 = arith.constant 208 : index
    %get3A_218 = tpu.vector_load %arg6[%get3A_217] {strides = array<i32>} : memref<512xi32, #tpu.memory_space<vmem>>, vector<16xi32>,
    %get3A_219 = vector.shape_cast %get3A_218 : vector<16xi32> to vector<16xi32>
    %add3A_220 = arith.constant 208 : i32
    %add3A_221 = arith.addi %mul3A_2, %add3A_220 : i32
    %mul3A_222 = arith.constant 1000 : i32
    %mul3A_223 = arith.muli %add3A_221, %mul3A_222 : i32
    %add3A_224 = vector.broadcast %mul3A_223 : i32 to vector<16xi32>
    %add3A_225 = arith.addi %add3A_224, %mul3A_9 : vector<16xi32>
    %add3A_226 = arith.addi %add3A_225, %get3A_219 : vector<16xi32>
    %swap3A_227 = arith.constant 1 : i32
    %swap3A_228 = arith.index_cast %swap3A_227 : i32 to index
    %swap3A_229 = arith.constant 80 : index
    %swap3A_230 = tpu.vector_load %arg8[%swap3A_228, %swap3A_229] {strides = array<i32>} : memref<4x128xi32, #tpu.memory_space<vmem>>, vector<1x16xi32>,
    %swap3A_231 = vector.shape_cast %swap3A_230 : vector<1x16xi32> to vector<16xi32>
    %swap3A_232 = vector.shape_cast %add3A_226 : vector<16xi32> to vector<1x16xi32>
    tpu.vector_store %arg8[%swap3A_228, %swap3A_229], %swap3A_232 {strides = array<i32>} : memref<4x128xi32, #tpu.memory_space<vmem>>, vector<1x16xi32>,
    %get3A_233 = arith.constant 224 : index
    %get3A_234 = tpu.vector_load %arg6[%get3A_233] {strides = array<i32>} : memref<512xi32, #tpu.memory_space<vmem>>, vector<16xi32>,
    %get3A_235 = vector.shape_cast %get3A_234 : vector<16xi32> to vector<16xi32>
    %add3A_236 = arith.constant 224 : i32
    %add3A_237 = arith.addi %mul3A_2, %add3A_236 : i32
    %mul3A_238 = arith.constant 1000 : i32
    %mul3A_239 = arith.muli %add3A_237, %mul3A_238 : i32
    %add3A_240 = vector.broadcast %mul3A_239 : i32 to vector<16xi32>
    %add3A_241 = arith.addi %add3A_240, %mul3A_9 : vector<16xi32>
    %add3A_242 = arith.addi %add3A_241, %get3A_235 : vector<16xi32>
    %swap3A_243 = arith.constant 1 : i32
    %swap3A_244 = arith.index_cast %swap3A_243 : i32 to index
    %swap3A_245 = arith.constant 96 : index
    %swap3A_246 = tpu.vector_load %arg8[%swap3A_244, %swap3A_245] {strides = array<i32>} : memref<4x128xi32, #tpu.memory_space<vmem>>, vector<1x16xi32>,
    %swap3A_247 = vector.shape_cast %swap3A_246 : vector<1x16xi32> to vector<16xi32>
    %swap3A_248 = vector.shape_cast %add3A_242 : vector<16xi32> to vector<1x16xi32>
    tpu.vector_store %arg8[%swap3A_244, %swap3A_245], %swap3A_248 {strides = array<i32>} : memref<4x128xi32, #tpu.memory_space<vmem>>, vector<1x16xi32>,
    %get3A_249 = arith.constant 240 : index
    %get3A_250 = tpu.vector_load %arg6[%get3A_249] {strides = array<i32>} : memref<512xi32, #tpu.memory_space<vmem>>, vector<16xi32>,
    %get3A_251 = vector.shape_cast %get3A_250 : vector<16xi32> to vector<16xi32>
    %add3A_252 = arith.constant 240 : i32
    %add3A_253 = arith.addi %mul3A_2, %add3A_252 : i32
    %mul3A_254 = arith.constant 1000 : i32
    %mul3A_255 = arith.muli %add3A_253, %mul3A_254 : i32
    %add3A_256 = vector.broadcast %mul3A_255 : i32 to vector<16xi32>
    %add3A_257 = arith.addi %add3A_256, %mul3A_9 : vector<16xi32>
    %add3A_258 = arith.addi %add3A_257, %get3A_251 : vector<16xi32>
    %swap3A_259 = arith.constant 1 : i32
    %swap3A_260 = arith.index_cast %swap3A_259 : i32 to index
    %swap3A_261 = arith.constant 112 : index
    %swap3A_262 = tpu.vector_load %arg8[%swap3A_260, %swap3A_261] {strides = array<i32>} : memref<4x128xi32, #tpu.memory_space<vmem>>, vector<1x16xi32>,
    %swap3A_263 = vector.shape_cast %swap3A_262 : vector<1x16xi32> to vector<16xi32>
    %swap3A_264 = vector.shape_cast %add3A_258 : vector<16xi32> to vector<1x16xi32>
    tpu.vector_store %arg8[%swap3A_260, %swap3A_261], %swap3A_264 {strides = array<i32>} : memref<4x128xi32, #tpu.memory_space<vmem>>, vector<1x16xi32>,
    %get3A_265 = arith.constant 256 : index
    %get3A_266 = tpu.vector_load %arg6[%get3A_265] {strides = array<i32>} : memref<512xi32, #tpu.memory_space<vmem>>, vector<16xi32>,
    %get3A_267 = vector.shape_cast %get3A_266 : vector<16xi32> to vector<16xi32>
    %add3A_268 = arith.constant 256 : i32
    %add3A_269 = arith.addi %mul3A_2, %add3A_268 : i32
    %mul3A_270 = arith.constant 1000 : i32
    %mul3A_271 = arith.muli %add3A_269, %mul3A_270 : i32
    %add3A_272 = vector.broadcast %mul3A_271 : i32 to vector<16xi32>
    %add3A_273 = arith.addi %add3A_272, %mul3A_9 : vector<16xi32>
    %add3A_274 = arith.addi %add3A_273, %get3A_267 : vector<16xi32>
    %swap3A_275 = arith.constant 2 : i32
    %swap3A_276 = arith.index_cast %swap3A_275 : i32 to index
    %swap3A_277 = arith.constant 0 : index
    %swap3A_278 = tpu.vector_load %arg8[%swap3A_276, %swap3A_277] {strides = array<i32>} : memref<4x128xi32, #tpu.memory_space<vmem>>, vector<1x16xi32>,
    %swap3A_279 = vector.shape_cast %swap3A_278 : vector<1x16xi32> to vector<16xi32>
    %swap3A_280 = vector.shape_cast %add3A_274 : vector<16xi32> to vector<1x16xi32>
    tpu.vector_store %arg8[%swap3A_276, %swap3A_277], %swap3A_280 {strides = array<i32>} : memref<4x128xi32, #tpu.memory_space<vmem>>, vector<1x16xi32>,
    %get3A_281 = arith.constant 272 : index
    %get3A_282 = tpu.vector_load %arg6[%get3A_281] {strides = array<i32>} : memref<512xi32, #tpu.memory_space<vmem>>, vector<16xi32>,
    %get3A_283 = vector.shape_cast %get3A_282 : vector<16xi32> to vector<16xi32>
    %add3A_284 = arith.constant 272 : i32
    %add3A_285 = arith.addi %mul3A_2, %add3A_284 : i32
    %mul3A_286 = arith.constant 1000 : i32
    %mul3A_287 = arith.muli %add3A_285, %mul3A_286 : i32
    %add3A_288 = vector.broadcast %mul3A_287 : i32 to vector<16xi32>
    %add3A_289 = arith.addi %add3A_288, %mul3A_9 : vector<16xi32>
    %add3A_290 = arith.addi %add3A_289, %get3A_283 : vector<16xi32>
    %swap3A_291 = arith.constant 2 : i32
    %swap3A_292 = arith.index_cast %swap3A_291 : i32 to index
    %swap3A_293 = arith.constant 16 : index
    %swap3A_294 = tpu.vector_load %arg8[%swap3A_292, %swap3A_293] {strides = array<i32>} : memref<4x128xi32, #tpu.memory_space<vmem>>, vector<1x16xi32>,
    %swap3A_295 = vector.shape_cast %swap3A_294 : vector<1x16xi32> to vector<16xi32>
    %swap3A_296 = vector.shape_cast %add3A_290 : vector<16xi32> to vector<1x16xi32>
    tpu.vector_store %arg8[%swap3A_292, %swap3A_293], %swap3A_296 {strides = array<i32>} : memref<4x128xi32, #tpu.memory_space<vmem>>, vector<1x16xi32>,
    %get3A_297 = arith.constant 288 : index
    %get3A_298 = tpu.vector_load %arg6[%get3A_297] {strides = array<i32>} : memref<512xi32, #tpu.memory_space<vmem>>, vector<16xi32>,
    %get3A_299 = vector.shape_cast %get3A_298 : vector<16xi32> to vector<16xi32>
    %add3A_300 = arith.constant 288 : i32
    %add3A_301 = arith.addi %mul3A_2, %add3A_300 : i32
    %mul3A_302 = arith.constant 1000 : i32
    %mul3A_303 = arith.muli %add3A_301, %mul3A_302 : i32
    %add3A_304 = vector.broadcast %mul3A_303 : i32 to vector<16xi32>
    %add3A_305 = arith.addi %add3A_304, %mul3A_9 : vector<16xi32>
    %add3A_306 = arith.addi %add3A_305, %get3A_299 : vector<16xi32>
    %swap3A_307 = arith.constant 2 : i32
    %swap3A_308 = arith.index_cast %swap3A_307 : i32 to index
    %swap3A_309 = arith.constant 32 : index
    %swap3A_310 = tpu.vector_load %arg8[%swap3A_308, %swap3A_309] {strides = array<i32>} : memref<4x128xi32, #tpu.memory_space<vmem>>, vector<1x16xi32>,
    %swap3A_311 = vector.shape_cast %swap3A_310 : vector<1x16xi32> to vector<16xi32>
    %swap3A_312 = vector.shape_cast %add3A_306 : vector<16xi32> to vector<1x16xi32>
    tpu.vector_store %arg8[%swap3A_308, %swap3A_309], %swap3A_312 {strides = array<i32>} : memref<4x128xi32, #tpu.memory_space<vmem>>, vector<1x16xi32>,
    %get3A_313 = arith.constant 304 : index
    %get3A_314 = tpu.vector_load %arg6[%get3A_313] {strides = array<i32>} : memref<512xi32, #tpu.memory_space<vmem>>, vector<16xi32>,
    %get3A_315 = vector.shape_cast %get3A_314 : vector<16xi32> to vector<16xi32>
    %add3A_316 = arith.constant 304 : i32
    %add3A_317 = arith.addi %mul3A_2, %add3A_316 : i32
    %mul3A_318 = arith.constant 1000 : i32
    %mul3A_319 = arith.muli %add3A_317, %mul3A_318 : i32
    %add3A_320 = vector.broadcast %mul3A_319 : i32 to vector<16xi32>
    %add3A_321 = arith.addi %add3A_320, %mul3A_9 : vector<16xi32>
    %add3A_322 = arith.addi %add3A_321, %get3A_315 : vector<16xi32>
    %swap3A_323 = arith.constant 2 : i32
    %swap3A_324 = arith.index_cast %swap3A_323 : i32 to index
    %swap3A_325 = arith.constant 48 : index
    %swap3A_326 = tpu.vector_load %arg8[%swap3A_324, %swap3A_325] {strides = array<i32>} : memref<4x128xi32, #tpu.memory_space<vmem>>, vector<1x16xi32>,
    %swap3A_327 = vector.shape_cast %swap3A_326 : vector<1x16xi32> to vector<16xi32>
    %swap3A_328 = vector.shape_cast %add3A_322 : vector<16xi32> to vector<1x16xi32>
    tpu.vector_store %arg8[%swap3A_324, %swap3A_325], %swap3A_328 {strides = array<i32>} : memref<4x128xi32, #tpu.memory_space<vmem>>, vector<1x16xi32>,
    %get3A_329 = arith.constant 320 : index
    %get3A_330 = tpu.vector_load %arg6[%get3A_329] {strides = array<i32>} : memref<512xi32, #tpu.memory_space<vmem>>, vector<16xi32>,
    %get3A_331 = vector.shape_cast %get3A_330 : vector<16xi32> to vector<16xi32>
    %add3A_332 = arith.constant 320 : i32
    %add3A_333 = arith.addi %mul3A_2, %add3A_332 : i32
    %mul3A_334 = arith.constant 1000 : i32
    %mul3A_335 = arith.muli %add3A_333, %mul3A_334 : i32
    %add3A_336 = vector.broadcast %mul3A_335 : i32 to vector<16xi32>
    %add3A_337 = arith.addi %add3A_336, %mul3A_9 : vector<16xi32>
    %add3A_338 = arith.addi %add3A_337, %get3A_331 : vector<16xi32>
    %swap3A_339 = arith.constant 2 : i32
    %swap3A_340 = arith.index_cast %swap3A_339 : i32 to index
    %swap3A_341 = arith.constant 64 : index
    %swap3A_342 = tpu.vector_load %arg8[%swap3A_340, %swap3A_341] {strides = array<i32>} : memref<4x128xi32, #tpu.memory_space<vmem>>, vector<1x16xi32>,
    %swap3A_343 = vector.shape_cast %swap3A_342 : vector<1x16xi32> to vector<16xi32>
    %swap3A_344 = vector.shape_cast %add3A_338 : vector<16xi32> to vector<1x16xi32>
    tpu.vector_store %arg8[%swap3A_340, %swap3A_341], %swap3A_344 {strides = array<i32>} : memref<4x128xi32, #tpu.memory_space<vmem>>, vector<1x16xi32>,
    %get3A_345 = arith.constant 336 : index
    %get3A_346 = tpu.vector_load %arg6[%get3A_345] {strides = array<i32>} : memref<512xi32, #tpu.memory_space<vmem>>, vector<16xi32>,
    %get3A_347 = vector.shape_cast %get3A_346 : vector<16xi32> to vector<16xi32>
    %add3A_348 = arith.constant 336 : i32
    %add3A_349 = arith.addi %mul3A_2, %add3A_348 : i32
    %mul3A_350 = arith.constant 1000 : i32
    %mul3A_351 = arith.muli %add3A_349, %mul3A_350 : i32
    %add3A_352 = vector.broadcast %mul3A_351 : i32 to vector<16xi32>
    %add3A_353 = arith.addi %add3A_352, %mul3A_9 : vector<16xi32>
    %add3A_354 = arith.addi %add3A_353, %get3A_347 : vector<16xi32>
    %swap3A_355 = arith.constant 2 : i32
    %swap3A_356 = arith.index_cast %swap3A_355 : i32 to index
    %swap3A_357 = arith.constant 80 : index
    %swap3A_358 = tpu.vector_load %arg8[%swap3A_356, %swap3A_357] {strides = array<i32>} : memref<4x128xi32, #tpu.memory_space<vmem>>, vector<1x16xi32>,
    %swap3A_359 = vector.shape_cast %swap3A_358 : vector<1x16xi32> to vector<16xi32>
    %swap3A_360 = vector.shape_cast %add3A_354 : vector<16xi32> to vector<1x16xi32>
    tpu.vector_store %arg8[%swap3A_356, %swap3A_357], %swap3A_360 {strides = array<i32>} : memref<4x128xi32, #tpu.memory_space<vmem>>, vector<1x16xi32>,
    %get3A_361 = arith.constant 352 : index
    %get3A_362 = tpu.vector_load %arg6[%get3A_361] {strides = array<i32>} : memref<512xi32, #tpu.memory_space<vmem>>, vector<16xi32>,
    %get3A_363 = vector.shape_cast %get3A_362 : vector<16xi32> to vector<16xi32>
    %add3A_364 = arith.constant 352 : i32
    %add3A_365 = arith.addi %mul3A_2, %add3A_364 : i32
    %mul3A_366 = arith.constant 1000 : i32
    %mul3A_367 = arith.muli %add3A_365, %mul3A_366 : i32
    %add3A_368 = vector.broadcast %mul3A_367 : i32 to vector<16xi32>
    %add3A_369 = arith.addi %add3A_368, %mul3A_9 : vector<16xi32>
    %add3A_370 = arith.addi %add3A_369, %get3A_363 : vector<16xi32>
    %swap3A_371 = arith.constant 2 : i32
    %swap3A_372 = arith.index_cast %swap3A_371 : i32 to index
    %swap3A_373 = arith.constant 96 : index
    %swap3A_374 = tpu.vector_load %arg8[%swap3A_372, %swap3A_373] {strides = array<i32>} : memref<4x128xi32, #tpu.memory_space<vmem>>, vector<1x16xi32>,
    %swap3A_375 = vector.shape_cast %swap3A_374 : vector<1x16xi32> to vector<16xi32>
    %swap3A_376 = vector.shape_cast %add3A_370 : vector<16xi32> to vector<1x16xi32>
    tpu.vector_store %arg8[%swap3A_372, %swap3A_373], %swap3A_376 {strides = array<i32>} : memref<4x128xi32, #tpu.memory_space<vmem>>, vector<1x16xi32>,
    %get3A_377 = arith.constant 368 : index
    %get3A_378 = tpu.vector_load %arg6[%get3A_377] {strides = array<i32>} : memref<512xi32, #tpu.memory_space<vmem>>, vector<16xi32>,
    %get3A_379 = vector.shape_cast %get3A_378 : vector<16xi32> to vector<16xi32>
    %add3A_380 = arith.constant 368 : i32
    %add3A_381 = arith.addi %mul3A_2, %add3A_380 : i32
    %mul3A_382 = arith.constant 1000 : i32
    %mul3A_383 = arith.muli %add3A_381, %mul3A_382 : i32
    %add3A_384 = vector.broadcast %mul3A_383 : i32 to vector<16xi32>
    %add3A_385 = arith.addi %add3A_384, %mul3A_9 : vector<16xi32>
    %add3A_386 = arith.addi %add3A_385, %get3A_379 : vector<16xi32>
    %swap3A_387 = arith.constant 2 : i32
    %swap3A_388 = arith.index_cast %swap3A_387 : i32 to index
    %swap3A_389 = arith.constant 112 : index
    %swap3A_390 = tpu.vector_load %arg8[%swap3A_388, %swap3A_389] {strides = array<i32>} : memref<4x128xi32, #tpu.memory_space<vmem>>, vector<1x16xi32>,
    %swap3A_391 = vector.shape_cast %swap3A_390 : vector<1x16xi32> to vector<16xi32>
    %swap3A_392 = vector.shape_cast %add3A_386 : vector<16xi32> to vector<1x16xi32>
    tpu.vector_store %arg8[%swap3A_388, %swap3A_389], %swap3A_392 {strides = array<i32>} : memref<4x128xi32, #tpu.memory_space<vmem>>, vector<1x16xi32>,
    %get3A_393 = arith.constant 384 : index
    %get3A_394 = tpu.vector_load %arg6[%get3A_393] {strides = array<i32>} : memref<512xi32, #tpu.memory_space<vmem>>, vector<16xi32>,
    %get3A_395 = vector.shape_cast %get3A_394 : vector<16xi32> to vector<16xi32>
    %add3A_396 = arith.constant 384 : i32
    %add3A_397 = arith.addi %mul3A_2, %add3A_396 : i32
    %mul3A_398 = arith.constant 1000 : i32
    %mul3A_399 = arith.muli %add3A_397, %mul3A_398 : i32
    %add3A_400 = vector.broadcast %mul3A_399 : i32 to vector<16xi32>
    %add3A_401 = arith.addi %add3A_400, %mul3A_9 : vector<16xi32>
    %add3A_402 = arith.addi %add3A_401, %get3A_395 : vector<16xi32>
    %swap3A_403 = arith.constant 3 : i32
    %swap3A_404 = arith.index_cast %swap3A_403 : i32 to index
    %swap3A_405 = arith.constant 0 : index
    %swap3A_406 = tpu.vector_load %arg8[%swap3A_404, %swap3A_405] {strides = array<i32>} : memref<4x128xi32, #tpu.memory_space<vmem>>, vector<1x16xi32>,
    %swap3A_407 = vector.shape_cast %swap3A_406 : vector<1x16xi32> to vector<16xi32>
    %swap3A_408 = vector.shape_cast %add3A_402 : vector<16xi32> to vector<1x16xi32>
    tpu.vector_store %arg8[%swap3A_404, %swap3A_405], %swap3A_408 {strides = array<i32>} : memref<4x128xi32, #tpu.memory_space<vmem>>, vector<1x16xi32>,
    %get3A_409 = arith.constant 400 : index
    %get3A_410 = tpu.vector_load %arg6[%get3A_409] {strides = array<i32>} : memref<512xi32, #tpu.memory_space<vmem>>, vector<16xi32>,
    %get3A_411 = vector.shape_cast %get3A_410 : vector<16xi32> to vector<16xi32>
    %add3A_412 = arith.constant 400 : i32
    %add3A_413 = arith.addi %mul3A_2, %add3A_412 : i32
    %mul3A_414 = arith.constant 1000 : i32
    %mul3A_415 = arith.muli %add3A_413, %mul3A_414 : i32
    %add3A_416 = vector.broadcast %mul3A_415 : i32 to vector<16xi32>
    %add3A_417 = arith.addi %add3A_416, %mul3A_9 : vector<16xi32>
    %add3A_418 = arith.addi %add3A_417, %get3A_411 : vector<16xi32>
    %swap3A_419 = arith.constant 3 : i32
    %swap3A_420 = arith.index_cast %swap3A_419 : i32 to index
    %swap3A_421 = arith.constant 16 : index
    %swap3A_422 = tpu.vector_load %arg8[%swap3A_420, %swap3A_421] {strides = array<i32>} : memref<4x128xi32, #tpu.memory_space<vmem>>, vector<1x16xi32>,
    %swap3A_423 = vector.shape_cast %swap3A_422 : vector<1x16xi32> to vector<16xi32>
    %swap3A_424 = vector.shape_cast %add3A_418 : vector<16xi32> to vector<1x16xi32>
    tpu.vector_store %arg8[%swap3A_420, %swap3A_421], %swap3A_424 {strides = array<i32>} : memref<4x128xi32, #tpu.memory_space<vmem>>, vector<1x16xi32>,
    %get3A_425 = arith.constant 416 : index
    %get3A_426 = tpu.vector_load %arg6[%get3A_425] {strides = array<i32>} : memref<512xi32, #tpu.memory_space<vmem>>, vector<16xi32>,
    %get3A_427 = vector.shape_cast %get3A_426 : vector<16xi32> to vector<16xi32>
    %add3A_428 = arith.constant 416 : i32
    %add3A_429 = arith.addi %mul3A_2, %add3A_428 : i32
    %mul3A_430 = arith.constant 1000 : i32
    %mul3A_431 = arith.muli %add3A_429, %mul3A_430 : i32
    %add3A_432 = vector.broadcast %mul3A_431 : i32 to vector<16xi32>
    %add3A_433 = arith.addi %add3A_432, %mul3A_9 : vector<16xi32>
    %add3A_434 = arith.addi %add3A_433, %get3A_427 : vector<16xi32>
    %swap3A_435 = arith.constant 3 : i32
    %swap3A_436 = arith.index_cast %swap3A_435 : i32 to index
    %swap3A_437 = arith.constant 32 : index
    %swap3A_438 = tpu.vector_load %arg8[%swap3A_436, %swap3A_437] {strides = array<i32>} : memref<4x128xi32, #tpu.memory_space<vmem>>, vector<1x16xi32>,
    %swap3A_439 = vector.shape_cast %swap3A_438 : vector<1x16xi32> to vector<16xi32>
    %swap3A_440 = vector.shape_cast %add3A_434 : vector<16xi32> to vector<1x16xi32>
    tpu.vector_store %arg8[%swap3A_436, %swap3A_437], %swap3A_440 {strides = array<i32>} : memref<4x128xi32, #tpu.memory_space<vmem>>, vector<1x16xi32>,
    %get3A_441 = arith.constant 432 : index
    %get3A_442 = tpu.vector_load %arg6[%get3A_441] {strides = array<i32>} : memref<512xi32, #tpu.memory_space<vmem>>, vector<16xi32>,
    %get3A_443 = vector.shape_cast %get3A_442 : vector<16xi32> to vector<16xi32>
    %add3A_444 = arith.constant 432 : i32
    %add3A_445 = arith.addi %mul3A_2, %add3A_444 : i32
    %mul3A_446 = arith.constant 1000 : i32
    %mul3A_447 = arith.muli %add3A_445, %mul3A_446 : i32
    %add3A_448 = vector.broadcast %mul3A_447 : i32 to vector<16xi32>
    %add3A_449 = arith.addi %add3A_448, %mul3A_9 : vector<16xi32>
    %add3A_450 = arith.addi %add3A_449, %get3A_443 : vector<16xi32>
    %swap3A_451 = arith.constant 3 : i32
    %swap3A_452 = arith.index_cast %swap3A_451 : i32 to index
    %swap3A_453 = arith.constant 48 : index
    %swap3A_454 = tpu.vector_load %arg8[%swap3A_452, %swap3A_453] {strides = array<i32>} : memref<4x128xi32, #tpu.memory_space<vmem>>, vector<1x16xi32>,
    %swap3A_455 = vector.shape_cast %swap3A_454 : vector<1x16xi32> to vector<16xi32>
    %swap3A_456 = vector.shape_cast %add3A_450 : vector<16xi32> to vector<1x16xi32>
    tpu.vector_store %arg8[%swap3A_452, %swap3A_453], %swap3A_456 {strides = array<i32>} : memref<4x128xi32, #tpu.memory_space<vmem>>, vector<1x16xi32>,
    %get3A_457 = arith.constant 448 : index
    %get3A_458 = tpu.vector_load %arg6[%get3A_457] {strides = array<i32>} : memref<512xi32, #tpu.memory_space<vmem>>, vector<16xi32>,
    %get3A_459 = vector.shape_cast %get3A_458 : vector<16xi32> to vector<16xi32>
    %add3A_460 = arith.constant 448 : i32
    %add3A_461 = arith.addi %mul3A_2, %add3A_460 : i32
    %mul3A_462 = arith.constant 1000 : i32
    %mul3A_463 = arith.muli %add3A_461, %mul3A_462 : i32
    %add3A_464 = vector.broadcast %mul3A_463 : i32 to vector<16xi32>
    %add3A_465 = arith.addi %add3A_464, %mul3A_9 : vector<16xi32>
    %add3A_466 = arith.addi %add3A_465, %get3A_459 : vector<16xi32>
    %swap3A_467 = arith.constant 3 : i32
    %swap3A_468 = arith.index_cast %swap3A_467 : i32 to index
    %swap3A_469 = arith.constant 64 : index
    %swap3A_470 = tpu.vector_load %arg8[%swap3A_468, %swap3A_469] {strides = array<i32>} : memref<4x128xi32, #tpu.memory_space<vmem>>, vector<1x16xi32>,
    %swap3A_471 = vector.shape_cast %swap3A_470 : vector<1x16xi32> to vector<16xi32>
    %swap3A_472 = vector.shape_cast %add3A_466 : vector<16xi32> to vector<1x16xi32>
    tpu.vector_store %arg8[%swap3A_468, %swap3A_469], %swap3A_472 {strides = array<i32>} : memref<4x128xi32, #tpu.memory_space<vmem>>, vector<1x16xi32>,
    %get3A_473 = arith.constant 464 : index
    %get3A_474 = tpu.vector_load %arg6[%get3A_473] {strides = array<i32>} : memref<512xi32, #tpu.memory_space<vmem>>, vector<16xi32>,
    %get3A_475 = vector.shape_cast %get3A_474 : vector<16xi32> to vector<16xi32>
    %add3A_476 = arith.constant 464 : i32
    %add3A_477 = arith.addi %mul3A_2, %add3A_476 : i32
    %mul3A_478 = arith.constant 1000 : i32
    %mul3A_479 = arith.muli %add3A_477, %mul3A_478 : i32
    %add3A_480 = vector.broadcast %mul3A_479 : i32 to vector<16xi32>
    %add3A_481 = arith.addi %add3A_480, %mul3A_9 : vector<16xi32>
    %add3A_482 = arith.addi %add3A_481, %get3A_475 : vector<16xi32>
    %swap3A_483 = arith.constant 3 : i32
    %swap3A_484 = arith.index_cast %swap3A_483 : i32 to index
    %swap3A_485 = arith.constant 80 : index
    %swap3A_486 = tpu.vector_load %arg8[%swap3A_484, %swap3A_485] {strides = array<i32>} : memref<4x128xi32, #tpu.memory_space<vmem>>, vector<1x16xi32>,
    %swap3A_487 = vector.shape_cast %swap3A_486 : vector<1x16xi32> to vector<16xi32>
    %swap3A_488 = vector.shape_cast %add3A_482 : vector<16xi32> to vector<1x16xi32>
    tpu.vector_store %arg8[%swap3A_484, %swap3A_485], %swap3A_488 {strides = array<i32>} : memref<4x128xi32, #tpu.memory_space<vmem>>, vector<1x16xi32>,
    %get3A_489 = arith.constant 480 : index
    %get3A_490 = tpu.vector_load %arg6[%get3A_489] {strides = array<i32>} : memref<512xi32, #tpu.memory_space<vmem>>, vector<16xi32>,
    %get3A_491 = vector.shape_cast %get3A_490 : vector<16xi32> to vector<16xi32>
    %add3A_492 = arith.constant 480 : i32
    %add3A_493 = arith.addi %mul3A_2, %add3A_492 : i32
    %mul3A_494 = arith.constant 1000 : i32
    %mul3A_495 = arith.muli %add3A_493, %mul3A_494 : i32
    %add3A_496 = vector.broadcast %mul3A_495 : i32 to vector<16xi32>
    %add3A_497 = arith.addi %add3A_496, %mul3A_9 : vector<16xi32>
    %add3A_498 = arith.addi %add3A_497, %get3A_491 : vector<16xi32>
    %swap3A_499 = arith.constant 3 : i32
    %swap3A_500 = arith.index_cast %swap3A_499 : i32 to index
    %swap3A_501 = arith.constant 96 : index
    %swap3A_502 = tpu.vector_load %arg8[%swap3A_500, %swap3A_501] {strides = array<i32>} : memref<4x128xi32, #tpu.memory_space<vmem>>, vector<1x16xi32>,
    %swap3A_503 = vector.shape_cast %swap3A_502 : vector<1x16xi32> to vector<16xi32>
    %swap3A_504 = vector.shape_cast %add3A_498 : vector<16xi32> to vector<1x16xi32>
    tpu.vector_store %arg8[%swap3A_500, %swap3A_501], %swap3A_504 {strides = array<i32>} : memref<4x128xi32, #tpu.memory_space<vmem>>, vector<1x16xi32>,
    %get3A_505 = arith.constant 496 : index
    %get3A_506 = tpu.vector_load %arg6[%get3A_505] {strides = array<i32>} : memref<512xi32, #tpu.memory_space<vmem>>, vector<16xi32>,
    %get3A_507 = vector.shape_cast %get3A_506 : vector<16xi32> to vector<16xi32>
    %add3A_508 = arith.constant 496 : i32
    %add3A_509 = arith.addi %mul3A_2, %add3A_508 : i32
    %mul3A_510 = arith.constant 1000 : i32
    %mul3A_511 = arith.muli %add3A_509, %mul3A_510 : i32
    %add3A_512 = vector.broadcast %mul3A_511 : i32 to vector<16xi32>
    %add3A_513 = arith.addi %add3A_512, %mul3A_9 : vector<16xi32>
    %add3A_514 = arith.addi %add3A_513, %get3A_507 : vector<16xi32>
    %swap3A_515 = arith.constant 3 : i32
    %swap3A_516 = arith.index_cast %swap3A_515 : i32 to index
    %swap3A_517 = arith.constant 112 : index
    %swap3A_518 = tpu.vector_load %arg8[%swap3A_516, %swap3A_517] {strides = array<i32>} : memref<4x128xi32, #tpu.memory_space<vmem>>, vector<1x16xi32>,
    %swap3A_519 = vector.shape_cast %swap3A_518 : vector<1x16xi32> to vector<16xi32>
    %swap3A_520 = vector.shape_cast %add3A_514 : vector<16xi32> to vector<1x16xi32>
    tpu.vector_store %arg8[%swap3A_516, %swap3A_517], %swap3A_520 {strides = array<i32>} : memref<4x128xi32, #tpu.memory_space<vmem>>, vector<1x16xi32>,
    %dma_start3A = arith.constant 0 : i32
    %dma_start3A_521 = arith.constant 0 : i32
    %dma_start3A_522 = arith.constant 0 : i32
    %dma_start3A_523 = tpu.memref_slice %arg9[%dma_start3A_521, %dma_start3A_522] : memref<4x128xf32, #tpu.memory_space<vmem>> -> memref<1x128xf32, #tpu.memory_space<vmem>>
    %dma_start3A_524 = tpu.memref_squeeze %dma_start3A_523 : memref<1x128xf32, #tpu.memory_space<vmem>> -> memref<128xf32, #tpu.memory_space<vmem>>
    %dma_start3A_525 = arith.constant 0 : i32
    %dma_start3A_526 = tpu.memref_slice %arg8[%dma_start3A, %dma_start3A_525] : memref<4x128xi32, #tpu.memory_space<vmem>> -> memref<1x128xi32, #tpu.memory_space<vmem>>
    %dma_start3A_527 = tpu.memref_squeeze %dma_start3A_526 : memref<1x128xi32, #tpu.memory_space<vmem>> -> memref<128xi32, #tpu.memory_space<vmem>>
    %dma_start3A_528 = arith.constant 0 : i32
    %dma_start3A_529 = tpu.memref_slice %arg2[%dma_start3A_528] : memref<16384000xf32, #tpu.memory_space<hbm>> -> memref<16384000xf32, #tpu.memory_space<hbm>>
    tpu.enqueue_indirect_dma source(%dma_start3A_529 : memref<16384000xf32, #tpu.memory_space<hbm>>) target(%dma_start3A_524 : memref<128xf32, #tpu.memory_space<vmem>>) offsets(%dma_start3A_527 : memref<128xi32, #tpu.memory_space<vmem>>) semaphore(%arg12 : memref<!tpu.dma_semaphore, #tpu.memory_space<semaphore_mem>>)
    %dma_start3A_530 = arith.constant 1 : i32
    %dma_start3A_531 = arith.constant 1 : i32
    %dma_start3A_532 = arith.constant 0 : i32
    %dma_start3A_533 = tpu.memref_slice %arg9[%dma_start3A_531, %dma_start3A_532] : memref<4x128xf32, #tpu.memory_space<vmem>> -> memref<1x128xf32, #tpu.memory_space<vmem>>
    %dma_start3A_534 = tpu.memref_squeeze %dma_start3A_533 : memref<1x128xf32, #tpu.memory_space<vmem>> -> memref<128xf32, #tpu.memory_space<vmem>>
    %dma_start3A_535 = arith.constant 0 : i32
    %dma_start3A_536 = tpu.memref_slice %arg8[%dma_start3A_530, %dma_start3A_535] : memref<4x128xi32, #tpu.memory_space<vmem>> -> memref<1x128xi32, #tpu.memory_space<vmem>>
    %dma_start3A_537 = tpu.memref_squeeze %dma_start3A_536 : memref<1x128xi32, #tpu.memory_space<vmem>> -> memref<128xi32, #tpu.memory_space<vmem>>
    %dma_start3A_538 = arith.constant 0 : i32
    %dma_start3A_539 = tpu.memref_slice %arg2[%dma_start3A_538] : memref<16384000xf32, #tpu.memory_space<hbm>> -> memref<16384000xf32, #tpu.memory_space<hbm>>
    tpu.enqueue_indirect_dma source(%dma_start3A_539 : memref<16384000xf32, #tpu.memory_space<hbm>>) target(%dma_start3A_534 : memref<128xf32, #tpu.memory_space<vmem>>) offsets(%dma_start3A_537 : memref<128xi32, #tpu.memory_space<vmem>>) semaphore(%arg12 : memref<!tpu.dma_semaphore, #tpu.memory_space<semaphore_mem>>)
    %dma_start3A_540 = arith.constant 2 : i32
    %dma_start3A_541 = arith.constant 2 : i32
    %dma_start3A_542 = arith.constant 0 : i32
    %dma_start3A_543 = tpu.memref_slice %arg9[%dma_start3A_541, %dma_start3A_542] : memref<4x128xf32, #tpu.memory_space<vmem>> -> memref<1x128xf32, #tpu.memory_space<vmem>>
    %dma_start3A_544 = tpu.memref_squeeze %dma_start3A_543 : memref<1x128xf32, #tpu.memory_space<vmem>> -> memref<128xf32, #tpu.memory_space<vmem>>
    %dma_start3A_545 = arith.constant 0 : i32
    %dma_start3A_546 = tpu.memref_slice %arg8[%dma_start3A_540, %dma_start3A_545] : memref<4x128xi32, #tpu.memory_space<vmem>> -> memref<1x128xi32, #tpu.memory_space<vmem>>
    %dma_start3A_547 = tpu.memref_squeeze %dma_start3A_546 : memref<1x128xi32, #tpu.memory_space<vmem>> -> memref<128xi32, #tpu.memory_space<vmem>>
    %dma_start3A_548 = arith.constant 0 : i32
    %dma_start3A_549 = tpu.memref_slice %arg2[%dma_start3A_548] : memref<16384000xf32, #tpu.memory_space<hbm>> -> memref<16384000xf32, #tpu.memory_space<hbm>>
    tpu.enqueue_indirect_dma source(%dma_start3A_549 : memref<16384000xf32, #tpu.memory_space<hbm>>) target(%dma_start3A_544 : memref<128xf32, #tpu.memory_space<vmem>>) offsets(%dma_start3A_547 : memref<128xi32, #tpu.memory_space<vmem>>) semaphore(%arg12 : memref<!tpu.dma_semaphore, #tpu.memory_space<semaphore_mem>>)
    %dma_start3A_550 = arith.constant 3 : i32
    %dma_start3A_551 = arith.constant 3 : i32
    %dma_start3A_552 = arith.constant 0 : i32
    %dma_start3A_553 = tpu.memref_slice %arg9[%dma_start3A_551, %dma_start3A_552] : memref<4x128xf32, #tpu.memory_space<vmem>> -> memref<1x128xf32, #tpu.memory_space<vmem>>
    %dma_start3A_554 = tpu.memref_squeeze %dma_start3A_553 : memref<1x128xf32, #tpu.memory_space<vmem>> -> memref<128xf32, #tpu.memory_space<vmem>>
    %dma_start3A_555 = arith.constant 0 : i32
    %dma_start3A_556 = tpu.memref_slice %arg8[%dma_start3A_550, %dma_start3A_555] : memref<4x128xi32, #tpu.memory_space<vmem>> -> memref<1x128xi32, #tpu.memory_space<vmem>>
    %dma_start3A_557 = tpu.memref_squeeze %dma_start3A_556 : memref<1x128xi32, #tpu.memory_space<vmem>> -> memref<128xi32, #tpu.memory_space<vmem>>
    %dma_start3A_558 = arith.constant 0 : i32
    %dma_start3A_559 = tpu.memref_slice %arg2[%dma_start3A_558] : memref<16384000xf32, #tpu.memory_space<hbm>> -> memref<16384000xf32, #tpu.memory_space<hbm>>
    tpu.enqueue_indirect_dma source(%dma_start3A_559 : memref<16384000xf32, #tpu.memory_space<hbm>>) target(%dma_start3A_554 : memref<128xf32, #tpu.memory_space<vmem>>) offsets(%dma_start3A_557 : memref<128xi32, #tpu.memory_space<vmem>>) semaphore(%arg12 : memref<!tpu.dma_semaphore, #tpu.memory_space<semaphore_mem>>)
    %dma_wait3A = arith.constant 0 : i32
    %dma_wait3A_560 = arith.constant 0 : i32
    %dma_wait3A_561 = arith.constant 0 : i32
    %dma_wait3A_562 = tpu.memref_slice %arg9[%dma_wait3A_560, %dma_wait3A_561] : memref<4x128xf32, #tpu.memory_space<vmem>> -> memref<1x128xf32, #tpu.memory_space<vmem>>
    %dma_wait3A_563 = tpu.memref_squeeze %dma_wait3A_562 : memref<1x128xf32, #tpu.memory_space<vmem>> -> memref<128xf32, #tpu.memory_space<vmem>>
    %dma_wait3A_564 = arith.constant 0 : i32
    %dma_wait3A_565 = tpu.memref_slice %arg8[%dma_wait3A, %dma_wait3A_564] : memref<4x128xi32, #tpu.memory_space<vmem>> -> memref<1x128xi32, #tpu.memory_space<vmem>>
    %dma_wait3A_566 = tpu.memref_squeeze %dma_wait3A_565 : memref<1x128xi32, #tpu.memory_space<vmem>> -> memref<128xi32, #tpu.memory_space<vmem>>
    %dma_wait3A_567 = arith.constant 0 : i32
    %dma_wait3A_568 = tpu.memref_slice %arg2[%dma_wait3A_567] : memref<16384000xf32, #tpu.memory_space<hbm>> -> memref<16384000xf32, #tpu.memory_space<hbm>>
    tpu.wait_indirect_dma semaphore(%arg12 : memref<!tpu.dma_semaphore, #tpu.memory_space<semaphore_mem>>) src(%dma_wait3A_568 : memref<16384000xf32, #tpu.memory_space<hbm>>) dst(%dma_wait3A_563 : memref<128xf32, #tpu.memory_space<vmem>>)
    %dma_wait3A_569 = arith.constant 1 : i32
    %dma_wait3A_570 = arith.constant 1 : i32
    %dma_wait3A_571 = arith.constant 0 : i32
    %dma_wait3A_572 = tpu.memref_slice %arg9[%dma_wait3A_570, %dma_wait3A_571] : memref<4x128xf32, #tpu.memory_space<vmem>> -> memref<1x128xf32, #tpu.memory_space<vmem>>
    %dma_wait3A_573 = tpu.memref_squeeze %dma_wait3A_572 : memref<1x128xf32, #tpu.memory_space<vmem>> -> memref<128xf32, #tpu.memory_space<vmem>>
    %dma_wait3A_574 = arith.constant 0 : i32
    %dma_wait3A_575 = tpu.memref_slice %arg8[%dma_wait3A_569, %dma_wait3A_574] : memref<4x128xi32, #tpu.memory_space<vmem>> -> memref<1x128xi32, #tpu.memory_space<vmem>>
    %dma_wait3A_576 = tpu.memref_squeeze %dma_wait3A_575 : memref<1x128xi32, #tpu.memory_space<vmem>> -> memref<128xi32, #tpu.memory_space<vmem>>
    %dma_wait3A_577 = arith.constant 0 : i32
    %dma_wait3A_578 = tpu.memref_slice %arg2[%dma_wait3A_577] : memref<16384000xf32, #tpu.memory_space<hbm>> -> memref<16384000xf32, #tpu.memory_space<hbm>>
    tpu.wait_indirect_dma semaphore(%arg12 : memref<!tpu.dma_semaphore, #tpu.memory_space<semaphore_mem>>) src(%dma_wait3A_578 : memref<16384000xf32, #tpu.memory_space<hbm>>) dst(%dma_wait3A_573 : memref<128xf32, #tpu.memory_space<vmem>>)
    %dma_wait3A_579 = arith.constant 2 : i32
    %dma_wait3A_580 = arith.constant 2 : i32
    %dma_wait3A_581 = arith.constant 0 : i32
    %dma_wait3A_582 = tpu.memref_slice %arg9[%dma_wait3A_580, %dma_wait3A_581] : memref<4x128xf32, #tpu.memory_space<vmem>> -> memref<1x128xf32, #tpu.memory_space<vmem>>
    %dma_wait3A_583 = tpu.memref_squeeze %dma_wait3A_582 : memref<1x128xf32, #tpu.memory_space<vmem>> -> memref<128xf32, #tpu.memory_space<vmem>>
    %dma_wait3A_584 = arith.constant 0 : i32
    %dma_wait3A_585 = tpu.memref_slice %arg8[%dma_wait3A_579, %dma_wait3A_584] : memref<4x128xi32, #tpu.memory_space<vmem>> -> memref<1x128xi32, #tpu.memory_space<vmem>>
    %dma_wait3A_586 = tpu.memref_squeeze %dma_wait3A_585 : memref<1x128xi32, #tpu.memory_space<vmem>> -> memref<128xi32, #tpu.memory_space<vmem>>
    %dma_wait3A_587 = arith.constant 0 : i32
    %dma_wait3A_588 = tpu.memref_slice %arg2[%dma_wait3A_587] : memref<16384000xf32, #tpu.memory_space<hbm>> -> memref<16384000xf32, #tpu.memory_space<hbm>>
    tpu.wait_indirect_dma semaphore(%arg12 : memref<!tpu.dma_semaphore, #tpu.memory_space<semaphore_mem>>) src(%dma_wait3A_588 : memref<16384000xf32, #tpu.memory_space<hbm>>) dst(%dma_wait3A_583 : memref<128xf32, #tpu.memory_space<vmem>>)
    %dma_wait3A_589 = arith.constant 3 : i32
    %dma_wait3A_590 = arith.constant 3 : i32
    %dma_wait3A_591 = arith.constant 0 : i32
    %dma_wait3A_592 = tpu.memref_slice %arg9[%dma_wait3A_590, %dma_wait3A_591] : memref<4x128xf32, #tpu.memory_space<vmem>> -> memref<1x128xf32, #tpu.memory_space<vmem>>
    %dma_wait3A_593 = tpu.memref_squeeze %dma_wait3A_592 : memref<1x128xf32, #tpu.memory_space<vmem>> -> memref<128xf32, #tpu.memory_space<vmem>>
    %dma_wait3A_594 = arith.constant 0 : i32
    %dma_wait3A_595 = tpu.memref_slice %arg8[%dma_wait3A_589, %dma_wait3A_594] : memref<4x128xi32, #tpu.memory_space<vmem>> -> memref<1x128xi32, #tpu.memory_space<vmem>>
    %dma_wait3A_596 = tpu.memref_squeeze %dma_wait3A_595 : memref<1x128xi32, #tpu.memory_space<vmem>> -> memref<128xi32, #tpu.memory_space<vmem>>
    %dma_wait3A_597 = arith.constant 0 : i32
    %dma_wait3A_598 = tpu.memref_slice %arg2[%dma_wait3A_597] : memref<16384000xf32, #tpu.memory_space<hbm>> -> memref<16384000xf32, #tpu.memory_space<hbm>>
    tpu.wait_indirect_dma semaphore(%arg12 : memref<!tpu.dma_semaphore, #tpu.memory_space<semaphore_mem>>) src(%dma_wait3A_598 : memref<16384000xf32, #tpu.memory_space<hbm>>) dst(%dma_wait3A_593 : memref<128xf32, #tpu.memory_space<vmem>>)
    %broadcast_in_dim3A_599 = arith.constant 0.000000e+00 : f32
    %broadcast_in_dim3A_600 = vector.broadcast %broadcast_in_dim3A_599 : f32 to vector<16xf32>
    %get3A_601 = arith.constant 0 : i32
    %get3A_602 = arith.index_cast %get3A_601 : i32 to index
    %get3A_603 = arith.constant 0 : index
    %get3A_604 = tpu.vector_load %arg9[%get3A_602, %get3A_603] {strides = array<i32>} : memref<4x128xf32, #tpu.memory_space<vmem>>, vector<1x16xf32>,
    %get3A_605 = vector.shape_cast %get3A_604 : vector<1x16xf32> to vector<16xf32>
    %get3A_606 = arith.constant 0 : index
    %get3A_607 = tpu.vector_load %arg7[%get3A_606] {strides = array<i32>} : memref<512xf32, #tpu.memory_space<vmem>>, vector<16xf32>,
    %get3A_608 = vector.shape_cast %get3A_607 : vector<16xf32> to vector<16xf32>
    %sub3A = arith.subf %get3A_605, %get3A_608 : vector<16xf32>
    %exp3A = math.exp %sub3A : vector<16xf32>
    %mul3A_609 = arith.constant 1.500000e+01 : f32
    %mul3A_610 = vector.broadcast %mul3A_609 : f32 to vector<16xf32>
    %mul3A_611 = arith.mulf %exp3A, %mul3A_610 : vector<16xf32>
    %convert_element_type3A = arith.fptosi %mul3A_611 : vector<16xf32> to vector<16xi32>
    %jit3A = arith.constant 0 : i32
    %jit3A_612 = arith.constant 14 : i32
    %max3A = vector.broadcast %jit3A : i32 to vector<16xi32>
    %max3A_613 = arith.maxsi %max3A, %convert_element_type3A : vector<16xi32>
    %min3A = vector.broadcast %jit3A_612 : i32 to vector<16xi32>
    %min3A_614 = arith.minsi %min3A, %max3A_613 : vector<16xi32>
    %ge3A = arith.constant 0 : i32
    %ge3A_615 = vector.broadcast %ge3A : i32 to vector<16xi32>
    %ge3A_616 = arith.cmpi sge, %min3A_614, %ge3A_615 : vector<16xi32>
    %jit3A_617 = arith.constant 1.000000e+00 : f32
    %jit3A_618 = arith.constant 1.000000e+00 : f32
    %broadcast_in_dim3A_619 = vector.broadcast %jit3A_617 : f32 to vector<16xf32>
    %broadcast_in_dim3A_620 = vector.broadcast %jit3A_618 : f32 to vector<16xf32>
    %select_n3A = arith.select %ge3A_616, %broadcast_in_dim3A_619, %broadcast_in_dim3A_620 : vector<16xi1>, vector<16xf32>
    %sign3A = tpu.bitcast %select_n3A : vector<16xf32> -> vector<16xi32>
    %sign3A_621 = arith.constant -2147483648 : i32
    %sign3A_622 = vector.broadcast %sign3A_621 : i32 to vector<16xi32>
    %sign3A_623 = arith.andi %sign3A, %sign3A_622 : vector<16xi32>
    %sign3A_624 = arith.constant 1065353216 : i32
    %sign3A_625 = vector.broadcast %sign3A_624 : i32 to vector<16xi32>
    %sign3A_626 = arith.ori %sign3A_625, %sign3A_623 : vector<16xi32>
    %sign3A_627 = tpu.bitcast %sign3A_626 : vector<16xi32> -> vector<16xf32>
    %sign3A_628 = math.absf %select_n3A : vector<16xf32>
    %sign3A_629 = arith.constant 0.000000e+00 : f32
    %sign3A_630 = vector.broadcast %sign3A_629 : f32 to vector<16xf32>
    %sign3A_631 = arith.cmpf ogt, %sign3A_628, %sign3A_630 : vector<16xf32>
    %sign3A_632 = arith.select %sign3A_631, %sign3A_627, %select_n3A : vector<16xi1>, vector<16xf32>
    %mul3A_633 = arith.mulf %sign3A_632, %exp3A : vector<16xf32>
    %sub3A_634 = arith.constant 1.000000e+00 : f32
    %sub3A_635 = vector.broadcast %sub3A_634 : f32 to vector<16xf32>
    %sub3A_636 = arith.subf %sub3A_635, %mul3A_633 : vector<16xf32>
    %add3A_637 = arith.constant 9.99999968E-21 : f32
    %add3A_638 = vector.broadcast %add3A_637 : f32 to vector<16xf32>
    %add3A_639 = arith.addf %sub3A_636, %add3A_638 : vector<16xf32>
    %mul3A_640 = arith.constant -1.000000e+00 : f32
    %mul3A_641 = vector.broadcast %mul3A_640 : f32 to vector<16xf32>
    %mul3A_642 = arith.mulf %mul3A_641, %add3A_639 : vector<16xf32>
    %mul3A_643 = arith.mulf %mul3A_642, %sub3A : vector<16xf32>
    %add3A_644 = arith.addf %broadcast_in_dim3A_600, %mul3A_643 : vector<16xf32>
    %get3A_645 = arith.constant 0 : i32
    %get3A_646 = arith.index_cast %get3A_645 : i32 to index
    %get3A_647 = arith.constant 16 : index
    %get3A_648 = tpu.vector_load %arg9[%get3A_646, %get3A_647] {strides = array<i32>} : memref<4x128xf32, #tpu.memory_space<vmem>>, vector<1x16xf32>,
    %get3A_649 = vector.shape_cast %get3A_648 : vector<1x16xf32> to vector<16xf32>
    %get3A_650 = arith.constant 16 : index
    %get3A_651 = tpu.vector_load %arg7[%get3A_650] {strides = array<i32>} : memref<512xf32, #tpu.memory_space<vmem>>, vector<16xf32>,
    %get3A_652 = vector.shape_cast %get3A_651 : vector<16xf32> to vector<16xf32>
    %sub3A_653 = arith.subf %get3A_649, %get3A_652 : vector<16xf32>
    %exp3A_654 = math.exp %sub3A_653 : vector<16xf32>
    %mul3A_655 = arith.constant 1.500000e+01 : f32
    %mul3A_656 = vector.broadcast %mul3A_655 : f32 to vector<16xf32>
    %mul3A_657 = arith.mulf %exp3A_654, %mul3A_656 : vector<16xf32>
    %convert_element_type3A_658 = arith.fptosi %mul3A_657 : vector<16xf32> to vector<16xi32>
    %jit3A_659 = arith.constant 0 : i32
    %jit3A_660 = arith.constant 14 : i32
    %max3A_661 = vector.broadcast %jit3A_659 : i32 to vector<16xi32>
    %max3A_662 = arith.maxsi %max3A_661, %convert_element_type3A_658 : vector<16xi32>
    %min3A_663 = vector.broadcast %jit3A_660 : i32 to vector<16xi32>
    %min3A_664 = arith.minsi %min3A_663, %max3A_662 : vector<16xi32>
    %ge3A_665 = arith.constant 0 : i32
    %ge3A_666 = vector.broadcast %ge3A_665 : i32 to vector<16xi32>
    %ge3A_667 = arith.cmpi sge, %min3A_664, %ge3A_666 : vector<16xi32>
    %jit3A_668 = arith.constant 1.000000e+00 : f32
    %jit3A_669 = arith.constant 1.000000e+00 : f32
    %broadcast_in_dim3A_670 = vector.broadcast %jit3A_668 : f32 to vector<16xf32>
    %broadcast_in_dim3A_671 = vector.broadcast %jit3A_669 : f32 to vector<16xf32>
    %select_n3A_672 = arith.select %ge3A_667, %broadcast_in_dim3A_670, %broadcast_in_dim3A_671 : vector<16xi1>, vector<16xf32>
    %sign3A_673 = tpu.bitcast %select_n3A_672 : vector<16xf32> -> vector<16xi32>
    %sign3A_674 = arith.constant -2147483648 : i32
    %sign3A_675 = vector.broadcast %sign3A_674 : i32 to vector<16xi32>
    %sign3A_676 = arith.andi %sign3A_673, %sign3A_675 : vector<16xi32>
    %sign3A_677 = arith.constant 1065353216 : i32
    %sign3A_678 = vector.broadcast %sign3A_677 : i32 to vector<16xi32>
    %sign3A_679 = arith.ori %sign3A_678, %sign3A_676 : vector<16xi32>
    %sign3A_680 = tpu.bitcast %sign3A_679 : vector<16xi32> -> vector<16xf32>
    %sign3A_681 = math.absf %select_n3A_672 : vector<16xf32>
    %sign3A_682 = arith.constant 0.000000e+00 : f32
    %sign3A_683 = vector.broadcast %sign3A_682 : f32 to vector<16xf32>
    %sign3A_684 = arith.cmpf ogt, %sign3A_681, %sign3A_683 : vector<16xf32>
    %sign3A_685 = arith.select %sign3A_684, %sign3A_680, %select_n3A_672 : vector<16xi1>, vector<16xf32>
    %mul3A_686 = arith.mulf %sign3A_685, %exp3A_654 : vector<16xf32>
    %sub3A_687 = arith.constant 1.000000e+00 : f32
    %sub3A_688 = vector.broadcast %sub3A_687 : f32 to vector<16xf32>
    %sub3A_689 = arith.subf %sub3A_688, %mul3A_686 : vector<16xf32>
    %add3A_690 = arith.constant 9.99999968E-21 : f32
    %add3A_691 = vector.broadcast %add3A_690 : f32 to vector<16xf32>
    %add3A_692 = arith.addf %sub3A_689, %add3A_691 : vector<16xf32>
    %mul3A_693 = arith.constant -1.000000e+00 : f32
    %mul3A_694 = vector.broadcast %mul3A_693 : f32 to vector<16xf32>
    %mul3A_695 = arith.mulf %mul3A_694, %add3A_692 : vector<16xf32>
    %mul3A_696 = arith.mulf %mul3A_695, %sub3A_653 : vector<16xf32>
    %add3A_697 = arith.addf %add3A_644, %mul3A_696 : vector<16xf32>
    %get3A_698 = arith.constant 0 : i32
    %get3A_699 = arith.index_cast %get3A_698 : i32 to index
    %get3A_700 = arith.constant 32 : index
    %get3A_701 = tpu.vector_load %arg9[%get3A_699, %get3A_700] {strides = array<i32>} : memref<4x128xf32, #tpu.memory_space<vmem>>, vector<1x16xf32>,
    %get3A_702 = vector.shape_cast %get3A_701 : vector<1x16xf32> to vector<16xf32>
    %get3A_703 = arith.constant 32 : index
    %get3A_704 = tpu.vector_load %arg7[%get3A_703] {strides = array<i32>} : memref<512xf32, #tpu.memory_space<vmem>>, vector<16xf32>,
    %get3A_705 = vector.shape_cast %get3A_704 : vector<16xf32> to vector<16xf32>
    %sub3A_706 = arith.subf %get3A_702, %get3A_705 : vector<16xf32>
    %exp3A_707 = math.exp %sub3A_706 : vector<16xf32>
    %mul3A_708 = arith.constant 1.500000e+01 : f32
    %mul3A_709 = vector.broadcast %mul3A_708 : f32 to vector<16xf32>
    %mul3A_710 = arith.mulf %exp3A_707, %mul3A_709 : vector<16xf32>
    %convert_element_type3A_711 = arith.fptosi %mul3A_710 : vector<16xf32> to vector<16xi32>
    %jit3A_712 = arith.constant 0 : i32
    %jit3A_713 = arith.constant 14 : i32
    %max3A_714 = vector.broadcast %jit3A_712 : i32 to vector<16xi32>
    %max3A_715 = arith.maxsi %max3A_714, %convert_element_type3A_711 : vector<16xi32>
    %min3A_716 = vector.broadcast %jit3A_713 : i32 to vector<16xi32>
    %min3A_717 = arith.minsi %min3A_716, %max3A_715 : vector<16xi32>
    %ge3A_718 = arith.constant 0 : i32
    %ge3A_719 = vector.broadcast %ge3A_718 : i32 to vector<16xi32>
    %ge3A_720 = arith.cmpi sge, %min3A_717, %ge3A_719 : vector<16xi32>
    %jit3A_721 = arith.constant 1.000000e+00 : f32
    %jit3A_722 = arith.constant 1.000000e+00 : f32
    %broadcast_in_dim3A_723 = vector.broadcast %jit3A_721 : f32 to vector<16xf32>
    %broadcast_in_dim3A_724 = vector.broadcast %jit3A_722 : f32 to vector<16xf32>
    %select_n3A_725 = arith.select %ge3A_720, %broadcast_in_dim3A_723, %broadcast_in_dim3A_724 : vector<16xi1>, vector<16xf32>
    %sign3A_726 = tpu.bitcast %select_n3A_725 : vector<16xf32> -> vector<16xi32>
    %sign3A_727 = arith.constant -2147483648 : i32
    %sign3A_728 = vector.broadcast %sign3A_727 : i32 to vector<16xi32>
    %sign3A_729 = arith.andi %sign3A_726, %sign3A_728 : vector<16xi32>
    %sign3A_730 = arith.constant 1065353216 : i32
    %sign3A_731 = vector.broadcast %sign3A_730 : i32 to vector<16xi32>
    %sign3A_732 = arith.ori %sign3A_731, %sign3A_729 : vector<16xi32>
    %sign3A_733 = tpu.bitcast %sign3A_732 : vector<16xi32> -> vector<16xf32>
    %sign3A_734 = math.absf %select_n3A_725 : vector<16xf32>
    %sign3A_735 = arith.constant 0.000000e+00 : f32
    %sign3A_736 = vector.broadcast %sign3A_735 : f32 to vector<16xf32>
    %sign3A_737 = arith.cmpf ogt, %sign3A_734, %sign3A_736 : vector<16xf32>
    %sign3A_738 = arith.select %sign3A_737, %sign3A_733, %select_n3A_725 : vector<16xi1>, vector<16xf32>
    %mul3A_739 = arith.mulf %sign3A_738, %exp3A_707 : vector<16xf32>
    %sub3A_740 = arith.constant 1.000000e+00 : f32
    %sub3A_741 = vector.broadcast %sub3A_740 : f32 to vector<16xf32>
    %sub3A_742 = arith.subf %sub3A_741, %mul3A_739 : vector<16xf32>
    %add3A_743 = arith.constant 9.99999968E-21 : f32
    %add3A_744 = vector.broadcast %add3A_743 : f32 to vector<16xf32>
    %add3A_745 = arith.addf %sub3A_742, %add3A_744 : vector<16xf32>
    %mul3A_746 = arith.constant -1.000000e+00 : f32
    %mul3A_747 = vector.broadcast %mul3A_746 : f32 to vector<16xf32>
    %mul3A_748 = arith.mulf %mul3A_747, %add3A_745 : vector<16xf32>
    %mul3A_749 = arith.mulf %mul3A_748, %sub3A_706 : vector<16xf32>
    %add3A_750 = arith.addf %add3A_697, %mul3A_749 : vector<16xf32>
    %get3A_751 = arith.constant 0 : i32
    %get3A_752 = arith.index_cast %get3A_751 : i32 to index
    %get3A_753 = arith.constant 48 : index
    %get3A_754 = tpu.vector_load %arg9[%get3A_752, %get3A_753] {strides = array<i32>} : memref<4x128xf32, #tpu.memory_space<vmem>>, vector<1x16xf32>,
    %get3A_755 = vector.shape_cast %get3A_754 : vector<1x16xf32> to vector<16xf32>
    %get3A_756 = arith.constant 48 : index
    %get3A_757 = tpu.vector_load %arg7[%get3A_756] {strides = array<i32>} : memref<512xf32, #tpu.memory_space<vmem>>, vector<16xf32>,
    %get3A_758 = vector.shape_cast %get3A_757 : vector<16xf32> to vector<16xf32>
    %sub3A_759 = arith.subf %get3A_755, %get3A_758 : vector<16xf32>
    %exp3A_760 = math.exp %sub3A_759 : vector<16xf32>
    %mul3A_761 = arith.constant 1.500000e+01 : f32
    %mul3A_762 = vector.broadcast %mul3A_761 : f32 to vector<16xf32>
    %mul3A_763 = arith.mulf %exp3A_760, %mul3A_762 : vector<16xf32>
    %convert_element_type3A_764 = arith.fptosi %mul3A_763 : vector<16xf32> to vector<16xi32>
    %jit3A_765 = arith.constant 0 : i32
    %jit3A_766 = arith.constant 14 : i32
    %max3A_767 = vector.broadcast %jit3A_765 : i32 to vector<16xi32>
    %max3A_768 = arith.maxsi %max3A_767, %convert_element_type3A_764 : vector<16xi32>
    %min3A_769 = vector.broadcast %jit3A_766 : i32 to vector<16xi32>
    %min3A_770 = arith.minsi %min3A_769, %max3A_768 : vector<16xi32>
    %ge3A_771 = arith.constant 0 : i32
    %ge3A_772 = vector.broadcast %ge3A_771 : i32 to vector<16xi32>
    %ge3A_773 = arith.cmpi sge, %min3A_770, %ge3A_772 : vector<16xi32>
    %jit3A_774 = arith.constant 1.000000e+00 : f32
    %jit3A_775 = arith.constant 1.000000e+00 : f32
    %broadcast_in_dim3A_776 = vector.broadcast %jit3A_774 : f32 to vector<16xf32>
    %broadcast_in_dim3A_777 = vector.broadcast %jit3A_775 : f32 to vector<16xf32>
    %select_n3A_778 = arith.select %ge3A_773, %broadcast_in_dim3A_776, %broadcast_in_dim3A_777 : vector<16xi1>, vector<16xf32>
    %sign3A_779 = tpu.bitcast %select_n3A_778 : vector<16xf32> -> vector<16xi32>
    %sign3A_780 = arith.constant -2147483648 : i32
    %sign3A_781 = vector.broadcast %sign3A_780 : i32 to vector<16xi32>
    %sign3A_782 = arith.andi %sign3A_779, %sign3A_781 : vector<16xi32>
    %sign3A_783 = arith.constant 1065353216 : i32
    %sign3A_784 = vector.broadcast %sign3A_783 : i32 to vector<16xi32>
    %sign3A_785 = arith.ori %sign3A_784, %sign3A_782 : vector<16xi32>
    %sign3A_786 = tpu.bitcast %sign3A_785 : vector<16xi32> -> vector<16xf32>
    %sign3A_787 = math.absf %select_n3A_778 : vector<16xf32>
    %sign3A_788 = arith.constant 0.000000e+00 : f32
    %sign3A_789 = vector.broadcast %sign3A_788 : f32 to vector<16xf32>
    %sign3A_790 = arith.cmpf ogt, %sign3A_787, %sign3A_789 : vector<16xf32>
    %sign3A_791 = arith.select %sign3A_790, %sign3A_786, %select_n3A_778 : vector<16xi1>, vector<16xf32>
    %mul3A_792 = arith.mulf %sign3A_791, %exp3A_760 : vector<16xf32>
    %sub3A_793 = arith.constant 1.000000e+00 : f32
    %sub3A_794 = vector.broadcast %sub3A_793 : f32 to vector<16xf32>
    %sub3A_795 = arith.subf %sub3A_794, %mul3A_792 : vector<16xf32>
    %add3A_796 = arith.constant 9.99999968E-21 : f32
    %add3A_797 = vector.broadcast %add3A_796 : f32 to vector<16xf32>
    %add3A_798 = arith.addf %sub3A_795, %add3A_797 : vector<16xf32>
    %mul3A_799 = arith.constant -1.000000e+00 : f32
    %mul3A_800 = vector.broadcast %mul3A_799 : f32 to vector<16xf32>
    %mul3A_801 = arith.mulf %mul3A_800, %add3A_798 : vector<16xf32>
    %mul3A_802 = arith.mulf %mul3A_801, %sub3A_759 : vector<16xf32>
    %add3A_803 = arith.addf %add3A_750, %mul3A_802 : vector<16xf32>
    %get3A_804 = arith.constant 0 : i32
    %get3A_805 = arith.index_cast %get3A_804 : i32 to index
    %get3A_806 = arith.constant 64 : index
    %get3A_807 = tpu.vector_load %arg9[%get3A_805, %get3A_806] {strides = array<i32>} : memref<4x128xf32, #tpu.memory_space<vmem>>, vector<1x16xf32>,
    %get3A_808 = vector.shape_cast %get3A_807 : vector<1x16xf32> to vector<16xf32>
    %get3A_809 = arith.constant 64 : index
    %get3A_810 = tpu.vector_load %arg7[%get3A_809] {strides = array<i32>} : memref<512xf32, #tpu.memory_space<vmem>>, vector<16xf32>,
    %get3A_811 = vector.shape_cast %get3A_810 : vector<16xf32> to vector<16xf32>
    %sub3A_812 = arith.subf %get3A_808, %get3A_811 : vector<16xf32>
    %exp3A_813 = math.exp %sub3A_812 : vector<16xf32>
    %mul3A_814 = arith.constant 1.500000e+01 : f32
    %mul3A_815 = vector.broadcast %mul3A_814 : f32 to vector<16xf32>
    %mul3A_816 = arith.mulf %exp3A_813, %mul3A_815 : vector<16xf32>
    %convert_element_type3A_817 = arith.fptosi %mul3A_816 : vector<16xf32> to vector<16xi32>
    %jit3A_818 = arith.constant 0 : i32
    %jit3A_819 = arith.constant 14 : i32
    %max3A_820 = vector.broadcast %jit3A_818 : i32 to vector<16xi32>
    %max3A_821 = arith.maxsi %max3A_820, %convert_element_type3A_817 : vector<16xi32>
    %min3A_822 = vector.broadcast %jit3A_819 : i32 to vector<16xi32>
    %min3A_823 = arith.minsi %min3A_822, %max3A_821 : vector<16xi32>
    %ge3A_824 = arith.constant 0 : i32
    %ge3A_825 = vector.broadcast %ge3A_824 : i32 to vector<16xi32>
    %ge3A_826 = arith.cmpi sge, %min3A_823, %ge3A_825 : vector<16xi32>
    %jit3A_827 = arith.constant 1.000000e+00 : f32
    %jit3A_828 = arith.constant 1.000000e+00 : f32
    %broadcast_in_dim3A_829 = vector.broadcast %jit3A_827 : f32 to vector<16xf32>
    %broadcast_in_dim3A_830 = vector.broadcast %jit3A_828 : f32 to vector<16xf32>
    %select_n3A_831 = arith.select %ge3A_826, %broadcast_in_dim3A_829, %broadcast_in_dim3A_830 : vector<16xi1>, vector<16xf32>
    %sign3A_832 = tpu.bitcast %select_n3A_831 : vector<16xf32> -> vector<16xi32>
    %sign3A_833 = arith.constant -2147483648 : i32
    %sign3A_834 = vector.broadcast %sign3A_833 : i32 to vector<16xi32>
    %sign3A_835 = arith.andi %sign3A_832, %sign3A_834 : vector<16xi32>
    %sign3A_836 = arith.constant 1065353216 : i32
    %sign3A_837 = vector.broadcast %sign3A_836 : i32 to vector<16xi32>
    %sign3A_838 = arith.ori %sign3A_837, %sign3A_835 : vector<16xi32>
    %sign3A_839 = tpu.bitcast %sign3A_838 : vector<16xi32> -> vector<16xf32>
    %sign3A_840 = math.absf %select_n3A_831 : vector<16xf32>
    %sign3A_841 = arith.constant 0.000000e+00 : f32
    %sign3A_842 = vector.broadcast %sign3A_841 : f32 to vector<16xf32>
    %sign3A_843 = arith.cmpf ogt, %sign3A_840, %sign3A_842 : vector<16xf32>
    %sign3A_844 = arith.select %sign3A_843, %sign3A_839, %select_n3A_831 : vector<16xi1>, vector<16xf32>
    %mul3A_845 = arith.mulf %sign3A_844, %exp3A_813 : vector<16xf32>
    %sub3A_846 = arith.constant 1.000000e+00 : f32
    %sub3A_847 = vector.broadcast %sub3A_846 : f32 to vector<16xf32>
    %sub3A_848 = arith.subf %sub3A_847, %mul3A_845 : vector<16xf32>
    %add3A_849 = arith.constant 9.99999968E-21 : f32
    %add3A_850 = vector.broadcast %add3A_849 : f32 to vector<16xf32>
    %add3A_851 = arith.addf %sub3A_848, %add3A_850 : vector<16xf32>
    %mul3A_852 = arith.constant -1.000000e+00 : f32
    %mul3A_853 = vector.broadcast %mul3A_852 : f32 to vector<16xf32>
    %mul3A_854 = arith.mulf %mul3A_853, %add3A_851 : vector<16xf32>
    %mul3A_855 = arith.mulf %mul3A_854, %sub3A_812 : vector<16xf32>
    %add3A_856 = arith.addf %add3A_803, %mul3A_855 : vector<16xf32>
    %get3A_857 = arith.constant 0 : i32
    %get3A_858 = arith.index_cast %get3A_857 : i32 to index
    %get3A_859 = arith.constant 80 : index
    %get3A_860 = tpu.vector_load %arg9[%get3A_858, %get3A_859] {strides = array<i32>} : memref<4x128xf32, #tpu.memory_space<vmem>>, vector<1x16xf32>,
    %get3A_861 = vector.shape_cast %get3A_860 : vector<1x16xf32> to vector<16xf32>
    %get3A_862 = arith.constant 80 : index
    %get3A_863 = tpu.vector_load %arg7[%get3A_862] {strides = array<i32>} : memref<512xf32, #tpu.memory_space<vmem>>, vector<16xf32>,
    %get3A_864 = vector.shape_cast %get3A_863 : vector<16xf32> to vector<16xf32>
    %sub3A_865 = arith.subf %get3A_861, %get3A_864 : vector<16xf32>
    %exp3A_866 = math.exp %sub3A_865 : vector<16xf32>
    %mul3A_867 = arith.constant 1.500000e+01 : f32
    %mul3A_868 = vector.broadcast %mul3A_867 : f32 to vector<16xf32>
    %mul3A_869 = arith.mulf %exp3A_866, %mul3A_868 : vector<16xf32>
    %convert_element_type3A_870 = arith.fptosi %mul3A_869 : vector<16xf32> to vector<16xi32>
    %jit3A_871 = arith.constant 0 : i32
    %jit3A_872 = arith.constant 14 : i32
    %max3A_873 = vector.broadcast %jit3A_871 : i32 to vector<16xi32>
    %max3A_874 = arith.maxsi %max3A_873, %convert_element_type3A_870 : vector<16xi32>
    %min3A_875 = vector.broadcast %jit3A_872 : i32 to vector<16xi32>
    %min3A_876 = arith.minsi %min3A_875, %max3A_874 : vector<16xi32>
    %ge3A_877 = arith.constant 0 : i32
    %ge3A_878 = vector.broadcast %ge3A_877 : i32 to vector<16xi32>
    %ge3A_879 = arith.cmpi sge, %min3A_876, %ge3A_878 : vector<16xi32>
    %jit3A_880 = arith.constant 1.000000e+00 : f32
    %jit3A_881 = arith.constant 1.000000e+00 : f32
    %broadcast_in_dim3A_882 = vector.broadcast %jit3A_880 : f32 to vector<16xf32>
    %broadcast_in_dim3A_883 = vector.broadcast %jit3A_881 : f32 to vector<16xf32>
    %select_n3A_884 = arith.select %ge3A_879, %broadcast_in_dim3A_882, %broadcast_in_dim3A_883 : vector<16xi1>, vector<16xf32>
    %sign3A_885 = tpu.bitcast %select_n3A_884 : vector<16xf32> -> vector<16xi32>
    %sign3A_886 = arith.constant -2147483648 : i32
    %sign3A_887 = vector.broadcast %sign3A_886 : i32 to vector<16xi32>
    %sign3A_888 = arith.andi %sign3A_885, %sign3A_887 : vector<16xi32>
    %sign3A_889 = arith.constant 1065353216 : i32
    %sign3A_890 = vector.broadcast %sign3A_889 : i32 to vector<16xi32>
    %sign3A_891 = arith.ori %sign3A_890, %sign3A_888 : vector<16xi32>
    %sign3A_892 = tpu.bitcast %sign3A_891 : vector<16xi32> -> vector<16xf32>
    %sign3A_893 = math.absf %select_n3A_884 : vector<16xf32>
    %sign3A_894 = arith.constant 0.000000e+00 : f32
    %sign3A_895 = vector.broadcast %sign3A_894 : f32 to vector<16xf32>
    %sign3A_896 = arith.cmpf ogt, %sign3A_893, %sign3A_895 : vector<16xf32>
    %sign3A_897 = arith.select %sign3A_896, %sign3A_892, %select_n3A_884 : vector<16xi1>, vector<16xf32>
    %mul3A_898 = arith.mulf %sign3A_897, %exp3A_866 : vector<16xf32>
    %sub3A_899 = arith.constant 1.000000e+00 : f32
    %sub3A_900 = vector.broadcast %sub3A_899 : f32 to vector<16xf32>
    %sub3A_901 = arith.subf %sub3A_900, %mul3A_898 : vector<16xf32>
    %add3A_902 = arith.constant 9.99999968E-21 : f32
    %add3A_903 = vector.broadcast %add3A_902 : f32 to vector<16xf32>
    %add3A_904 = arith.addf %sub3A_901, %add3A_903 : vector<16xf32>
    %mul3A_905 = arith.constant -1.000000e+00 : f32
    %mul3A_906 = vector.broadcast %mul3A_905 : f32 to vector<16xf32>
    %mul3A_907 = arith.mulf %mul3A_906, %add3A_904 : vector<16xf32>
    %mul3A_908 = arith.mulf %mul3A_907, %sub3A_865 : vector<16xf32>
    %add3A_909 = arith.addf %add3A_856, %mul3A_908 : vector<16xf32>
    %get3A_910 = arith.constant 0 : i32
    %get3A_911 = arith.index_cast %get3A_910 : i32 to index
    %get3A_912 = arith.constant 96 : index
    %get3A_913 = tpu.vector_load %arg9[%get3A_911, %get3A_912] {strides = array<i32>} : memref<4x128xf32, #tpu.memory_space<vmem>>, vector<1x16xf32>,
    %get3A_914 = vector.shape_cast %get3A_913 : vector<1x16xf32> to vector<16xf32>
    %get3A_915 = arith.constant 96 : index
    %get3A_916 = tpu.vector_load %arg7[%get3A_915] {strides = array<i32>} : memref<512xf32, #tpu.memory_space<vmem>>, vector<16xf32>,
    %get3A_917 = vector.shape_cast %get3A_916 : vector<16xf32> to vector<16xf32>
    %sub3A_918 = arith.subf %get3A_914, %get3A_917 : vector<16xf32>
    %exp3A_919 = math.exp %sub3A_918 : vector<16xf32>
    %mul3A_920 = arith.constant 1.500000e+01 : f32
    %mul3A_921 = vector.broadcast %mul3A_920 : f32 to vector<16xf32>
    %mul3A_922 = arith.mulf %exp3A_919, %mul3A_921 : vector<16xf32>
    %convert_element_type3A_923 = arith.fptosi %mul3A_922 : vector<16xf32> to vector<16xi32>
    %jit3A_924 = arith.constant 0 : i32
    %jit3A_925 = arith.constant 14 : i32
    %max3A_926 = vector.broadcast %jit3A_924 : i32 to vector<16xi32>
    %max3A_927 = arith.maxsi %max3A_926, %convert_element_type3A_923 : vector<16xi32>
    %min3A_928 = vector.broadcast %jit3A_925 : i32 to vector<16xi32>
    %min3A_929 = arith.minsi %min3A_928, %max3A_927 : vector<16xi32>
    %ge3A_930 = arith.constant 0 : i32
    %ge3A_931 = vector.broadcast %ge3A_930 : i32 to vector<16xi32>
    %ge3A_932 = arith.cmpi sge, %min3A_929, %ge3A_931 : vector<16xi32>
    %jit3A_933 = arith.constant 1.000000e+00 : f32
    %jit3A_934 = arith.constant 1.000000e+00 : f32
    %broadcast_in_dim3A_935 = vector.broadcast %jit3A_933 : f32 to vector<16xf32>
    %broadcast_in_dim3A_936 = vector.broadcast %jit3A_934 : f32 to vector<16xf32>
    %select_n3A_937 = arith.select %ge3A_932, %broadcast_in_dim3A_935, %broadcast_in_dim3A_936 : vector<16xi1>, vector<16xf32>
    %sign3A_938 = tpu.bitcast %select_n3A_937 : vector<16xf32> -> vector<16xi32>
    %sign3A_939 = arith.constant -2147483648 : i32
    %sign3A_940 = vector.broadcast %sign3A_939 : i32 to vector<16xi32>
    %sign3A_941 = arith.andi %sign3A_938, %sign3A_940 : vector<16xi32>
    %sign3A_942 = arith.constant 1065353216 : i32
    %sign3A_943 = vector.broadcast %sign3A_942 : i32 to vector<16xi32>
    %sign3A_944 = arith.ori %sign3A_943, %sign3A_941 : vector<16xi32>
    %sign3A_945 = tpu.bitcast %sign3A_944 : vector<16xi32> -> vector<16xf32>
    %sign3A_946 = math.absf %select_n3A_937 : vector<16xf32>
    %sign3A_947 = arith.constant 0.000000e+00 : f32
    %sign3A_948 = vector.broadcast %sign3A_947 : f32 to vector<16xf32>
    %sign3A_949 = arith.cmpf ogt, %sign3A_946, %sign3A_948 : vector<16xf32>
    %sign3A_950 = arith.select %sign3A_949, %sign3A_945, %select_n3A_937 : vector<16xi1>, vector<16xf32>
    %mul3A_951 = arith.mulf %sign3A_950, %exp3A_919 : vector<16xf32>
    %sub3A_952 = arith.constant 1.000000e+00 : f32
    %sub3A_953 = vector.broadcast %sub3A_952 : f32 to vector<16xf32>
    %sub3A_954 = arith.subf %sub3A_953, %mul3A_951 : vector<16xf32>
    %add3A_955 = arith.constant 9.99999968E-21 : f32
    %add3A_956 = vector.broadcast %add3A_955 : f32 to vector<16xf32>
    %add3A_957 = arith.addf %sub3A_954, %add3A_956 : vector<16xf32>
    %mul3A_958 = arith.constant -1.000000e+00 : f32
    %mul3A_959 = vector.broadcast %mul3A_958 : f32 to vector<16xf32>
    %mul3A_960 = arith.mulf %mul3A_959, %add3A_957 : vector<16xf32>
    %mul3A_961 = arith.mulf %mul3A_960, %sub3A_918 : vector<16xf32>
    %add3A_962 = arith.addf %add3A_909, %mul3A_961 : vector<16xf32>
    %get3A_963 = arith.constant 0 : i32
    %get3A_964 = arith.index_cast %get3A_963 : i32 to index
    %get3A_965 = arith.constant 112 : index
    %get3A_966 = tpu.vector_load %arg9[%get3A_964, %get3A_965] {strides = array<i32>} : memref<4x128xf32, #tpu.memory_space<vmem>>, vector<1x16xf32>,
    %get3A_967 = vector.shape_cast %get3A_966 : vector<1x16xf32> to vector<16xf32>
    %get3A_968 = arith.constant 112 : index
    %get3A_969 = tpu.vector_load %arg7[%get3A_968] {strides = array<i32>} : memref<512xf32, #tpu.memory_space<vmem>>, vector<16xf32>,
    %get3A_970 = vector.shape_cast %get3A_969 : vector<16xf32> to vector<16xf32>
    %sub3A_971 = arith.subf %get3A_967, %get3A_970 : vector<16xf32>
    %exp3A_972 = math.exp %sub3A_971 : vector<16xf32>
    %mul3A_973 = arith.constant 1.500000e+01 : f32
    %mul3A_974 = vector.broadcast %mul3A_973 : f32 to vector<16xf32>
    %mul3A_975 = arith.mulf %exp3A_972, %mul3A_974 : vector<16xf32>
    %convert_element_type3A_976 = arith.fptosi %mul3A_975 : vector<16xf32> to vector<16xi32>
    %jit3A_977 = arith.constant 0 : i32
    %jit3A_978 = arith.constant 14 : i32
    %max3A_979 = vector.broadcast %jit3A_977 : i32 to vector<16xi32>
    %max3A_980 = arith.maxsi %max3A_979, %convert_element_type3A_976 : vector<16xi32>
    %min3A_981 = vector.broadcast %jit3A_978 : i32 to vector<16xi32>
    %min3A_982 = arith.minsi %min3A_981, %max3A_980 : vector<16xi32>
    %ge3A_983 = arith.constant 0 : i32
    %ge3A_984 = vector.broadcast %ge3A_983 : i32 to vector<16xi32>
    %ge3A_985 = arith.cmpi sge, %min3A_982, %ge3A_984 : vector<16xi32>
    %jit3A_986 = arith.constant 1.000000e+00 : f32
    %jit3A_987 = arith.constant 1.000000e+00 : f32
    %broadcast_in_dim3A_988 = vector.broadcast %jit3A_986 : f32 to vector<16xf32>
    %broadcast_in_dim3A_989 = vector.broadcast %jit3A_987 : f32 to vector<16xf32>
    %select_n3A_990 = arith.select %ge3A_985, %broadcast_in_dim3A_988, %broadcast_in_dim3A_989 : vector<16xi1>, vector<16xf32>
    %sign3A_991 = tpu.bitcast %select_n3A_990 : vector<16xf32> -> vector<16xi32>
    %sign3A_992 = arith.constant -2147483648 : i32
    %sign3A_993 = vector.broadcast %sign3A_992 : i32 to vector<16xi32>
    %sign3A_994 = arith.andi %sign3A_991, %sign3A_993 : vector<16xi32>
    %sign3A_995 = arith.constant 1065353216 : i32
    %sign3A_996 = vector.broadcast %sign3A_995 : i32 to vector<16xi32>
    %sign3A_997 = arith.ori %sign3A_996, %sign3A_994 : vector<16xi32>
    %sign3A_998 = tpu.bitcast %sign3A_997 : vector<16xi32> -> vector<16xf32>
    %sign3A_999 = math.absf %select_n3A_990 : vector<16xf32>
    %sign3A_1000 = arith.constant 0.000000e+00 : f32
    %sign3A_1001 = vector.broadcast %sign3A_1000 : f32 to vector<16xf32>
    %sign3A_1002 = arith.cmpf ogt, %sign3A_999, %sign3A_1001 : vector<16xf32>
    %sign3A_1003 = arith.select %sign3A_1002, %sign3A_998, %select_n3A_990 : vector<16xi1>, vector<16xf32>
    %mul3A_1004 = arith.mulf %sign3A_1003, %exp3A_972 : vector<16xf32>
    %sub3A_1005 = arith.constant 1.000000e+00 : f32
    %sub3A_1006 = vector.broadcast %sub3A_1005 : f32 to vector<16xf32>
    %sub3A_1007 = arith.subf %sub3A_1006, %mul3A_1004 : vector<16xf32>
    %add3A_1008 = arith.constant 9.99999968E-21 : f32
    %add3A_1009 = vector.broadcast %add3A_1008 : f32 to vector<16xf32>
    %add3A_1010 = arith.addf %sub3A_1007, %add3A_1009 : vector<16xf32>
    %mul3A_1011 = arith.constant -1.000000e+00 : f32
    %mul3A_1012 = vector.broadcast %mul3A_1011 : f32 to vector<16xf32>
    %mul3A_1013 = arith.mulf %mul3A_1012, %add3A_1010 : vector<16xf32>
    %mul3A_1014 = arith.mulf %mul3A_1013, %sub3A_971 : vector<16xf32>
    %add3A_1015 = arith.addf %add3A_962, %mul3A_1014 : vector<16xf32>
    %get3A_1016 = arith.constant 1 : i32
    %get3A_1017 = arith.index_cast %get3A_1016 : i32 to index
    %get3A_1018 = arith.constant 0 : index
    %get3A_1019 = tpu.vector_load %arg9[%get3A_1017, %get3A_1018] {strides = array<i32>} : memref<4x128xf32, #tpu.memory_space<vmem>>, vector<1x16xf32>,
    %get3A_1020 = vector.shape_cast %get3A_1019 : vector<1x16xf32> to vector<16xf32>
    %get3A_1021 = arith.constant 128 : index
    %get3A_1022 = tpu.vector_load %arg7[%get3A_1021] {strides = array<i32>} : memref<512xf32, #tpu.memory_space<vmem>>, vector<16xf32>,
    %get3A_1023 = vector.shape_cast %get3A_1022 : vector<16xf32> to vector<16xf32>
    %sub3A_1024 = arith.subf %get3A_1020, %get3A_1023 : vector<16xf32>
    %exp3A_1025 = math.exp %sub3A_1024 : vector<16xf32>
    %mul3A_1026 = arith.constant 1.500000e+01 : f32
    %mul3A_1027 = vector.broadcast %mul3A_1026 : f32 to vector<16xf32>
    %mul3A_1028 = arith.mulf %exp3A_1025, %mul3A_1027 : vector<16xf32>
    %convert_element_type3A_1029 = arith.fptosi %mul3A_1028 : vector<16xf32> to vector<16xi32>
    %jit3A_1030 = arith.constant 0 : i32
    %jit3A_1031 = arith.constant 14 : i32
    %max3A_1032 = vector.broadcast %jit3A_1030 : i32 to vector<16xi32>
    %max3A_1033 = arith.maxsi %max3A_1032, %convert_element_type3A_1029 : vector<16xi32>
    %min3A_1034 = vector.broadcast %jit3A_1031 : i32 to vector<16xi32>
    %min3A_1035 = arith.minsi %min3A_1034, %max3A_1033 : vector<16xi32>
    %ge3A_1036 = arith.constant 0 : i32
    %ge3A_1037 = vector.broadcast %ge3A_1036 : i32 to vector<16xi32>
    %ge3A_1038 = arith.cmpi sge, %min3A_1035, %ge3A_1037 : vector<16xi32>
    %jit3A_1039 = arith.constant 1.000000e+00 : f32
    %jit3A_1040 = arith.constant 1.000000e+00 : f32
    %broadcast_in_dim3A_1041 = vector.broadcast %jit3A_1039 : f32 to vector<16xf32>
    %broadcast_in_dim3A_1042 = vector.broadcast %jit3A_1040 : f32 to vector<16xf32>
    %select_n3A_1043 = arith.select %ge3A_1038, %broadcast_in_dim3A_1041, %broadcast_in_dim3A_1042 : vector<16xi1>, vector<16xf32>
    %sign3A_1044 = tpu.bitcast %select_n3A_1043 : vector<16xf32> -> vector<16xi32>
    %sign3A_1045 = arith.constant -2147483648 : i32
    %sign3A_1046 = vector.broadcast %sign3A_1045 : i32 to vector<16xi32>
    %sign3A_1047 = arith.andi %sign3A_1044, %sign3A_1046 : vector<16xi32>
    %sign3A_1048 = arith.constant 1065353216 : i32
    %sign3A_1049 = vector.broadcast %sign3A_1048 : i32 to vector<16xi32>
    %sign3A_1050 = arith.ori %sign3A_1049, %sign3A_1047 : vector<16xi32>
    %sign3A_1051 = tpu.bitcast %sign3A_1050 : vector<16xi32> -> vector<16xf32>
    %sign3A_1052 = math.absf %select_n3A_1043 : vector<16xf32>
    %sign3A_1053 = arith.constant 0.000000e+00 : f32
    %sign3A_1054 = vector.broadcast %sign3A_1053 : f32 to vector<16xf32>
    %sign3A_1055 = arith.cmpf ogt, %sign3A_1052, %sign3A_1054 : vector<16xf32>
    %sign3A_1056 = arith.select %sign3A_1055, %sign3A_1051, %select_n3A_1043 : vector<16xi1>, vector<16xf32>
    %mul3A_1057 = arith.mulf %sign3A_1056, %exp3A_1025 : vector<16xf32>
    %sub3A_1058 = arith.constant 1.000000e+00 : f32
    %sub3A_1059 = vector.broadcast %sub3A_1058 : f32 to vector<16xf32>
    %sub3A_1060 = arith.subf %sub3A_1059, %mul3A_1057 : vector<16xf32>
    %add3A_1061 = arith.constant 9.99999968E-21 : f32
    %add3A_1062 = vector.broadcast %add3A_1061 : f32 to vector<16xf32>
    %add3A_1063 = arith.addf %sub3A_1060, %add3A_1062 : vector<16xf32>
    %mul3A_1064 = arith.constant -1.000000e+00 : f32
    %mul3A_1065 = vector.broadcast %mul3A_1064 : f32 to vector<16xf32>
    %mul3A_1066 = arith.mulf %mul3A_1065, %add3A_1063 : vector<16xf32>
    %mul3A_1067 = arith.mulf %mul3A_1066, %sub3A_1024 : vector<16xf32>
    %add3A_1068 = arith.addf %add3A_1015, %mul3A_1067 : vector<16xf32>
    %get3A_1069 = arith.constant 1 : i32
    %get3A_1070 = arith.index_cast %get3A_1069 : i32 to index
    %get3A_1071 = arith.constant 16 : index
    %get3A_1072 = tpu.vector_load %arg9[%get3A_1070, %get3A_1071] {strides = array<i32>} : memref<4x128xf32, #tpu.memory_space<vmem>>, vector<1x16xf32>,
    %get3A_1073 = vector.shape_cast %get3A_1072 : vector<1x16xf32> to vector<16xf32>
    %get3A_1074 = arith.constant 144 : index
    %get3A_1075 = tpu.vector_load %arg7[%get3A_1074] {strides = array<i32>} : memref<512xf32, #tpu.memory_space<vmem>>, vector<16xf32>,
    %get3A_1076 = vector.shape_cast %get3A_1075 : vector<16xf32> to vector<16xf32>
    %sub3A_1077 = arith.subf %get3A_1073, %get3A_1076 : vector<16xf32>
    %exp3A_1078 = math.exp %sub3A_1077 : vector<16xf32>
    %mul3A_1079 = arith.constant 1.500000e+01 : f32
    %mul3A_1080 = vector.broadcast %mul3A_1079 : f32 to vector<16xf32>
    %mul3A_1081 = arith.mulf %exp3A_1078, %mul3A_1080 : vector<16xf32>
    %convert_element_type3A_1082 = arith.fptosi %mul3A_1081 : vector<16xf32> to vector<16xi32>
    %jit3A_1083 = arith.constant 0 : i32
    %jit3A_1084 = arith.constant 14 : i32
    %max3A_1085 = vector.broadcast %jit3A_1083 : i32 to vector<16xi32>
    %max3A_1086 = arith.maxsi %max3A_1085, %convert_element_type3A_1082 : vector<16xi32>
    %min3A_1087 = vector.broadcast %jit3A_1084 : i32 to vector<16xi32>
    %min3A_1088 = arith.minsi %min3A_1087, %max3A_1086 : vector<16xi32>
    %ge3A_1089 = arith.constant 0 : i32
    %ge3A_1090 = vector.broadcast %ge3A_1089 : i32 to vector<16xi32>
    %ge3A_1091 = arith.cmpi sge, %min3A_1088, %ge3A_1090 : vector<16xi32>
    %jit3A_1092 = arith.constant 1.000000e+00 : f32
    %jit3A_1093 = arith.constant 1.000000e+00 : f32
    %broadcast_in_dim3A_1094 = vector.broadcast %jit3A_1092 : f32 to vector<16xf32>
    %broadcast_in_dim3A_1095 = vector.broadcast %jit3A_1093 : f32 to vector<16xf32>
    %select_n3A_1096 = arith.select %ge3A_1091, %broadcast_in_dim3A_1094, %broadcast_in_dim3A_1095 : vector<16xi1>, vector<16xf32>
    %sign3A_1097 = tpu.bitcast %select_n3A_1096 : vector<16xf32> -> vector<16xi32>
    %sign3A_1098 = arith.constant -2147483648 : i32
    %sign3A_1099 = vector.broadcast %sign3A_1098 : i32 to vector<16xi32>
    %sign3A_1100 = arith.andi %sign3A_1097, %sign3A_1099 : vector<16xi32>
    %sign3A_1101 = arith.constant 1065353216 : i32
    %sign3A_1102 = vector.broadcast %sign3A_1101 : i32 to vector<16xi32>
    %sign3A_1103 = arith.ori %sign3A_1102, %sign3A_1100 : vector<16xi32>
    %sign3A_1104 = tpu.bitcast %sign3A_1103 : vector<16xi32> -> vector<16xf32>
    %sign3A_1105 = math.absf %select_n3A_1096 : vector<16xf32>
    %sign3A_1106 = arith.constant 0.000000e+00 : f32
    %sign3A_1107 = vector.broadcast %sign3A_1106 : f32 to vector<16xf32>
    %sign3A_1108 = arith.cmpf ogt, %sign3A_1105, %sign3A_1107 : vector<16xf32>
    %sign3A_1109 = arith.select %sign3A_1108, %sign3A_1104, %select_n3A_1096 : vector<16xi1>, vector<16xf32>
    %mul3A_1110 = arith.mulf %sign3A_1109, %exp3A_1078 : vector<16xf32>
    %sub3A_1111 = arith.constant 1.000000e+00 : f32
    %sub3A_1112 = vector.broadcast %sub3A_1111 : f32 to vector<16xf32>
    %sub3A_1113 = arith.subf %sub3A_1112, %mul3A_1110 : vector<16xf32>
    %add3A_1114 = arith.constant 9.99999968E-21 : f32
    %add3A_1115 = vector.broadcast %add3A_1114 : f32 to vector<16xf32>
    %add3A_1116 = arith.addf %sub3A_1113, %add3A_1115 : vector<16xf32>
    %mul3A_1117 = arith.constant -1.000000e+00 : f32
    %mul3A_1118 = vector.broadcast %mul3A_1117 : f32 to vector<16xf32>
    %mul3A_1119 = arith.mulf %mul3A_1118, %add3A_1116 : vector<16xf32>
    %mul3A_1120 = arith.mulf %mul3A_1119, %sub3A_1077 : vector<16xf32>
    %add3A_1121 = arith.addf %add3A_1068, %mul3A_1120 : vector<16xf32>
    %get3A_1122 = arith.constant 1 : i32
    %get3A_1123 = arith.index_cast %get3A_1122 : i32 to index
    %get3A_1124 = arith.constant 32 : index
    %get3A_1125 = tpu.vector_load %arg9[%get3A_1123, %get3A_1124] {strides = array<i32>} : memref<4x128xf32, #tpu.memory_space<vmem>>, vector<1x16xf32>,
    %get3A_1126 = vector.shape_cast %get3A_1125 : vector<1x16xf32> to vector<16xf32>
    %get3A_1127 = arith.constant 160 : index
    %get3A_1128 = tpu.vector_load %arg7[%get3A_1127] {strides = array<i32>} : memref<512xf32, #tpu.memory_space<vmem>>, vector<16xf32>,
    %get3A_1129 = vector.shape_cast %get3A_1128 : vector<16xf32> to vector<16xf32>
    %sub3A_1130 = arith.subf %get3A_1126, %get3A_1129 : vector<16xf32>
    %exp3A_1131 = math.exp %sub3A_1130 : vector<16xf32>
    %mul3A_1132 = arith.constant 1.500000e+01 : f32
    %mul3A_1133 = vector.broadcast %mul3A_1132 : f32 to vector<16xf32>
    %mul3A_1134 = arith.mulf %exp3A_1131, %mul3A_1133 : vector<16xf32>
    %convert_element_type3A_1135 = arith.fptosi %mul3A_1134 : vector<16xf32> to vector<16xi32>
    %jit3A_1136 = arith.constant 0 : i32
    %jit3A_1137 = arith.constant 14 : i32
    %max3A_1138 = vector.broadcast %jit3A_1136 : i32 to vector<16xi32>
    %max3A_1139 = arith.maxsi %max3A_1138, %convert_element_type3A_1135 : vector<16xi32>
    %min3A_1140 = vector.broadcast %jit3A_1137 : i32 to vector<16xi32>
    %min3A_1141 = arith.minsi %min3A_1140, %max3A_1139 : vector<16xi32>
    %ge3A_1142 = arith.constant 0 : i32
    %ge3A_1143 = vector.broadcast %ge3A_1142 : i32 to vector<16xi32>
    %ge3A_1144 = arith.cmpi sge, %min3A_1141, %ge3A_1143 : vector<16xi32>
    %jit3A_1145 = arith.constant 1.000000e+00 : f32
    %jit3A_1146 = arith.constant 1.000000e+00 : f32
    %broadcast_in_dim3A_1147 = vector.broadcast %jit3A_1145 : f32 to vector<16xf32>
    %broadcast_in_dim3A_1148 = vector.broadcast %jit3A_1146 : f32 to vector<16xf32>
    %select_n3A_1149 = arith.select %ge3A_1144, %broadcast_in_dim3A_1147, %broadcast_in_dim3A_1148 : vector<16xi1>, vector<16xf32>
    %sign3A_1150 = tpu.bitcast %select_n3A_1149 : vector<16xf32> -> vector<16xi32>
    %sign3A_1151 = arith.constant -2147483648 : i32
    %sign3A_1152 = vector.broadcast %sign3A_1151 : i32 to vector<16xi32>
    %sign3A_1153 = arith.andi %sign3A_1150, %sign3A_1152 : vector<16xi32>
    %sign3A_1154 = arith.constant 1065353216 : i32
    %sign3A_1155 = vector.broadcast %sign3A_1154 : i32 to vector<16xi32>
    %sign3A_1156 = arith.ori %sign3A_1155, %sign3A_1153 : vector<16xi32>
    %sign3A_1157 = tpu.bitcast %sign3A_1156 : vector<16xi32> -> vector<16xf32>
    %sign3A_1158 = math.absf %select_n3A_1149 : vector<16xf32>
    %sign3A_1159 = arith.constant 0.000000e+00 : f32
    %sign3A_1160 = vector.broadcast %sign3A_1159 : f32 to vector<16xf32>
    %sign3A_1161 = arith.cmpf ogt, %sign3A_1158, %sign3A_1160 : vector<16xf32>
    %sign3A_1162 = arith.select %sign3A_1161, %sign3A_1157, %select_n3A_1149 : vector<16xi1>, vector<16xf32>
    %mul3A_1163 = arith.mulf %sign3A_1162, %exp3A_1131 : vector<16xf32>
    %sub3A_1164 = arith.constant 1.000000e+00 : f32
    %sub3A_1165 = vector.broadcast %sub3A_1164 : f32 to vector<16xf32>
    %sub3A_1166 = arith.subf %sub3A_1165, %mul3A_1163 : vector<16xf32>
    %add3A_1167 = arith.constant 9.99999968E-21 : f32
    %add3A_1168 = vector.broadcast %add3A_1167 : f32 to vector<16xf32>
    %add3A_1169 = arith.addf %sub3A_1166, %add3A_1168 : vector<16xf32>
    %mul3A_1170 = arith.constant -1.000000e+00 : f32
    %mul3A_1171 = vector.broadcast %mul3A_1170 : f32 to vector<16xf32>
    %mul3A_1172 = arith.mulf %mul3A_1171, %add3A_1169 : vector<16xf32>
    %mul3A_1173 = arith.mulf %mul3A_1172, %sub3A_1130 : vector<16xf32>
    %add3A_1174 = arith.addf %add3A_1121, %mul3A_1173 : vector<16xf32>
    %get3A_1175 = arith.constant 1 : i32
    %get3A_1176 = arith.index_cast %get3A_1175 : i32 to index
    %get3A_1177 = arith.constant 48 : index
    %get3A_1178 = tpu.vector_load %arg9[%get3A_1176, %get3A_1177] {strides = array<i32>} : memref<4x128xf32, #tpu.memory_space<vmem>>, vector<1x16xf32>,
    %get3A_1179 = vector.shape_cast %get3A_1178 : vector<1x16xf32> to vector<16xf32>
    %get3A_1180 = arith.constant 176 : index
    %get3A_1181 = tpu.vector_load %arg7[%get3A_1180] {strides = array<i32>} : memref<512xf32, #tpu.memory_space<vmem>>, vector<16xf32>,
    %get3A_1182 = vector.shape_cast %get3A_1181 : vector<16xf32> to vector<16xf32>
    %sub3A_1183 = arith.subf %get3A_1179, %get3A_1182 : vector<16xf32>
    %exp3A_1184 = math.exp %sub3A_1183 : vector<16xf32>
    %mul3A_1185 = arith.constant 1.500000e+01 : f32
    %mul3A_1186 = vector.broadcast %mul3A_1185 : f32 to vector<16xf32>
    %mul3A_1187 = arith.mulf %exp3A_1184, %mul3A_1186 : vector<16xf32>
    %convert_element_type3A_1188 = arith.fptosi %mul3A_1187 : vector<16xf32> to vector<16xi32>
    %jit3A_1189 = arith.constant 0 : i32
    %jit3A_1190 = arith.constant 14 : i32
    %max3A_1191 = vector.broadcast %jit3A_1189 : i32 to vector<16xi32>
    %max3A_1192 = arith.maxsi %max3A_1191, %convert_element_type3A_1188 : vector<16xi32>
    %min3A_1193 = vector.broadcast %jit3A_1190 : i32 to vector<16xi32>
    %min3A_1194 = arith.minsi %min3A_1193, %max3A_1192 : vector<16xi32>
    %ge3A_1195 = arith.constant 0 : i32
    %ge3A_1196 = vector.broadcast %ge3A_1195 : i32 to vector<16xi32>
    %ge3A_1197 = arith.cmpi sge, %min3A_1194, %ge3A_1196 : vector<16xi32>
    %jit3A_1198 = arith.constant 1.000000e+00 : f32
    %jit3A_1199 = arith.constant 1.000000e+00 : f32
    %broadcast_in_dim3A_1200 = vector.broadcast %jit3A_1198 : f32 to vector<16xf32>
    %broadcast_in_dim3A_1201 = vector.broadcast %jit3A_1199 : f32 to vector<16xf32>
    %select_n3A_1202 = arith.select %ge3A_1197, %broadcast_in_dim3A_1200, %broadcast_in_dim3A_1201 : vector<16xi1>, vector<16xf32>
    %sign3A_1203 = tpu.bitcast %select_n3A_1202 : vector<16xf32> -> vector<16xi32>
    %sign3A_1204 = arith.constant -2147483648 : i32
    %sign3A_1205 = vector.broadcast %sign3A_1204 : i32 to vector<16xi32>
    %sign3A_1206 = arith.andi %sign3A_1203, %sign3A_1205 : vector<16xi32>
    %sign3A_1207 = arith.constant 1065353216 : i32
    %sign3A_1208 = vector.broadcast %sign3A_1207 : i32 to vector<16xi32>
    %sign3A_1209 = arith.ori %sign3A_1208, %sign3A_1206 : vector<16xi32>
    %sign3A_1210 = tpu.bitcast %sign3A_1209 : vector<16xi32> -> vector<16xf32>
    %sign3A_1211 = math.absf %select_n3A_1202 : vector<16xf32>
    %sign3A_1212 = arith.constant 0.000000e+00 : f32
    %sign3A_1213 = vector.broadcast %sign3A_1212 : f32 to vector<16xf32>
    %sign3A_1214 = arith.cmpf ogt, %sign3A_1211, %sign3A_1213 : vector<16xf32>
    %sign3A_1215 = arith.select %sign3A_1214, %sign3A_1210, %select_n3A_1202 : vector<16xi1>, vector<16xf32>
    %mul3A_1216 = arith.mulf %sign3A_1215, %exp3A_1184 : vector<16xf32>
    %sub3A_1217 = arith.constant 1.000000e+00 : f32
    %sub3A_1218 = vector.broadcast %sub3A_1217 : f32 to vector<16xf32>
    %sub3A_1219 = arith.subf %sub3A_1218, %mul3A_1216 : vector<16xf32>
    %add3A_1220 = arith.constant 9.99999968E-21 : f32
    %add3A_1221 = vector.broadcast %add3A_1220 : f32 to vector<16xf32>
    %add3A_1222 = arith.addf %sub3A_1219, %add3A_1221 : vector<16xf32>
    %mul3A_1223 = arith.constant -1.000000e+00 : f32
    %mul3A_1224 = vector.broadcast %mul3A_1223 : f32 to vector<16xf32>
    %mul3A_1225 = arith.mulf %mul3A_1224, %add3A_1222 : vector<16xf32>
    %mul3A_1226 = arith.mulf %mul3A_1225, %sub3A_1183 : vector<16xf32>
    %add3A_1227 = arith.addf %add3A_1174, %mul3A_1226 : vector<16xf32>
    %get3A_1228 = arith.constant 1 : i32
    %get3A_1229 = arith.index_cast %get3A_1228 : i32 to index
    %get3A_1230 = arith.constant 64 : index
    %get3A_1231 = tpu.vector_load %arg9[%get3A_1229, %get3A_1230] {strides = array<i32>} : memref<4x128xf32, #tpu.memory_space<vmem>>, vector<1x16xf32>,
    %get3A_1232 = vector.shape_cast %get3A_1231 : vector<1x16xf32> to vector<16xf32>
    %get3A_1233 = arith.constant 192 : index
    %get3A_1234 = tpu.vector_load %arg7[%get3A_1233] {strides = array<i32>} : memref<512xf32, #tpu.memory_space<vmem>>, vector<16xf32>,
    %get3A_1235 = vector.shape_cast %get3A_1234 : vector<16xf32> to vector<16xf32>
    %sub3A_1236 = arith.subf %get3A_1232, %get3A_1235 : vector<16xf32>
    %exp3A_1237 = math.exp %sub3A_1236 : vector<16xf32>
    %mul3A_1238 = arith.constant 1.500000e+01 : f32
    %mul3A_1239 = vector.broadcast %mul3A_1238 : f32 to vector<16xf32>
    %mul3A_1240 = arith.mulf %exp3A_1237, %mul3A_1239 : vector<16xf32>
    %convert_element_type3A_1241 = arith.fptosi %mul3A_1240 : vector<16xf32> to vector<16xi32>
    %jit3A_1242 = arith.constant 0 : i32
    %jit3A_1243 = arith.constant 14 : i32
    %max3A_1244 = vector.broadcast %jit3A_1242 : i32 to vector<16xi32>
    %max3A_1245 = arith.maxsi %max3A_1244, %convert_element_type3A_1241 : vector<16xi32>
    %min3A_1246 = vector.broadcast %jit3A_1243 : i32 to vector<16xi32>
    %min3A_1247 = arith.minsi %min3A_1246, %max3A_1245 : vector<16xi32>
    %ge3A_1248 = arith.constant 0 : i32
    %ge3A_1249 = vector.broadcast %ge3A_1248 : i32 to vector<16xi32>
    %ge3A_1250 = arith.cmpi sge, %min3A_1247, %ge3A_1249 : vector<16xi32>
    %jit3A_1251 = arith.constant 1.000000e+00 : f32
    %jit3A_1252 = arith.constant 1.000000e+00 : f32
    %broadcast_in_dim3A_1253 = vector.broadcast %jit3A_1251 : f32 to vector<16xf32>
    %broadcast_in_dim3A_1254 = vector.broadcast %jit3A_1252 : f32 to vector<16xf32>
    %select_n3A_1255 = arith.select %ge3A_1250, %broadcast_in_dim3A_1253, %broadcast_in_dim3A_1254 : vector<16xi1>, vector<16xf32>
    %sign3A_1256 = tpu.bitcast %select_n3A_1255 : vector<16xf32> -> vector<16xi32>
    %sign3A_1257 = arith.constant -2147483648 : i32
    %sign3A_1258 = vector.broadcast %sign3A_1257 : i32 to vector<16xi32>
    %sign3A_1259 = arith.andi %sign3A_1256, %sign3A_1258 : vector<16xi32>
    %sign3A_1260 = arith.constant 1065353216 : i32
    %sign3A_1261 = vector.broadcast %sign3A_1260 : i32 to vector<16xi32>
    %sign3A_1262 = arith.ori %sign3A_1261, %sign3A_1259 : vector<16xi32>
    %sign3A_1263 = tpu.bitcast %sign3A_1262 : vector<16xi32> -> vector<16xf32>
    %sign3A_1264 = math.absf %select_n3A_1255 : vector<16xf32>
    %sign3A_1265 = arith.constant 0.000000e+00 : f32
    %sign3A_1266 = vector.broadcast %sign3A_1265 : f32 to vector<16xf32>
    %sign3A_1267 = arith.cmpf ogt, %sign3A_1264, %sign3A_1266 : vector<16xf32>
    %sign3A_1268 = arith.select %sign3A_1267, %sign3A_1263, %select_n3A_1255 : vector<16xi1>, vector<16xf32>
    %mul3A_1269 = arith.mulf %sign3A_1268, %exp3A_1237 : vector<16xf32>
    %sub3A_1270 = arith.constant 1.000000e+00 : f32
    %sub3A_1271 = vector.broadcast %sub3A_1270 : f32 to vector<16xf32>
    %sub3A_1272 = arith.subf %sub3A_1271, %mul3A_1269 : vector<16xf32>
    %add3A_1273 = arith.constant 9.99999968E-21 : f32
    %add3A_1274 = vector.broadcast %add3A_1273 : f32 to vector<16xf32>
    %add3A_1275 = arith.addf %sub3A_1272, %add3A_1274 : vector<16xf32>
    %mul3A_1276 = arith.constant -1.000000e+00 : f32
    %mul3A_1277 = vector.broadcast %mul3A_1276 : f32 to vector<16xf32>
    %mul3A_1278 = arith.mulf %mul3A_1277, %add3A_1275 : vector<16xf32>
    %mul3A_1279 = arith.mulf %mul3A_1278, %sub3A_1236 : vector<16xf32>
    %add3A_1280 = arith.addf %add3A_1227, %mul3A_1279 : vector<16xf32>
    %get3A_1281 = arith.constant 1 : i32
    %get3A_1282 = arith.index_cast %get3A_1281 : i32 to index
    %get3A_1283 = arith.constant 80 : index
    %get3A_1284 = tpu.vector_load %arg9[%get3A_1282, %get3A_1283] {strides = array<i32>} : memref<4x128xf32, #tpu.memory_space<vmem>>, vector<1x16xf32>,
    %get3A_1285 = vector.shape_cast %get3A_1284 : vector<1x16xf32> to vector<16xf32>
    %get3A_1286 = arith.constant 208 : index
    %get3A_1287 = tpu.vector_load %arg7[%get3A_1286] {strides = array<i32>} : memref<512xf32, #tpu.memory_space<vmem>>, vector<16xf32>,
    %get3A_1288 = vector.shape_cast %get3A_1287 : vector<16xf32> to vector<16xf32>
    %sub3A_1289 = arith.subf %get3A_1285, %get3A_1288 : vector<16xf32>
    %exp3A_1290 = math.exp %sub3A_1289 : vector<16xf32>
    %mul3A_1291 = arith.constant 1.500000e+01 : f32
    %mul3A_1292 = vector.broadcast %mul3A_1291 : f32 to vector<16xf32>
    %mul3A_1293 = arith.mulf %exp3A_1290, %mul3A_1292 : vector<16xf32>
    %convert_element_type3A_1294 = arith.fptosi %mul3A_1293 : vector<16xf32> to vector<16xi32>
    %jit3A_1295 = arith.constant 0 : i32
    %jit3A_1296 = arith.constant 14 : i32
    %max3A_1297 = vector.broadcast %jit3A_1295 : i32 to vector<16xi32>
    %max3A_1298 = arith.maxsi %max3A_1297, %convert_element_type3A_1294 : vector<16xi32>
    %min3A_1299 = vector.broadcast %jit3A_1296 : i32 to vector<16xi32>
    %min3A_1300 = arith.minsi %min3A_1299, %max3A_1298 : vector<16xi32>
    %ge3A_1301 = arith.constant 0 : i32
    %ge3A_1302 = vector.broadcast %ge3A_1301 : i32 to vector<16xi32>
    %ge3A_1303 = arith.cmpi sge, %min3A_1300, %ge3A_1302 : vector<16xi32>
    %jit3A_1304 = arith.constant 1.000000e+00 : f32
    %jit3A_1305 = arith.constant 1.000000e+00 : f32
    %broadcast_in_dim3A_1306 = vector.broadcast %jit3A_1304 : f32 to vector<16xf32>
    %broadcast_in_dim3A_1307 = vector.broadcast %jit3A_1305 : f32 to vector<16xf32>
    %select_n3A_1308 = arith.select %ge3A_1303, %broadcast_in_dim3A_1306, %broadcast_in_dim3A_1307 : vector<16xi1>, vector<16xf32>
    %sign3A_1309 = tpu.bitcast %select_n3A_1308 : vector<16xf32> -> vector<16xi32>
    %sign3A_1310 = arith.constant -2147483648 : i32
    %sign3A_1311 = vector.broadcast %sign3A_1310 : i32 to vector<16xi32>
    %sign3A_1312 = arith.andi %sign3A_1309, %sign3A_1311 : vector<16xi32>
    %sign3A_1313 = arith.constant 1065353216 : i32
    %sign3A_1314 = vector.broadcast %sign3A_1313 : i32 to vector<16xi32>
    %sign3A_1315 = arith.ori %sign3A_1314, %sign3A_1312 : vector<16xi32>
    %sign3A_1316 = tpu.bitcast %sign3A_1315 : vector<16xi32> -> vector<16xf32>
    %sign3A_1317 = math.absf %select_n3A_1308 : vector<16xf32>
    %sign3A_1318 = arith.constant 0.000000e+00 : f32
    %sign3A_1319 = vector.broadcast %sign3A_1318 : f32 to vector<16xf32>
    %sign3A_1320 = arith.cmpf ogt, %sign3A_1317, %sign3A_1319 : vector<16xf32>
    %sign3A_1321 = arith.select %sign3A_1320, %sign3A_1316, %select_n3A_1308 : vector<16xi1>, vector<16xf32>
    %mul3A_1322 = arith.mulf %sign3A_1321, %exp3A_1290 : vector<16xf32>
    %sub3A_1323 = arith.constant 1.000000e+00 : f32
    %sub3A_1324 = vector.broadcast %sub3A_1323 : f32 to vector<16xf32>
    %sub3A_1325 = arith.subf %sub3A_1324, %mul3A_1322 : vector<16xf32>
    %add3A_1326 = arith.constant 9.99999968E-21 : f32
    %add3A_1327 = vector.broadcast %add3A_1326 : f32 to vector<16xf32>
    %add3A_1328 = arith.addf %sub3A_1325, %add3A_1327 : vector<16xf32>
    %mul3A_1329 = arith.constant -1.000000e+00 : f32
    %mul3A_1330 = vector.broadcast %mul3A_1329 : f32 to vector<16xf32>
    %mul3A_1331 = arith.mulf %mul3A_1330, %add3A_1328 : vector<16xf32>
    %mul3A_1332 = arith.mulf %mul3A_1331, %sub3A_1289 : vector<16xf32>
    %add3A_1333 = arith.addf %add3A_1280, %mul3A_1332 : vector<16xf32>
    %get3A_1334 = arith.constant 1 : i32
    %get3A_1335 = arith.index_cast %get3A_1334 : i32 to index
    %get3A_1336 = arith.constant 96 : index
    %get3A_1337 = tpu.vector_load %arg9[%get3A_1335, %get3A_1336] {strides = array<i32>} : memref<4x128xf32, #tpu.memory_space<vmem>>, vector<1x16xf32>,
    %get3A_1338 = vector.shape_cast %get3A_1337 : vector<1x16xf32> to vector<16xf32>
    %get3A_1339 = arith.constant 224 : index
    %get3A_1340 = tpu.vector_load %arg7[%get3A_1339] {strides = array<i32>} : memref<512xf32, #tpu.memory_space<vmem>>, vector<16xf32>,
    %get3A_1341 = vector.shape_cast %get3A_1340 : vector<16xf32> to vector<16xf32>
    %sub3A_1342 = arith.subf %get3A_1338, %get3A_1341 : vector<16xf32>
    %exp3A_1343 = math.exp %sub3A_1342 : vector<16xf32>
    %mul3A_1344 = arith.constant 1.500000e+01 : f32
    %mul3A_1345 = vector.broadcast %mul3A_1344 : f32 to vector<16xf32>
    %mul3A_1346 = arith.mulf %exp3A_1343, %mul3A_1345 : vector<16xf32>
    %convert_element_type3A_1347 = arith.fptosi %mul3A_1346 : vector<16xf32> to vector<16xi32>
    %jit3A_1348 = arith.constant 0 : i32
    %jit3A_1349 = arith.constant 14 : i32
    %max3A_1350 = vector.broadcast %jit3A_1348 : i32 to vector<16xi32>
    %max3A_1351 = arith.maxsi %max3A_1350, %convert_element_type3A_1347 : vector<16xi32>
    %min3A_1352 = vector.broadcast %jit3A_1349 : i32 to vector<16xi32>
    %min3A_1353 = arith.minsi %min3A_1352, %max3A_1351 : vector<16xi32>
    %ge3A_1354 = arith.constant 0 : i32
    %ge3A_1355 = vector.broadcast %ge3A_1354 : i32 to vector<16xi32>
    %ge3A_1356 = arith.cmpi sge, %min3A_1353, %ge3A_1355 : vector<16xi32>
    %jit3A_1357 = arith.constant 1.000000e+00 : f32
    %jit3A_1358 = arith.constant 1.000000e+00 : f32
    %broadcast_in_dim3A_1359 = vector.broadcast %jit3A_1357 : f32 to vector<16xf32>
    %broadcast_in_dim3A_1360 = vector.broadcast %jit3A_1358 : f32 to vector<16xf32>
    %select_n3A_1361 = arith.select %ge3A_1356, %broadcast_in_dim3A_1359, %broadcast_in_dim3A_1360 : vector<16xi1>, vector<16xf32>
    %sign3A_1362 = tpu.bitcast %select_n3A_1361 : vector<16xf32> -> vector<16xi32>
    %sign3A_1363 = arith.constant -2147483648 : i32
    %sign3A_1364 = vector.broadcast %sign3A_1363 : i32 to vector<16xi32>
    %sign3A_1365 = arith.andi %sign3A_1362, %sign3A_1364 : vector<16xi32>
    %sign3A_1366 = arith.constant 1065353216 : i32
    %sign3A_1367 = vector.broadcast %sign3A_1366 : i32 to vector<16xi32>
    %sign3A_1368 = arith.ori %sign3A_1367, %sign3A_1365 : vector<16xi32>
    %sign3A_1369 = tpu.bitcast %sign3A_1368 : vector<16xi32> -> vector<16xf32>
    %sign3A_1370 = math.absf %select_n3A_1361 : vector<16xf32>
    %sign3A_1371 = arith.constant 0.000000e+00 : f32
    %sign3A_1372 = vector.broadcast %sign3A_1371 : f32 to vector<16xf32>
    %sign3A_1373 = arith.cmpf ogt, %sign3A_1370, %sign3A_1372 : vector<16xf32>
    %sign3A_1374 = arith.select %sign3A_1373, %sign3A_1369, %select_n3A_1361 : vector<16xi1>, vector<16xf32>
    %mul3A_1375 = arith.mulf %sign3A_1374, %exp3A_1343 : vector<16xf32>
    %sub3A_1376 = arith.constant 1.000000e+00 : f32
    %sub3A_1377 = vector.broadcast %sub3A_1376 : f32 to vector<16xf32>
    %sub3A_1378 = arith.subf %sub3A_1377, %mul3A_1375 : vector<16xf32>
    %add3A_1379 = arith.constant 9.99999968E-21 : f32
    %add3A_1380 = vector.broadcast %add3A_1379 : f32 to vector<16xf32>
    %add3A_1381 = arith.addf %sub3A_1378, %add3A_1380 : vector<16xf32>
    %mul3A_1382 = arith.constant -1.000000e+00 : f32
    %mul3A_1383 = vector.broadcast %mul3A_1382 : f32 to vector<16xf32>
    %mul3A_1384 = arith.mulf %mul3A_1383, %add3A_1381 : vector<16xf32>
    %mul3A_1385 = arith.mulf %mul3A_1384, %sub3A_1342 : vector<16xf32>
    %add3A_1386 = arith.addf %add3A_1333, %mul3A_1385 : vector<16xf32>
    %get3A_1387 = arith.constant 1 : i32
    %get3A_1388 = arith.index_cast %get3A_1387 : i32 to index
    %get3A_1389 = arith.constant 112 : index
    %get3A_1390 = tpu.vector_load %arg9[%get3A_1388, %get3A_1389] {strides = array<i32>} : memref<4x128xf32, #tpu.memory_space<vmem>>, vector<1x16xf32>,
    %get3A_1391 = vector.shape_cast %get3A_1390 : vector<1x16xf32> to vector<16xf32>
    %get3A_1392 = arith.constant 240 : index
    %get3A_1393 = tpu.vector_load %arg7[%get3A_1392] {strides = array<i32>} : memref<512xf32, #tpu.memory_space<vmem>>, vector<16xf32>,
    %get3A_1394 = vector.shape_cast %get3A_1393 : vector<16xf32> to vector<16xf32>
    %sub3A_1395 = arith.subf %get3A_1391, %get3A_1394 : vector<16xf32>
    %exp3A_1396 = math.exp %sub3A_1395 : vector<16xf32>
    %mul3A_1397 = arith.constant 1.500000e+01 : f32
    %mul3A_1398 = vector.broadcast %mul3A_1397 : f32 to vector<16xf32>
    %mul3A_1399 = arith.mulf %exp3A_1396, %mul3A_1398 : vector<16xf32>
    %convert_element_type3A_1400 = arith.fptosi %mul3A_1399 : vector<16xf32> to vector<16xi32>
    %jit3A_1401 = arith.constant 0 : i32
    %jit3A_1402 = arith.constant 14 : i32
    %max3A_1403 = vector.broadcast %jit3A_1401 : i32 to vector<16xi32>
    %max3A_1404 = arith.maxsi %max3A_1403, %convert_element_type3A_1400 : vector<16xi32>
    %min3A_1405 = vector.broadcast %jit3A_1402 : i32 to vector<16xi32>
    %min3A_1406 = arith.minsi %min3A_1405, %max3A_1404 : vector<16xi32>
    %ge3A_1407 = arith.constant 0 : i32
    %ge3A_1408 = vector.broadcast %ge3A_1407 : i32 to vector<16xi32>
    %ge3A_1409 = arith.cmpi sge, %min3A_1406, %ge3A_1408 : vector<16xi32>
    %jit3A_1410 = arith.constant 1.000000e+00 : f32
    %jit3A_1411 = arith.constant 1.000000e+00 : f32
    %broadcast_in_dim3A_1412 = vector.broadcast %jit3A_1410 : f32 to vector<16xf32>
    %broadcast_in_dim3A_1413 = vector.broadcast %jit3A_1411 : f32 to vector<16xf32>
    %select_n3A_1414 = arith.select %ge3A_1409, %broadcast_in_dim3A_1412, %broadcast_in_dim3A_1413 : vector<16xi1>, vector<16xf32>
    %sign3A_1415 = tpu.bitcast %select_n3A_1414 : vector<16xf32> -> vector<16xi32>
    %sign3A_1416 = arith.constant -2147483648 : i32
    %sign3A_1417 = vector.broadcast %sign3A_1416 : i32 to vector<16xi32>
    %sign3A_1418 = arith.andi %sign3A_1415, %sign3A_1417 : vector<16xi32>
    %sign3A_1419 = arith.constant 1065353216 : i32
    %sign3A_1420 = vector.broadcast %sign3A_1419 : i32 to vector<16xi32>
    %sign3A_1421 = arith.ori %sign3A_1420, %sign3A_1418 : vector<16xi32>
    %sign3A_1422 = tpu.bitcast %sign3A_1421 : vector<16xi32> -> vector<16xf32>
    %sign3A_1423 = math.absf %select_n3A_1414 : vector<16xf32>
    %sign3A_1424 = arith.constant 0.000000e+00 : f32
    %sign3A_1425 = vector.broadcast %sign3A_1424 : f32 to vector<16xf32>
    %sign3A_1426 = arith.cmpf ogt, %sign3A_1423, %sign3A_1425 : vector<16xf32>
    %sign3A_1427 = arith.select %sign3A_1426, %sign3A_1422, %select_n3A_1414 : vector<16xi1>, vector<16xf32>
    %mul3A_1428 = arith.mulf %sign3A_1427, %exp3A_1396 : vector<16xf32>
    %sub3A_1429 = arith.constant 1.000000e+00 : f32
    %sub3A_1430 = vector.broadcast %sub3A_1429 : f32 to vector<16xf32>
    %sub3A_1431 = arith.subf %sub3A_1430, %mul3A_1428 : vector<16xf32>
    %add3A_1432 = arith.constant 9.99999968E-21 : f32
    %add3A_1433 = vector.broadcast %add3A_1432 : f32 to vector<16xf32>
    %add3A_1434 = arith.addf %sub3A_1431, %add3A_1433 : vector<16xf32>
    %mul3A_1435 = arith.constant -1.000000e+00 : f32
    %mul3A_1436 = vector.broadcast %mul3A_1435 : f32 to vector<16xf32>
    %mul3A_1437 = arith.mulf %mul3A_1436, %add3A_1434 : vector<16xf32>
    %mul3A_1438 = arith.mulf %mul3A_1437, %sub3A_1395 : vector<16xf32>
    %add3A_1439 = arith.addf %add3A_1386, %mul3A_1438 : vector<16xf32>
    %get3A_1440 = arith.constant 2 : i32
    %get3A_1441 = arith.index_cast %get3A_1440 : i32 to index
    %get3A_1442 = arith.constant 0 : index
    %get3A_1443 = tpu.vector_load %arg9[%get3A_1441, %get3A_1442] {strides = array<i32>} : memref<4x128xf32, #tpu.memory_space<vmem>>, vector<1x16xf32>,
    %get3A_1444 = vector.shape_cast %get3A_1443 : vector<1x16xf32> to vector<16xf32>
    %get3A_1445 = arith.constant 256 : index
    %get3A_1446 = tpu.vector_load %arg7[%get3A_1445] {strides = array<i32>} : memref<512xf32, #tpu.memory_space<vmem>>, vector<16xf32>,
    %get3A_1447 = vector.shape_cast %get3A_1446 : vector<16xf32> to vector<16xf32>
    %sub3A_1448 = arith.subf %get3A_1444, %get3A_1447 : vector<16xf32>
    %exp3A_1449 = math.exp %sub3A_1448 : vector<16xf32>
    %mul3A_1450 = arith.constant 1.500000e+01 : f32
    %mul3A_1451 = vector.broadcast %mul3A_1450 : f32 to vector<16xf32>
    %mul3A_1452 = arith.mulf %exp3A_1449, %mul3A_1451 : vector<16xf32>
    %convert_element_type3A_1453 = arith.fptosi %mul3A_1452 : vector<16xf32> to vector<16xi32>
    %jit3A_1454 = arith.constant 0 : i32
    %jit3A_1455 = arith.constant 14 : i32
    %max3A_1456 = vector.broadcast %jit3A_1454 : i32 to vector<16xi32>
    %max3A_1457 = arith.maxsi %max3A_1456, %convert_element_type3A_1453 : vector<16xi32>
    %min3A_1458 = vector.broadcast %jit3A_1455 : i32 to vector<16xi32>
    %min3A_1459 = arith.minsi %min3A_1458, %max3A_1457 : vector<16xi32>
    %ge3A_1460 = arith.constant 0 : i32
    %ge3A_1461 = vector.broadcast %ge3A_1460 : i32 to vector<16xi32>
    %ge3A_1462 = arith.cmpi sge, %min3A_1459, %ge3A_1461 : vector<16xi32>
    %jit3A_1463 = arith.constant 1.000000e+00 : f32
    %jit3A_1464 = arith.constant 1.000000e+00 : f32
    %broadcast_in_dim3A_1465 = vector.broadcast %jit3A_1463 : f32 to vector<16xf32>
    %broadcast_in_dim3A_1466 = vector.broadcast %jit3A_1464 : f32 to vector<16xf32>
    %select_n3A_1467 = arith.select %ge3A_1462, %broadcast_in_dim3A_1465, %broadcast_in_dim3A_1466 : vector<16xi1>, vector<16xf32>
    %sign3A_1468 = tpu.bitcast %select_n3A_1467 : vector<16xf32> -> vector<16xi32>
    %sign3A_1469 = arith.constant -2147483648 : i32
    %sign3A_1470 = vector.broadcast %sign3A_1469 : i32 to vector<16xi32>
    %sign3A_1471 = arith.andi %sign3A_1468, %sign3A_1470 : vector<16xi32>
    %sign3A_1472 = arith.constant 1065353216 : i32
    %sign3A_1473 = vector.broadcast %sign3A_1472 : i32 to vector<16xi32>
    %sign3A_1474 = arith.ori %sign3A_1473, %sign3A_1471 : vector<16xi32>
    %sign3A_1475 = tpu.bitcast %sign3A_1474 : vector<16xi32> -> vector<16xf32>
    %sign3A_1476 = math.absf %select_n3A_1467 : vector<16xf32>
    %sign3A_1477 = arith.constant 0.000000e+00 : f32
    %sign3A_1478 = vector.broadcast %sign3A_1477 : f32 to vector<16xf32>
    %sign3A_1479 = arith.cmpf ogt, %sign3A_1476, %sign3A_1478 : vector<16xf32>
    %sign3A_1480 = arith.select %sign3A_1479, %sign3A_1475, %select_n3A_1467 : vector<16xi1>, vector<16xf32>
    %mul3A_1481 = arith.mulf %sign3A_1480, %exp3A_1449 : vector<16xf32>
    %sub3A_1482 = arith.constant 1.000000e+00 : f32
    %sub3A_1483 = vector.broadcast %sub3A_1482 : f32 to vector<16xf32>
    %sub3A_1484 = arith.subf %sub3A_1483, %mul3A_1481 : vector<16xf32>
    %add3A_1485 = arith.constant 9.99999968E-21 : f32
    %add3A_1486 = vector.broadcast %add3A_1485 : f32 to vector<16xf32>
    %add3A_1487 = arith.addf %sub3A_1484, %add3A_1486 : vector<16xf32>
    %mul3A_1488 = arith.constant -1.000000e+00 : f32
    %mul3A_1489 = vector.broadcast %mul3A_1488 : f32 to vector<16xf32>
    %mul3A_1490 = arith.mulf %mul3A_1489, %add3A_1487 : vector<16xf32>
    %mul3A_1491 = arith.mulf %mul3A_1490, %sub3A_1448 : vector<16xf32>
    %add3A_1492 = arith.addf %add3A_1439, %mul3A_1491 : vector<16xf32>
    %get3A_1493 = arith.constant 2 : i32
    %get3A_1494 = arith.index_cast %get3A_1493 : i32 to index
    %get3A_1495 = arith.constant 16 : index
    %get3A_1496 = tpu.vector_load %arg9[%get3A_1494, %get3A_1495] {strides = array<i32>} : memref<4x128xf32, #tpu.memory_space<vmem>>, vector<1x16xf32>,
    %get3A_1497 = vector.shape_cast %get3A_1496 : vector<1x16xf32> to vector<16xf32>
    %get3A_1498 = arith.constant 272 : index
    %get3A_1499 = tpu.vector_load %arg7[%get3A_1498] {strides = array<i32>} : memref<512xf32, #tpu.memory_space<vmem>>, vector<16xf32>,
    %get3A_1500 = vector.shape_cast %get3A_1499 : vector<16xf32> to vector<16xf32>
    %sub3A_1501 = arith.subf %get3A_1497, %get3A_1500 : vector<16xf32>
    %exp3A_1502 = math.exp %sub3A_1501 : vector<16xf32>
    %mul3A_1503 = arith.constant 1.500000e+01 : f32
    %mul3A_1504 = vector.broadcast %mul3A_1503 : f32 to vector<16xf32>
    %mul3A_1505 = arith.mulf %exp3A_1502, %mul3A_1504 : vector<16xf32>
    %convert_element_type3A_1506 = arith.fptosi %mul3A_1505 : vector<16xf32> to vector<16xi32>
    %jit3A_1507 = arith.constant 0 : i32
    %jit3A_1508 = arith.constant 14 : i32
    %max3A_1509 = vector.broadcast %jit3A_1507 : i32 to vector<16xi32>
    %max3A_1510 = arith.maxsi %max3A_1509, %convert_element_type3A_1506 : vector<16xi32>
    %min3A_1511 = vector.broadcast %jit3A_1508 : i32 to vector<16xi32>
    %min3A_1512 = arith.minsi %min3A_1511, %max3A_1510 : vector<16xi32>
    %ge3A_1513 = arith.constant 0 : i32
    %ge3A_1514 = vector.broadcast %ge3A_1513 : i32 to vector<16xi32>
    %ge3A_1515 = arith.cmpi sge, %min3A_1512, %ge3A_1514 : vector<16xi32>
    %jit3A_1516 = arith.constant 1.000000e+00 : f32
    %jit3A_1517 = arith.constant 1.000000e+00 : f32
    %broadcast_in_dim3A_1518 = vector.broadcast %jit3A_1516 : f32 to vector<16xf32>
    %broadcast_in_dim3A_1519 = vector.broadcast %jit3A_1517 : f32 to vector<16xf32>
    %select_n3A_1520 = arith.select %ge3A_1515, %broadcast_in_dim3A_1518, %broadcast_in_dim3A_1519 : vector<16xi1>, vector<16xf32>
    %sign3A_1521 = tpu.bitcast %select_n3A_1520 : vector<16xf32> -> vector<16xi32>
    %sign3A_1522 = arith.constant -2147483648 : i32
    %sign3A_1523 = vector.broadcast %sign3A_1522 : i32 to vector<16xi32>
    %sign3A_1524 = arith.andi %sign3A_1521, %sign3A_1523 : vector<16xi32>
    %sign3A_1525 = arith.constant 1065353216 : i32
    %sign3A_1526 = vector.broadcast %sign3A_1525 : i32 to vector<16xi32>
    %sign3A_1527 = arith.ori %sign3A_1526, %sign3A_1524 : vector<16xi32>
    %sign3A_1528 = tpu.bitcast %sign3A_1527 : vector<16xi32> -> vector<16xf32>
    %sign3A_1529 = math.absf %select_n3A_1520 : vector<16xf32>
    %sign3A_1530 = arith.constant 0.000000e+00 : f32
    %sign3A_1531 = vector.broadcast %sign3A_1530 : f32 to vector<16xf32>
    %sign3A_1532 = arith.cmpf ogt, %sign3A_1529, %sign3A_1531 : vector<16xf32>
    %sign3A_1533 = arith.select %sign3A_1532, %sign3A_1528, %select_n3A_1520 : vector<16xi1>, vector<16xf32>
    %mul3A_1534 = arith.mulf %sign3A_1533, %exp3A_1502 : vector<16xf32>
    %sub3A_1535 = arith.constant 1.000000e+00 : f32
    %sub3A_1536 = vector.broadcast %sub3A_1535 : f32 to vector<16xf32>
    %sub3A_1537 = arith.subf %sub3A_1536, %mul3A_1534 : vector<16xf32>
    %add3A_1538 = arith.constant 9.99999968E-21 : f32
    %add3A_1539 = vector.broadcast %add3A_1538 : f32 to vector<16xf32>
    %add3A_1540 = arith.addf %sub3A_1537, %add3A_1539 : vector<16xf32>
    %mul3A_1541 = arith.constant -1.000000e+00 : f32
    %mul3A_1542 = vector.broadcast %mul3A_1541 : f32 to vector<16xf32>
    %mul3A_1543 = arith.mulf %mul3A_1542, %add3A_1540 : vector<16xf32>
    %mul3A_1544 = arith.mulf %mul3A_1543, %sub3A_1501 : vector<16xf32>
    %add3A_1545 = arith.addf %add3A_1492, %mul3A_1544 : vector<16xf32>
    %get3A_1546 = arith.constant 2 : i32
    %get3A_1547 = arith.index_cast %get3A_1546 : i32 to index
    %get3A_1548 = arith.constant 32 : index
    %get3A_1549 = tpu.vector_load %arg9[%get3A_1547, %get3A_1548] {strides = array<i32>} : memref<4x128xf32, #tpu.memory_space<vmem>>, vector<1x16xf32>,
    %get3A_1550 = vector.shape_cast %get3A_1549 : vector<1x16xf32> to vector<16xf32>
    %get3A_1551 = arith.constant 288 : index
    %get3A_1552 = tpu.vector_load %arg7[%get3A_1551] {strides = array<i32>} : memref<512xf32, #tpu.memory_space<vmem>>, vector<16xf32>,
    %get3A_1553 = vector.shape_cast %get3A_1552 : vector<16xf32> to vector<16xf32>
    %sub3A_1554 = arith.subf %get3A_1550, %get3A_1553 : vector<16xf32>
    %exp3A_1555 = math.exp %sub3A_1554 : vector<16xf32>
    %mul3A_1556 = arith.constant 1.500000e+01 : f32
    %mul3A_1557 = vector.broadcast %mul3A_1556 : f32 to vector<16xf32>
    %mul3A_1558 = arith.mulf %exp3A_1555, %mul3A_1557 : vector<16xf32>
    %convert_element_type3A_1559 = arith.fptosi %mul3A_1558 : vector<16xf32> to vector<16xi32>
    %jit3A_1560 = arith.constant 0 : i32
    %jit3A_1561 = arith.constant 14 : i32
    %max3A_1562 = vector.broadcast %jit3A_1560 : i32 to vector<16xi32>
    %max3A_1563 = arith.maxsi %max3A_1562, %convert_element_type3A_1559 : vector<16xi32>
    %min3A_1564 = vector.broadcast %jit3A_1561 : i32 to vector<16xi32>
    %min3A_1565 = arith.minsi %min3A_1564, %max3A_1563 : vector<16xi32>
    %ge3A_1566 = arith.constant 0 : i32
    %ge3A_1567 = vector.broadcast %ge3A_1566 : i32 to vector<16xi32>
    %ge3A_1568 = arith.cmpi sge, %min3A_1565, %ge3A_1567 : vector<16xi32>
    %jit3A_1569 = arith.constant 1.000000e+00 : f32
    %jit3A_1570 = arith.constant 1.000000e+00 : f32
    %broadcast_in_dim3A_1571 = vector.broadcast %jit3A_1569 : f32 to vector<16xf32>
    %broadcast_in_dim3A_1572 = vector.broadcast %jit3A_1570 : f32 to vector<16xf32>
    %select_n3A_1573 = arith.select %ge3A_1568, %broadcast_in_dim3A_1571, %broadcast_in_dim3A_1572 : vector<16xi1>, vector<16xf32>
    %sign3A_1574 = tpu.bitcast %select_n3A_1573 : vector<16xf32> -> vector<16xi32>
    %sign3A_1575 = arith.constant -2147483648 : i32
    %sign3A_1576 = vector.broadcast %sign3A_1575 : i32 to vector<16xi32>
    %sign3A_1577 = arith.andi %sign3A_1574, %sign3A_1576 : vector<16xi32>
    %sign3A_1578 = arith.constant 1065353216 : i32
    %sign3A_1579 = vector.broadcast %sign3A_1578 : i32 to vector<16xi32>
    %sign3A_1580 = arith.ori %sign3A_1579, %sign3A_1577 : vector<16xi32>
    %sign3A_1581 = tpu.bitcast %sign3A_1580 : vector<16xi32> -> vector<16xf32>
    %sign3A_1582 = math.absf %select_n3A_1573 : vector<16xf32>
    %sign3A_1583 = arith.constant 0.000000e+00 : f32
    %sign3A_1584 = vector.broadcast %sign3A_1583 : f32 to vector<16xf32>
    %sign3A_1585 = arith.cmpf ogt, %sign3A_1582, %sign3A_1584 : vector<16xf32>
    %sign3A_1586 = arith.select %sign3A_1585, %sign3A_1581, %select_n3A_1573 : vector<16xi1>, vector<16xf32>
    %mul3A_1587 = arith.mulf %sign3A_1586, %exp3A_1555 : vector<16xf32>
    %sub3A_1588 = arith.constant 1.000000e+00 : f32
    %sub3A_1589 = vector.broadcast %sub3A_1588 : f32 to vector<16xf32>
    %sub3A_1590 = arith.subf %sub3A_1589, %mul3A_1587 : vector<16xf32>
    %add3A_1591 = arith.constant 9.99999968E-21 : f32
    %add3A_1592 = vector.broadcast %add3A_1591 : f32 to vector<16xf32>
    %add3A_1593 = arith.addf %sub3A_1590, %add3A_1592 : vector<16xf32>
    %mul3A_1594 = arith.constant -1.000000e+00 : f32
    %mul3A_1595 = vector.broadcast %mul3A_1594 : f32 to vector<16xf32>
    %mul3A_1596 = arith.mulf %mul3A_1595, %add3A_1593 : vector<16xf32>
    %mul3A_1597 = arith.mulf %mul3A_1596, %sub3A_1554 : vector<16xf32>
    %add3A_1598 = arith.addf %add3A_1545, %mul3A_1597 : vector<16xf32>
    %get3A_1599 = arith.constant 2 : i32
    %get3A_1600 = arith.index_cast %get3A_1599 : i32 to index
    %get3A_1601 = arith.constant 48 : index
    %get3A_1602 = tpu.vector_load %arg9[%get3A_1600, %get3A_1601] {strides = array<i32>} : memref<4x128xf32, #tpu.memory_space<vmem>>, vector<1x16xf32>,
    %get3A_1603 = vector.shape_cast %get3A_1602 : vector<1x16xf32> to vector<16xf32>
    %get3A_1604 = arith.constant 304 : index
    %get3A_1605 = tpu.vector_load %arg7[%get3A_1604] {strides = array<i32>} : memref<512xf32, #tpu.memory_space<vmem>>, vector<16xf32>,
    %get3A_1606 = vector.shape_cast %get3A_1605 : vector<16xf32> to vector<16xf32>
    %sub3A_1607 = arith.subf %get3A_1603, %get3A_1606 : vector<16xf32>
    %exp3A_1608 = math.exp %sub3A_1607 : vector<16xf32>
    %mul3A_1609 = arith.constant 1.500000e+01 : f32
    %mul3A_1610 = vector.broadcast %mul3A_1609 : f32 to vector<16xf32>
    %mul3A_1611 = arith.mulf %exp3A_1608, %mul3A_1610 : vector<16xf32>
    %convert_element_type3A_1612 = arith.fptosi %mul3A_1611 : vector<16xf32> to vector<16xi32>
    %jit3A_1613 = arith.constant 0 : i32
    %jit3A_1614 = arith.constant 14 : i32
    %max3A_1615 = vector.broadcast %jit3A_1613 : i32 to vector<16xi32>
    %max3A_1616 = arith.maxsi %max3A_1615, %convert_element_type3A_1612 : vector<16xi32>
    %min3A_1617 = vector.broadcast %jit3A_1614 : i32 to vector<16xi32>
    %min3A_1618 = arith.minsi %min3A_1617, %max3A_1616 : vector<16xi32>
    %ge3A_1619 = arith.constant 0 : i32
    %ge3A_1620 = vector.broadcast %ge3A_1619 : i32 to vector<16xi32>
    %ge3A_1621 = arith.cmpi sge, %min3A_1618, %ge3A_1620 : vector<16xi32>
    %jit3A_1622 = arith.constant 1.000000e+00 : f32
    %jit3A_1623 = arith.constant 1.000000e+00 : f32
    %broadcast_in_dim3A_1624 = vector.broadcast %jit3A_1622 : f32 to vector<16xf32>
    %broadcast_in_dim3A_1625 = vector.broadcast %jit3A_1623 : f32 to vector<16xf32>
    %select_n3A_1626 = arith.select %ge3A_1621, %broadcast_in_dim3A_1624, %broadcast_in_dim3A_1625 : vector<16xi1>, vector<16xf32>
    %sign3A_1627 = tpu.bitcast %select_n3A_1626 : vector<16xf32> -> vector<16xi32>
    %sign3A_1628 = arith.constant -2147483648 : i32
    %sign3A_1629 = vector.broadcast %sign3A_1628 : i32 to vector<16xi32>
    %sign3A_1630 = arith.andi %sign3A_1627, %sign3A_1629 : vector<16xi32>
    %sign3A_1631 = arith.constant 1065353216 : i32
    %sign3A_1632 = vector.broadcast %sign3A_1631 : i32 to vector<16xi32>
    %sign3A_1633 = arith.ori %sign3A_1632, %sign3A_1630 : vector<16xi32>
    %sign3A_1634 = tpu.bitcast %sign3A_1633 : vector<16xi32> -> vector<16xf32>
    %sign3A_1635 = math.absf %select_n3A_1626 : vector<16xf32>
    %sign3A_1636 = arith.constant 0.000000e+00 : f32
    %sign3A_1637 = vector.broadcast %sign3A_1636 : f32 to vector<16xf32>
    %sign3A_1638 = arith.cmpf ogt, %sign3A_1635, %sign3A_1637 : vector<16xf32>
    %sign3A_1639 = arith.select %sign3A_1638, %sign3A_1634, %select_n3A_1626 : vector<16xi1>, vector<16xf32>
    %mul3A_1640 = arith.mulf %sign3A_1639, %exp3A_1608 : vector<16xf32>
    %sub3A_1641 = arith.constant 1.000000e+00 : f32
    %sub3A_1642 = vector.broadcast %sub3A_1641 : f32 to vector<16xf32>
    %sub3A_1643 = arith.subf %sub3A_1642, %mul3A_1640 : vector<16xf32>
    %add3A_1644 = arith.constant 9.99999968E-21 : f32
    %add3A_1645 = vector.broadcast %add3A_1644 : f32 to vector<16xf32>
    %add3A_1646 = arith.addf %sub3A_1643, %add3A_1645 : vector<16xf32>
    %mul3A_1647 = arith.constant -1.000000e+00 : f32
    %mul3A_1648 = vector.broadcast %mul3A_1647 : f32 to vector<16xf32>
    %mul3A_1649 = arith.mulf %mul3A_1648, %add3A_1646 : vector<16xf32>
    %mul3A_1650 = arith.mulf %mul3A_1649, %sub3A_1607 : vector<16xf32>
    %add3A_1651 = arith.addf %add3A_1598, %mul3A_1650 : vector<16xf32>
    %get3A_1652 = arith.constant 2 : i32
    %get3A_1653 = arith.index_cast %get3A_1652 : i32 to index
    %get3A_1654 = arith.constant 64 : index
    %get3A_1655 = tpu.vector_load %arg9[%get3A_1653, %get3A_1654] {strides = array<i32>} : memref<4x128xf32, #tpu.memory_space<vmem>>, vector<1x16xf32>,
    %get3A_1656 = vector.shape_cast %get3A_1655 : vector<1x16xf32> to vector<16xf32>
    %get3A_1657 = arith.constant 320 : index
    %get3A_1658 = tpu.vector_load %arg7[%get3A_1657] {strides = array<i32>} : memref<512xf32, #tpu.memory_space<vmem>>, vector<16xf32>,
    %get3A_1659 = vector.shape_cast %get3A_1658 : vector<16xf32> to vector<16xf32>
    %sub3A_1660 = arith.subf %get3A_1656, %get3A_1659 : vector<16xf32>
    %exp3A_1661 = math.exp %sub3A_1660 : vector<16xf32>
    %mul3A_1662 = arith.constant 1.500000e+01 : f32
    %mul3A_1663 = vector.broadcast %mul3A_1662 : f32 to vector<16xf32>
    %mul3A_1664 = arith.mulf %exp3A_1661, %mul3A_1663 : vector<16xf32>
    %convert_element_type3A_1665 = arith.fptosi %mul3A_1664 : vector<16xf32> to vector<16xi32>
    %jit3A_1666 = arith.constant 0 : i32
    %jit3A_1667 = arith.constant 14 : i32
    %max3A_1668 = vector.broadcast %jit3A_1666 : i32 to vector<16xi32>
    %max3A_1669 = arith.maxsi %max3A_1668, %convert_element_type3A_1665 : vector<16xi32>
    %min3A_1670 = vector.broadcast %jit3A_1667 : i32 to vector<16xi32>
    %min3A_1671 = arith.minsi %min3A_1670, %max3A_1669 : vector<16xi32>
    %ge3A_1672 = arith.constant 0 : i32
    %ge3A_1673 = vector.broadcast %ge3A_1672 : i32 to vector<16xi32>
    %ge3A_1674 = arith.cmpi sge, %min3A_1671, %ge3A_1673 : vector<16xi32>
    %jit3A_1675 = arith.constant 1.000000e+00 : f32
    %jit3A_1676 = arith.constant 1.000000e+00 : f32
    %broadcast_in_dim3A_1677 = vector.broadcast %jit3A_1675 : f32 to vector<16xf32>
    %broadcast_in_dim3A_1678 = vector.broadcast %jit3A_1676 : f32 to vector<16xf32>
    %select_n3A_1679 = arith.select %ge3A_1674, %broadcast_in_dim3A_1677, %broadcast_in_dim3A_1678 : vector<16xi1>, vector<16xf32>
    %sign3A_1680 = tpu.bitcast %select_n3A_1679 : vector<16xf32> -> vector<16xi32>
    %sign3A_1681 = arith.constant -2147483648 : i32
    %sign3A_1682 = vector.broadcast %sign3A_1681 : i32 to vector<16xi32>
    %sign3A_1683 = arith.andi %sign3A_1680, %sign3A_1682 : vector<16xi32>
    %sign3A_1684 = arith.constant 1065353216 : i32
    %sign3A_1685 = vector.broadcast %sign3A_1684 : i32 to vector<16xi32>
    %sign3A_1686 = arith.ori %sign3A_1685, %sign3A_1683 : vector<16xi32>
    %sign3A_1687 = tpu.bitcast %sign3A_1686 : vector<16xi32> -> vector<16xf32>
    %sign3A_1688 = math.absf %select_n3A_1679 : vector<16xf32>
    %sign3A_1689 = arith.constant 0.000000e+00 : f32
    %sign3A_1690 = vector.broadcast %sign3A_1689 : f32 to vector<16xf32>
    %sign3A_1691 = arith.cmpf ogt, %sign3A_1688, %sign3A_1690 : vector<16xf32>
    %sign3A_1692 = arith.select %sign3A_1691, %sign3A_1687, %select_n3A_1679 : vector<16xi1>, vector<16xf32>
    %mul3A_1693 = arith.mulf %sign3A_1692, %exp3A_1661 : vector<16xf32>
    %sub3A_1694 = arith.constant 1.000000e+00 : f32
    %sub3A_1695 = vector.broadcast %sub3A_1694 : f32 to vector<16xf32>
    %sub3A_1696 = arith.subf %sub3A_1695, %mul3A_1693 : vector<16xf32>
    %add3A_1697 = arith.constant 9.99999968E-21 : f32
    %add3A_1698 = vector.broadcast %add3A_1697 : f32 to vector<16xf32>
    %add3A_1699 = arith.addf %sub3A_1696, %add3A_1698 : vector<16xf32>
    %mul3A_1700 = arith.constant -1.000000e+00 : f32
    %mul3A_1701 = vector.broadcast %mul3A_1700 : f32 to vector<16xf32>
    %mul3A_1702 = arith.mulf %mul3A_1701, %add3A_1699 : vector<16xf32>
    %mul3A_1703 = arith.mulf %mul3A_1702, %sub3A_1660 : vector<16xf32>
    %add3A_1704 = arith.addf %add3A_1651, %mul3A_1703 : vector<16xf32>
    %get3A_1705 = arith.constant 2 : i32
    %get3A_1706 = arith.index_cast %get3A_1705 : i32 to index
    %get3A_1707 = arith.constant 80 : index
    %get3A_1708 = tpu.vector_load %arg9[%get3A_1706, %get3A_1707] {strides = array<i32>} : memref<4x128xf32, #tpu.memory_space<vmem>>, vector<1x16xf32>,
    %get3A_1709 = vector.shape_cast %get3A_1708 : vector<1x16xf32> to vector<16xf32>
    %get3A_1710 = arith.constant 336 : index
    %get3A_1711 = tpu.vector_load %arg7[%get3A_1710] {strides = array<i32>} : memref<512xf32, #tpu.memory_space<vmem>>, vector<16xf32>,
    %get3A_1712 = vector.shape_cast %get3A_1711 : vector<16xf32> to vector<16xf32>
    %sub3A_1713 = arith.subf %get3A_1709, %get3A_1712 : vector<16xf32>
    %exp3A_1714 = math.exp %sub3A_1713 : vector<16xf32>
    %mul3A_1715 = arith.constant 1.500000e+01 : f32
    %mul3A_1716 = vector.broadcast %mul3A_1715 : f32 to vector<16xf32>
    %mul3A_1717 = arith.mulf %exp3A_1714, %mul3A_1716 : vector<16xf32>
    %convert_element_type3A_1718 = arith.fptosi %mul3A_1717 : vector<16xf32> to vector<16xi32>
    %jit3A_1719 = arith.constant 0 : i32
    %jit3A_1720 = arith.constant 14 : i32
    %max3A_1721 = vector.broadcast %jit3A_1719 : i32 to vector<16xi32>
    %max3A_1722 = arith.maxsi %max3A_1721, %convert_element_type3A_1718 : vector<16xi32>
    %min3A_1723 = vector.broadcast %jit3A_1720 : i32 to vector<16xi32>
    %min3A_1724 = arith.minsi %min3A_1723, %max3A_1722 : vector<16xi32>
    %ge3A_1725 = arith.constant 0 : i32
    %ge3A_1726 = vector.broadcast %ge3A_1725 : i32 to vector<16xi32>
    %ge3A_1727 = arith.cmpi sge, %min3A_1724, %ge3A_1726 : vector<16xi32>
    %jit3A_1728 = arith.constant 1.000000e+00 : f32
    %jit3A_1729 = arith.constant 1.000000e+00 : f32
    %broadcast_in_dim3A_1730 = vector.broadcast %jit3A_1728 : f32 to vector<16xf32>
    %broadcast_in_dim3A_1731 = vector.broadcast %jit3A_1729 : f32 to vector<16xf32>
    %select_n3A_1732 = arith.select %ge3A_1727, %broadcast_in_dim3A_1730, %broadcast_in_dim3A_1731 : vector<16xi1>, vector<16xf32>
    %sign3A_1733 = tpu.bitcast %select_n3A_1732 : vector<16xf32> -> vector<16xi32>
    %sign3A_1734 = arith.constant -2147483648 : i32
    %sign3A_1735 = vector.broadcast %sign3A_1734 : i32 to vector<16xi32>
    %sign3A_1736 = arith.andi %sign3A_1733, %sign3A_1735 : vector<16xi32>
    %sign3A_1737 = arith.constant 1065353216 : i32
    %sign3A_1738 = vector.broadcast %sign3A_1737 : i32 to vector<16xi32>
    %sign3A_1739 = arith.ori %sign3A_1738, %sign3A_1736 : vector<16xi32>
    %sign3A_1740 = tpu.bitcast %sign3A_1739 : vector<16xi32> -> vector<16xf32>
    %sign3A_1741 = math.absf %select_n3A_1732 : vector<16xf32>
    %sign3A_1742 = arith.constant 0.000000e+00 : f32
    %sign3A_1743 = vector.broadcast %sign3A_1742 : f32 to vector<16xf32>
    %sign3A_1744 = arith.cmpf ogt, %sign3A_1741, %sign3A_1743 : vector<16xf32>
    %sign3A_1745 = arith.select %sign3A_1744, %sign3A_1740, %select_n3A_1732 : vector<16xi1>, vector<16xf32>
    %mul3A_1746 = arith.mulf %sign3A_1745, %exp3A_1714 : vector<16xf32>
    %sub3A_1747 = arith.constant 1.000000e+00 : f32
    %sub3A_1748 = vector.broadcast %sub3A_1747 : f32 to vector<16xf32>
    %sub3A_1749 = arith.subf %sub3A_1748, %mul3A_1746 : vector<16xf32>
    %add3A_1750 = arith.constant 9.99999968E-21 : f32
    %add3A_1751 = vector.broadcast %add3A_1750 : f32 to vector<16xf32>
    %add3A_1752 = arith.addf %sub3A_1749, %add3A_1751 : vector<16xf32>
    %mul3A_1753 = arith.constant -1.000000e+00 : f32
    %mul3A_1754 = vector.broadcast %mul3A_1753 : f32 to vector<16xf32>
    %mul3A_1755 = arith.mulf %mul3A_1754, %add3A_1752 : vector<16xf32>
    %mul3A_1756 = arith.mulf %mul3A_1755, %sub3A_1713 : vector<16xf32>
    %add3A_1757 = arith.addf %add3A_1704, %mul3A_1756 : vector<16xf32>
    %get3A_1758 = arith.constant 2 : i32
    %get3A_1759 = arith.index_cast %get3A_1758 : i32 to index
    %get3A_1760 = arith.constant 96 : index
    %get3A_1761 = tpu.vector_load %arg9[%get3A_1759, %get3A_1760] {strides = array<i32>} : memref<4x128xf32, #tpu.memory_space<vmem>>, vector<1x16xf32>,
    %get3A_1762 = vector.shape_cast %get3A_1761 : vector<1x16xf32> to vector<16xf32>
    %get3A_1763 = arith.constant 352 : index
    %get3A_1764 = tpu.vector_load %arg7[%get3A_1763] {strides = array<i32>} : memref<512xf32, #tpu.memory_space<vmem>>, vector<16xf32>,
    %get3A_1765 = vector.shape_cast %get3A_1764 : vector<16xf32> to vector<16xf32>
    %sub3A_1766 = arith.subf %get3A_1762, %get3A_1765 : vector<16xf32>
    %exp3A_1767 = math.exp %sub3A_1766 : vector<16xf32>
    %mul3A_1768 = arith.constant 1.500000e+01 : f32
    %mul3A_1769 = vector.broadcast %mul3A_1768 : f32 to vector<16xf32>
    %mul3A_1770 = arith.mulf %exp3A_1767, %mul3A_1769 : vector<16xf32>
    %convert_element_type3A_1771 = arith.fptosi %mul3A_1770 : vector<16xf32> to vector<16xi32>
    %jit3A_1772 = arith.constant 0 : i32
    %jit3A_1773 = arith.constant 14 : i32
    %max3A_1774 = vector.broadcast %jit3A_1772 : i32 to vector<16xi32>
    %max3A_1775 = arith.maxsi %max3A_1774, %convert_element_type3A_1771 : vector<16xi32>
    %min3A_1776 = vector.broadcast %jit3A_1773 : i32 to vector<16xi32>
    %min3A_1777 = arith.minsi %min3A_1776, %max3A_1775 : vector<16xi32>
    %ge3A_1778 = arith.constant 0 : i32
    %ge3A_1779 = vector.broadcast %ge3A_1778 : i32 to vector<16xi32>
    %ge3A_1780 = arith.cmpi sge, %min3A_1777, %ge3A_1779 : vector<16xi32>
    %jit3A_1781 = arith.constant 1.000000e+00 : f32
    %jit3A_1782 = arith.constant 1.000000e+00 : f32
    %broadcast_in_dim3A_1783 = vector.broadcast %jit3A_1781 : f32 to vector<16xf32>
    %broadcast_in_dim3A_1784 = vector.broadcast %jit3A_1782 : f32 to vector<16xf32>
    %select_n3A_1785 = arith.select %ge3A_1780, %broadcast_in_dim3A_1783, %broadcast_in_dim3A_1784 : vector<16xi1>, vector<16xf32>
    %sign3A_1786 = tpu.bitcast %select_n3A_1785 : vector<16xf32> -> vector<16xi32>
    %sign3A_1787 = arith.constant -2147483648 : i32
    %sign3A_1788 = vector.broadcast %sign3A_1787 : i32 to vector<16xi32>
    %sign3A_1789 = arith.andi %sign3A_1786, %sign3A_1788 : vector<16xi32>
    %sign3A_1790 = arith.constant 1065353216 : i32
    %sign3A_1791 = vector.broadcast %sign3A_1790 : i32 to vector<16xi32>
    %sign3A_1792 = arith.ori %sign3A_1791, %sign3A_1789 : vector<16xi32>
    %sign3A_1793 = tpu.bitcast %sign3A_1792 : vector<16xi32> -> vector<16xf32>
    %sign3A_1794 = math.absf %select_n3A_1785 : vector<16xf32>
    %sign3A_1795 = arith.constant 0.000000e+00 : f32
    %sign3A_1796 = vector.broadcast %sign3A_1795 : f32 to vector<16xf32>
    %sign3A_1797 = arith.cmpf ogt, %sign3A_1794, %sign3A_1796 : vector<16xf32>
    %sign3A_1798 = arith.select %sign3A_1797, %sign3A_1793, %select_n3A_1785 : vector<16xi1>, vector<16xf32>
    %mul3A_1799 = arith.mulf %sign3A_1798, %exp3A_1767 : vector<16xf32>
    %sub3A_1800 = arith.constant 1.000000e+00 : f32
    %sub3A_1801 = vector.broadcast %sub3A_1800 : f32 to vector<16xf32>
    %sub3A_1802 = arith.subf %sub3A_1801, %mul3A_1799 : vector<16xf32>
    %add3A_1803 = arith.constant 9.99999968E-21 : f32
    %add3A_1804 = vector.broadcast %add3A_1803 : f32 to vector<16xf32>
    %add3A_1805 = arith.addf %sub3A_1802, %add3A_1804 : vector<16xf32>
    %mul3A_1806 = arith.constant -1.000000e+00 : f32
    %mul3A_1807 = vector.broadcast %mul3A_1806 : f32 to vector<16xf32>
    %mul3A_1808 = arith.mulf %mul3A_1807, %add3A_1805 : vector<16xf32>
    %mul3A_1809 = arith.mulf %mul3A_1808, %sub3A_1766 : vector<16xf32>
    %add3A_1810 = arith.addf %add3A_1757, %mul3A_1809 : vector<16xf32>
    %get3A_1811 = arith.constant 2 : i32
    %get3A_1812 = arith.index_cast %get3A_1811 : i32 to index
    %get3A_1813 = arith.constant 112 : index
    %get3A_1814 = tpu.vector_load %arg9[%get3A_1812, %get3A_1813] {strides = array<i32>} : memref<4x128xf32, #tpu.memory_space<vmem>>, vector<1x16xf32>,
    %get3A_1815 = vector.shape_cast %get3A_1814 : vector<1x16xf32> to vector<16xf32>
    %get3A_1816 = arith.constant 368 : index
    %get3A_1817 = tpu.vector_load %arg7[%get3A_1816] {strides = array<i32>} : memref<512xf32, #tpu.memory_space<vmem>>, vector<16xf32>,
    %get3A_1818 = vector.shape_cast %get3A_1817 : vector<16xf32> to vector<16xf32>
    %sub3A_1819 = arith.subf %get3A_1815, %get3A_1818 : vector<16xf32>
    %exp3A_1820 = math.exp %sub3A_1819 : vector<16xf32>
    %mul3A_1821 = arith.constant 1.500000e+01 : f32
    %mul3A_1822 = vector.broadcast %mul3A_1821 : f32 to vector<16xf32>
    %mul3A_1823 = arith.mulf %exp3A_1820, %mul3A_1822 : vector<16xf32>
    %convert_element_type3A_1824 = arith.fptosi %mul3A_1823 : vector<16xf32> to vector<16xi32>
    %jit3A_1825 = arith.constant 0 : i32
    %jit3A_1826 = arith.constant 14 : i32
    %max3A_1827 = vector.broadcast %jit3A_1825 : i32 to vector<16xi32>
    %max3A_1828 = arith.maxsi %max3A_1827, %convert_element_type3A_1824 : vector<16xi32>
    %min3A_1829 = vector.broadcast %jit3A_1826 : i32 to vector<16xi32>
    %min3A_1830 = arith.minsi %min3A_1829, %max3A_1828 : vector<16xi32>
    %ge3A_1831 = arith.constant 0 : i32
    %ge3A_1832 = vector.broadcast %ge3A_1831 : i32 to vector<16xi32>
    %ge3A_1833 = arith.cmpi sge, %min3A_1830, %ge3A_1832 : vector<16xi32>
    %jit3A_1834 = arith.constant 1.000000e+00 : f32
    %jit3A_1835 = arith.constant 1.000000e+00 : f32
    %broadcast_in_dim3A_1836 = vector.broadcast %jit3A_1834 : f32 to vector<16xf32>
    %broadcast_in_dim3A_1837 = vector.broadcast %jit3A_1835 : f32 to vector<16xf32>
    %select_n3A_1838 = arith.select %ge3A_1833, %broadcast_in_dim3A_1836, %broadcast_in_dim3A_1837 : vector<16xi1>, vector<16xf32>
    %sign3A_1839 = tpu.bitcast %select_n3A_1838 : vector<16xf32> -> vector<16xi32>
    %sign3A_1840 = arith.constant -2147483648 : i32
    %sign3A_1841 = vector.broadcast %sign3A_1840 : i32 to vector<16xi32>
    %sign3A_1842 = arith.andi %sign3A_1839, %sign3A_1841 : vector<16xi32>
    %sign3A_1843 = arith.constant 1065353216 : i32
    %sign3A_1844 = vector.broadcast %sign3A_1843 : i32 to vector<16xi32>
    %sign3A_1845 = arith.ori %sign3A_1844, %sign3A_1842 : vector<16xi32>
    %sign3A_1846 = tpu.bitcast %sign3A_1845 : vector<16xi32> -> vector<16xf32>
    %sign3A_1847 = math.absf %select_n3A_1838 : vector<16xf32>
    %sign3A_1848 = arith.constant 0.000000e+00 : f32
    %sign3A_1849 = vector.broadcast %sign3A_1848 : f32 to vector<16xf32>
    %sign3A_1850 = arith.cmpf ogt, %sign3A_1847, %sign3A_1849 : vector<16xf32>
    %sign3A_1851 = arith.select %sign3A_1850, %sign3A_1846, %select_n3A_1838 : vector<16xi1>, vector<16xf32>
    %mul3A_1852 = arith.mulf %sign3A_1851, %exp3A_1820 : vector<16xf32>
    %sub3A_1853 = arith.constant 1.000000e+00 : f32
    %sub3A_1854 = vector.broadcast %sub3A_1853 : f32 to vector<16xf32>
    %sub3A_1855 = arith.subf %sub3A_1854, %mul3A_1852 : vector<16xf32>
    %add3A_1856 = arith.constant 9.99999968E-21 : f32
    %add3A_1857 = vector.broadcast %add3A_1856 : f32 to vector<16xf32>
    %add3A_1858 = arith.addf %sub3A_1855, %add3A_1857 : vector<16xf32>
    %mul3A_1859 = arith.constant -1.000000e+00 : f32
    %mul3A_1860 = vector.broadcast %mul3A_1859 : f32 to vector<16xf32>
    %mul3A_1861 = arith.mulf %mul3A_1860, %add3A_1858 : vector<16xf32>
    %mul3A_1862 = arith.mulf %mul3A_1861, %sub3A_1819 : vector<16xf32>
    %add3A_1863 = arith.addf %add3A_1810, %mul3A_1862 : vector<16xf32>
    %get3A_1864 = arith.constant 3 : i32
    %get3A_1865 = arith.index_cast %get3A_1864 : i32 to index
    %get3A_1866 = arith.constant 0 : index
    %get3A_1867 = tpu.vector_load %arg9[%get3A_1865, %get3A_1866] {strides = array<i32>} : memref<4x128xf32, #tpu.memory_space<vmem>>, vector<1x16xf32>,
    %get3A_1868 = vector.shape_cast %get3A_1867 : vector<1x16xf32> to vector<16xf32>
    %get3A_1869 = arith.constant 384 : index
    %get3A_1870 = tpu.vector_load %arg7[%get3A_1869] {strides = array<i32>} : memref<512xf32, #tpu.memory_space<vmem>>, vector<16xf32>,
    %get3A_1871 = vector.shape_cast %get3A_1870 : vector<16xf32> to vector<16xf32>
    %sub3A_1872 = arith.subf %get3A_1868, %get3A_1871 : vector<16xf32>
    %exp3A_1873 = math.exp %sub3A_1872 : vector<16xf32>
    %mul3A_1874 = arith.constant 1.500000e+01 : f32
    %mul3A_1875 = vector.broadcast %mul3A_1874 : f32 to vector<16xf32>
    %mul3A_1876 = arith.mulf %exp3A_1873, %mul3A_1875 : vector<16xf32>
    %convert_element_type3A_1877 = arith.fptosi %mul3A_1876 : vector<16xf32> to vector<16xi32>
    %jit3A_1878 = arith.constant 0 : i32
    %jit3A_1879 = arith.constant 14 : i32
    %max3A_1880 = vector.broadcast %jit3A_1878 : i32 to vector<16xi32>
    %max3A_1881 = arith.maxsi %max3A_1880, %convert_element_type3A_1877 : vector<16xi32>
    %min3A_1882 = vector.broadcast %jit3A_1879 : i32 to vector<16xi32>
    %min3A_1883 = arith.minsi %min3A_1882, %max3A_1881 : vector<16xi32>
    %ge3A_1884 = arith.constant 0 : i32
    %ge3A_1885 = vector.broadcast %ge3A_1884 : i32 to vector<16xi32>
    %ge3A_1886 = arith.cmpi sge, %min3A_1883, %ge3A_1885 : vector<16xi32>
    %jit3A_1887 = arith.constant 1.000000e+00 : f32
    %jit3A_1888 = arith.constant 1.000000e+00 : f32
    %broadcast_in_dim3A_1889 = vector.broadcast %jit3A_1887 : f32 to vector<16xf32>
    %broadcast_in_dim3A_1890 = vector.broadcast %jit3A_1888 : f32 to vector<16xf32>
    %select_n3A_1891 = arith.select %ge3A_1886, %broadcast_in_dim3A_1889, %broadcast_in_dim3A_1890 : vector<16xi1>, vector<16xf32>
    %sign3A_1892 = tpu.bitcast %select_n3A_1891 : vector<16xf32> -> vector<16xi32>
    %sign3A_1893 = arith.constant -2147483648 : i32
    %sign3A_1894 = vector.broadcast %sign3A_1893 : i32 to vector<16xi32>
    %sign3A_1895 = arith.andi %sign3A_1892, %sign3A_1894 : vector<16xi32>
    %sign3A_1896 = arith.constant 1065353216 : i32
    %sign3A_1897 = vector.broadcast %sign3A_1896 : i32 to vector<16xi32>
    %sign3A_1898 = arith.ori %sign3A_1897, %sign3A_1895 : vector<16xi32>
    %sign3A_1899 = tpu.bitcast %sign3A_1898 : vector<16xi32> -> vector<16xf32>
    %sign3A_1900 = math.absf %select_n3A_1891 : vector<16xf32>
    %sign3A_1901 = arith.constant 0.000000e+00 : f32
    %sign3A_1902 = vector.broadcast %sign3A_1901 : f32 to vector<16xf32>
    %sign3A_1903 = arith.cmpf ogt, %sign3A_1900, %sign3A_1902 : vector<16xf32>
    %sign3A_1904 = arith.select %sign3A_1903, %sign3A_1899, %select_n3A_1891 : vector<16xi1>, vector<16xf32>
    %mul3A_1905 = arith.mulf %sign3A_1904, %exp3A_1873 : vector<16xf32>
    %sub3A_1906 = arith.constant 1.000000e+00 : f32
    %sub3A_1907 = vector.broadcast %sub3A_1906 : f32 to vector<16xf32>
    %sub3A_1908 = arith.subf %sub3A_1907, %mul3A_1905 : vector<16xf32>
    %add3A_1909 = arith.constant 9.99999968E-21 : f32
    %add3A_1910 = vector.broadcast %add3A_1909 : f32 to vector<16xf32>
    %add3A_1911 = arith.addf %sub3A_1908, %add3A_1910 : vector<16xf32>
    %mul3A_1912 = arith.constant -1.000000e+00 : f32
    %mul3A_1913 = vector.broadcast %mul3A_1912 : f32 to vector<16xf32>
    %mul3A_1914 = arith.mulf %mul3A_1913, %add3A_1911 : vector<16xf32>
    %mul3A_1915 = arith.mulf %mul3A_1914, %sub3A_1872 : vector<16xf32>
    %add3A_1916 = arith.addf %add3A_1863, %mul3A_1915 : vector<16xf32>
    %get3A_1917 = arith.constant 3 : i32
    %get3A_1918 = arith.index_cast %get3A_1917 : i32 to index
    %get3A_1919 = arith.constant 16 : index
    %get3A_1920 = tpu.vector_load %arg9[%get3A_1918, %get3A_1919] {strides = array<i32>} : memref<4x128xf32, #tpu.memory_space<vmem>>, vector<1x16xf32>,
    %get3A_1921 = vector.shape_cast %get3A_1920 : vector<1x16xf32> to vector<16xf32>
    %get3A_1922 = arith.constant 400 : index
    %get3A_1923 = tpu.vector_load %arg7[%get3A_1922] {strides = array<i32>} : memref<512xf32, #tpu.memory_space<vmem>>, vector<16xf32>,
    %get3A_1924 = vector.shape_cast %get3A_1923 : vector<16xf32> to vector<16xf32>
    %sub3A_1925 = arith.subf %get3A_1921, %get3A_1924 : vector<16xf32>
    %exp3A_1926 = math.exp %sub3A_1925 : vector<16xf32>
    %mul3A_1927 = arith.constant 1.500000e+01 : f32
    %mul3A_1928 = vector.broadcast %mul3A_1927 : f32 to vector<16xf32>
    %mul3A_1929 = arith.mulf %exp3A_1926, %mul3A_1928 : vector<16xf32>
    %convert_element_type3A_1930 = arith.fptosi %mul3A_1929 : vector<16xf32> to vector<16xi32>
    %jit3A_1931 = arith.constant 0 : i32
    %jit3A_1932 = arith.constant 14 : i32
    %max3A_1933 = vector.broadcast %jit3A_1931 : i32 to vector<16xi32>
    %max3A_1934 = arith.maxsi %max3A_1933, %convert_element_type3A_1930 : vector<16xi32>
    %min3A_1935 = vector.broadcast %jit3A_1932 : i32 to vector<16xi32>
    %min3A_1936 = arith.minsi %min3A_1935, %max3A_1934 : vector<16xi32>
    %ge3A_1937 = arith.constant 0 : i32
    %ge3A_1938 = vector.broadcast %ge3A_1937 : i32 to vector<16xi32>
    %ge3A_1939 = arith.cmpi sge, %min3A_1936, %ge3A_1938 : vector<16xi32>
    %jit3A_1940 = arith.constant 1.000000e+00 : f32
    %jit3A_1941 = arith.constant 1.000000e+00 : f32
    %broadcast_in_dim3A_1942 = vector.broadcast %jit3A_1940 : f32 to vector<16xf32>
    %broadcast_in_dim3A_1943 = vector.broadcast %jit3A_1941 : f32 to vector<16xf32>
    %select_n3A_1944 = arith.select %ge3A_1939, %broadcast_in_dim3A_1942, %broadcast_in_dim3A_1943 : vector<16xi1>, vector<16xf32>
    %sign3A_1945 = tpu.bitcast %select_n3A_1944 : vector<16xf32> -> vector<16xi32>
    %sign3A_1946 = arith.constant -2147483648 : i32
    %sign3A_1947 = vector.broadcast %sign3A_1946 : i32 to vector<16xi32>
    %sign3A_1948 = arith.andi %sign3A_1945, %sign3A_1947 : vector<16xi32>
    %sign3A_1949 = arith.constant 1065353216 : i32
    %sign3A_1950 = vector.broadcast %sign3A_1949 : i32 to vector<16xi32>
    %sign3A_1951 = arith.ori %sign3A_1950, %sign3A_1948 : vector<16xi32>
    %sign3A_1952 = tpu.bitcast %sign3A_1951 : vector<16xi32> -> vector<16xf32>
    %sign3A_1953 = math.absf %select_n3A_1944 : vector<16xf32>
    %sign3A_1954 = arith.constant 0.000000e+00 : f32
    %sign3A_1955 = vector.broadcast %sign3A_1954 : f32 to vector<16xf32>
    %sign3A_1956 = arith.cmpf ogt, %sign3A_1953, %sign3A_1955 : vector<16xf32>
    %sign3A_1957 = arith.select %sign3A_1956, %sign3A_1952, %select_n3A_1944 : vector<16xi1>, vector<16xf32>
    %mul3A_1958 = arith.mulf %sign3A_1957, %exp3A_1926 : vector<16xf32>
    %sub3A_1959 = arith.constant 1.000000e+00 : f32
    %sub3A_1960 = vector.broadcast %sub3A_1959 : f32 to vector<16xf32>
    %sub3A_1961 = arith.subf %sub3A_1960, %mul3A_1958 : vector<16xf32>
    %add3A_1962 = arith.constant 9.99999968E-21 : f32
    %add3A_1963 = vector.broadcast %add3A_1962 : f32 to vector<16xf32>
    %add3A_1964 = arith.addf %sub3A_1961, %add3A_1963 : vector<16xf32>
    %mul3A_1965 = arith.constant -1.000000e+00 : f32
    %mul3A_1966 = vector.broadcast %mul3A_1965 : f32 to vector<16xf32>
    %mul3A_1967 = arith.mulf %mul3A_1966, %add3A_1964 : vector<16xf32>
    %mul3A_1968 = arith.mulf %mul3A_1967, %sub3A_1925 : vector<16xf32>
    %add3A_1969 = arith.addf %add3A_1916, %mul3A_1968 : vector<16xf32>
    %get3A_1970 = arith.constant 3 : i32
    %get3A_1971 = arith.index_cast %get3A_1970 : i32 to index
    %get3A_1972 = arith.constant 32 : index
    %get3A_1973 = tpu.vector_load %arg9[%get3A_1971, %get3A_1972] {strides = array<i32>} : memref<4x128xf32, #tpu.memory_space<vmem>>, vector<1x16xf32>,
    %get3A_1974 = vector.shape_cast %get3A_1973 : vector<1x16xf32> to vector<16xf32>
    %get3A_1975 = arith.constant 416 : index
    %get3A_1976 = tpu.vector_load %arg7[%get3A_1975] {strides = array<i32>} : memref<512xf32, #tpu.memory_space<vmem>>, vector<16xf32>,
    %get3A_1977 = vector.shape_cast %get3A_1976 : vector<16xf32> to vector<16xf32>
    %sub3A_1978 = arith.subf %get3A_1974, %get3A_1977 : vector<16xf32>
    %exp3A_1979 = math.exp %sub3A_1978 : vector<16xf32>
    %mul3A_1980 = arith.constant 1.500000e+01 : f32
    %mul3A_1981 = vector.broadcast %mul3A_1980 : f32 to vector<16xf32>
    %mul3A_1982 = arith.mulf %exp3A_1979, %mul3A_1981 : vector<16xf32>
    %convert_element_type3A_1983 = arith.fptosi %mul3A_1982 : vector<16xf32> to vector<16xi32>
    %jit3A_1984 = arith.constant 0 : i32
    %jit3A_1985 = arith.constant 14 : i32
    %max3A_1986 = vector.broadcast %jit3A_1984 : i32 to vector<16xi32>
    %max3A_1987 = arith.maxsi %max3A_1986, %convert_element_type3A_1983 : vector<16xi32>
    %min3A_1988 = vector.broadcast %jit3A_1985 : i32 to vector<16xi32>
    %min3A_1989 = arith.minsi %min3A_1988, %max3A_1987 : vector<16xi32>
    %ge3A_1990 = arith.constant 0 : i32
    %ge3A_1991 = vector.broadcast %ge3A_1990 : i32 to vector<16xi32>
    %ge3A_1992 = arith.cmpi sge, %min3A_1989, %ge3A_1991 : vector<16xi32>
    %jit3A_1993 = arith.constant 1.000000e+00 : f32
    %jit3A_1994 = arith.constant 1.000000e+00 : f32
    %broadcast_in_dim3A_1995 = vector.broadcast %jit3A_1993 : f32 to vector<16xf32>
    %broadcast_in_dim3A_1996 = vector.broadcast %jit3A_1994 : f32 to vector<16xf32>
    %select_n3A_1997 = arith.select %ge3A_1992, %broadcast_in_dim3A_1995, %broadcast_in_dim3A_1996 : vector<16xi1>, vector<16xf32>
    %sign3A_1998 = tpu.bitcast %select_n3A_1997 : vector<16xf32> -> vector<16xi32>
    %sign3A_1999 = arith.constant -2147483648 : i32
    %sign3A_2000 = vector.broadcast %sign3A_1999 : i32 to vector<16xi32>
    %sign3A_2001 = arith.andi %sign3A_1998, %sign3A_2000 : vector<16xi32>
    %sign3A_2002 = arith.constant 1065353216 : i32
    %sign3A_2003 = vector.broadcast %sign3A_2002 : i32 to vector<16xi32>
    %sign3A_2004 = arith.ori %sign3A_2003, %sign3A_2001 : vector<16xi32>
    %sign3A_2005 = tpu.bitcast %sign3A_2004 : vector<16xi32> -> vector<16xf32>
    %sign3A_2006 = math.absf %select_n3A_1997 : vector<16xf32>
    %sign3A_2007 = arith.constant 0.000000e+00 : f32
    %sign3A_2008 = vector.broadcast %sign3A_2007 : f32 to vector<16xf32>
    %sign3A_2009 = arith.cmpf ogt, %sign3A_2006, %sign3A_2008 : vector<16xf32>
    %sign3A_2010 = arith.select %sign3A_2009, %sign3A_2005, %select_n3A_1997 : vector<16xi1>, vector<16xf32>
    %mul3A_2011 = arith.mulf %sign3A_2010, %exp3A_1979 : vector<16xf32>
    %sub3A_2012 = arith.constant 1.000000e+00 : f32
    %sub3A_2013 = vector.broadcast %sub3A_2012 : f32 to vector<16xf32>
    %sub3A_2014 = arith.subf %sub3A_2013, %mul3A_2011 : vector<16xf32>
    %add3A_2015 = arith.constant 9.99999968E-21 : f32
    %add3A_2016 = vector.broadcast %add3A_2015 : f32 to vector<16xf32>
    %add3A_2017 = arith.addf %sub3A_2014, %add3A_2016 : vector<16xf32>
    %mul3A_2018 = arith.constant -1.000000e+00 : f32
    %mul3A_2019 = vector.broadcast %mul3A_2018 : f32 to vector<16xf32>
    %mul3A_2020 = arith.mulf %mul3A_2019, %add3A_2017 : vector<16xf32>
    %mul3A_2021 = arith.mulf %mul3A_2020, %sub3A_1978 : vector<16xf32>
    %add3A_2022 = arith.addf %add3A_1969, %mul3A_2021 : vector<16xf32>
    %get3A_2023 = arith.constant 3 : i32
    %get3A_2024 = arith.index_cast %get3A_2023 : i32 to index
    %get3A_2025 = arith.constant 48 : index
    %get3A_2026 = tpu.vector_load %arg9[%get3A_2024, %get3A_2025] {strides = array<i32>} : memref<4x128xf32, #tpu.memory_space<vmem>>, vector<1x16xf32>,
    %get3A_2027 = vector.shape_cast %get3A_2026 : vector<1x16xf32> to vector<16xf32>
    %get3A_2028 = arith.constant 432 : index
    %get3A_2029 = tpu.vector_load %arg7[%get3A_2028] {strides = array<i32>} : memref<512xf32, #tpu.memory_space<vmem>>, vector<16xf32>,
    %get3A_2030 = vector.shape_cast %get3A_2029 : vector<16xf32> to vector<16xf32>
    %sub3A_2031 = arith.subf %get3A_2027, %get3A_2030 : vector<16xf32>
    %exp3A_2032 = math.exp %sub3A_2031 : vector<16xf32>
    %mul3A_2033 = arith.constant 1.500000e+01 : f32
    %mul3A_2034 = vector.broadcast %mul3A_2033 : f32 to vector<16xf32>
    %mul3A_2035 = arith.mulf %exp3A_2032, %mul3A_2034 : vector<16xf32>
    %convert_element_type3A_2036 = arith.fptosi %mul3A_2035 : vector<16xf32> to vector<16xi32>
    %jit3A_2037 = arith.constant 0 : i32
    %jit3A_2038 = arith.constant 14 : i32
    %max3A_2039 = vector.broadcast %jit3A_2037 : i32 to vector<16xi32>
    %max3A_2040 = arith.maxsi %max3A_2039, %convert_element_type3A_2036 : vector<16xi32>
    %min3A_2041 = vector.broadcast %jit3A_2038 : i32 to vector<16xi32>
    %min3A_2042 = arith.minsi %min3A_2041, %max3A_2040 : vector<16xi32>
    %ge3A_2043 = arith.constant 0 : i32
    %ge3A_2044 = vector.broadcast %ge3A_2043 : i32 to vector<16xi32>
    %ge3A_2045 = arith.cmpi sge, %min3A_2042, %ge3A_2044 : vector<16xi32>
    %jit3A_2046 = arith.constant 1.000000e+00 : f32
    %jit3A_2047 = arith.constant 1.000000e+00 : f32
    %broadcast_in_dim3A_2048 = vector.broadcast %jit3A_2046 : f32 to vector<16xf32>
    %broadcast_in_dim3A_2049 = vector.broadcast %jit3A_2047 : f32 to vector<16xf32>
    %select_n3A_2050 = arith.select %ge3A_2045, %broadcast_in_dim3A_2048, %broadcast_in_dim3A_2049 : vector<16xi1>, vector<16xf32>
    %sign3A_2051 = tpu.bitcast %select_n3A_2050 : vector<16xf32> -> vector<16xi32>
    %sign3A_2052 = arith.constant -2147483648 : i32
    %sign3A_2053 = vector.broadcast %sign3A_2052 : i32 to vector<16xi32>
    %sign3A_2054 = arith.andi %sign3A_2051, %sign3A_2053 : vector<16xi32>
    %sign3A_2055 = arith.constant 1065353216 : i32
    %sign3A_2056 = vector.broadcast %sign3A_2055 : i32 to vector<16xi32>
    %sign3A_2057 = arith.ori %sign3A_2056, %sign3A_2054 : vector<16xi32>
    %sign3A_2058 = tpu.bitcast %sign3A_2057 : vector<16xi32> -> vector<16xf32>
    %sign3A_2059 = math.absf %select_n3A_2050 : vector<16xf32>
    %sign3A_2060 = arith.constant 0.000000e+00 : f32
    %sign3A_2061 = vector.broadcast %sign3A_2060 : f32 to vector<16xf32>
    %sign3A_2062 = arith.cmpf ogt, %sign3A_2059, %sign3A_2061 : vector<16xf32>
    %sign3A_2063 = arith.select %sign3A_2062, %sign3A_2058, %select_n3A_2050 : vector<16xi1>, vector<16xf32>
    %mul3A_2064 = arith.mulf %sign3A_2063, %exp3A_2032 : vector<16xf32>
    %sub3A_2065 = arith.constant 1.000000e+00 : f32
    %sub3A_2066 = vector.broadcast %sub3A_2065 : f32 to vector<16xf32>
    %sub3A_2067 = arith.subf %sub3A_2066, %mul3A_2064 : vector<16xf32>
    %add3A_2068 = arith.constant 9.99999968E-21 : f32
    %add3A_2069 = vector.broadcast %add3A_2068 : f32 to vector<16xf32>
    %add3A_2070 = arith.addf %sub3A_2067, %add3A_2069 : vector<16xf32>
    %mul3A_2071 = arith.constant -1.000000e+00 : f32
    %mul3A_2072 = vector.broadcast %mul3A_2071 : f32 to vector<16xf32>
    %mul3A_2073 = arith.mulf %mul3A_2072, %add3A_2070 : vector<16xf32>
    %mul3A_2074 = arith.mulf %mul3A_2073, %sub3A_2031 : vector<16xf32>
    %add3A_2075 = arith.addf %add3A_2022, %mul3A_2074 : vector<16xf32>
    %get3A_2076 = arith.constant 3 : i32
    %get3A_2077 = arith.index_cast %get3A_2076 : i32 to index
    %get3A_2078 = arith.constant 64 : index
    %get3A_2079 = tpu.vector_load %arg9[%get3A_2077, %get3A_2078] {strides = array<i32>} : memref<4x128xf32, #tpu.memory_space<vmem>>, vector<1x16xf32>,
    %get3A_2080 = vector.shape_cast %get3A_2079 : vector<1x16xf32> to vector<16xf32>
    %get3A_2081 = arith.constant 448 : index
    %get3A_2082 = tpu.vector_load %arg7[%get3A_2081] {strides = array<i32>} : memref<512xf32, #tpu.memory_space<vmem>>, vector<16xf32>,
    %get3A_2083 = vector.shape_cast %get3A_2082 : vector<16xf32> to vector<16xf32>
    %sub3A_2084 = arith.subf %get3A_2080, %get3A_2083 : vector<16xf32>
    %exp3A_2085 = math.exp %sub3A_2084 : vector<16xf32>
    %mul3A_2086 = arith.constant 1.500000e+01 : f32
    %mul3A_2087 = vector.broadcast %mul3A_2086 : f32 to vector<16xf32>
    %mul3A_2088 = arith.mulf %exp3A_2085, %mul3A_2087 : vector<16xf32>
    %convert_element_type3A_2089 = arith.fptosi %mul3A_2088 : vector<16xf32> to vector<16xi32>
    %jit3A_2090 = arith.constant 0 : i32
    %jit3A_2091 = arith.constant 14 : i32
    %max3A_2092 = vector.broadcast %jit3A_2090 : i32 to vector<16xi32>
    %max3A_2093 = arith.maxsi %max3A_2092, %convert_element_type3A_2089 : vector<16xi32>
    %min3A_2094 = vector.broadcast %jit3A_2091 : i32 to vector<16xi32>
    %min3A_2095 = arith.minsi %min3A_2094, %max3A_2093 : vector<16xi32>
    %ge3A_2096 = arith.constant 0 : i32
    %ge3A_2097 = vector.broadcast %ge3A_2096 : i32 to vector<16xi32>
    %ge3A_2098 = arith.cmpi sge, %min3A_2095, %ge3A_2097 : vector<16xi32>
    %jit3A_2099 = arith.constant 1.000000e+00 : f32
    %jit3A_2100 = arith.constant 1.000000e+00 : f32
    %broadcast_in_dim3A_2101 = vector.broadcast %jit3A_2099 : f32 to vector<16xf32>
    %broadcast_in_dim3A_2102 = vector.broadcast %jit3A_2100 : f32 to vector<16xf32>
    %select_n3A_2103 = arith.select %ge3A_2098, %broadcast_in_dim3A_2101, %broadcast_in_dim3A_2102 : vector<16xi1>, vector<16xf32>
    %sign3A_2104 = tpu.bitcast %select_n3A_2103 : vector<16xf32> -> vector<16xi32>
    %sign3A_2105 = arith.constant -2147483648 : i32
    %sign3A_2106 = vector.broadcast %sign3A_2105 : i32 to vector<16xi32>
    %sign3A_2107 = arith.andi %sign3A_2104, %sign3A_2106 : vector<16xi32>
    %sign3A_2108 = arith.constant 1065353216 : i32
    %sign3A_2109 = vector.broadcast %sign3A_2108 : i32 to vector<16xi32>
    %sign3A_2110 = arith.ori %sign3A_2109, %sign3A_2107 : vector<16xi32>
    %sign3A_2111 = tpu.bitcast %sign3A_2110 : vector<16xi32> -> vector<16xf32>
    %sign3A_2112 = math.absf %select_n3A_2103 : vector<16xf32>
    %sign3A_2113 = arith.constant 0.000000e+00 : f32
    %sign3A_2114 = vector.broadcast %sign3A_2113 : f32 to vector<16xf32>
    %sign3A_2115 = arith.cmpf ogt, %sign3A_2112, %sign3A_2114 : vector<16xf32>
    %sign3A_2116 = arith.select %sign3A_2115, %sign3A_2111, %select_n3A_2103 : vector<16xi1>, vector<16xf32>
    %mul3A_2117 = arith.mulf %sign3A_2116, %exp3A_2085 : vector<16xf32>
    %sub3A_2118 = arith.constant 1.000000e+00 : f32
    %sub3A_2119 = vector.broadcast %sub3A_2118 : f32 to vector<16xf32>
    %sub3A_2120 = arith.subf %sub3A_2119, %mul3A_2117 : vector<16xf32>
    %add3A_2121 = arith.constant 9.99999968E-21 : f32
    %add3A_2122 = vector.broadcast %add3A_2121 : f32 to vector<16xf32>
    %add3A_2123 = arith.addf %sub3A_2120, %add3A_2122 : vector<16xf32>
    %mul3A_2124 = arith.constant -1.000000e+00 : f32
    %mul3A_2125 = vector.broadcast %mul3A_2124 : f32 to vector<16xf32>
    %mul3A_2126 = arith.mulf %mul3A_2125, %add3A_2123 : vector<16xf32>
    %mul3A_2127 = arith.mulf %mul3A_2126, %sub3A_2084 : vector<16xf32>
    %add3A_2128 = arith.addf %add3A_2075, %mul3A_2127 : vector<16xf32>
    %get3A_2129 = arith.constant 3 : i32
    %get3A_2130 = arith.index_cast %get3A_2129 : i32 to index
    %get3A_2131 = arith.constant 80 : index
    %get3A_2132 = tpu.vector_load %arg9[%get3A_2130, %get3A_2131] {strides = array<i32>} : memref<4x128xf32, #tpu.memory_space<vmem>>, vector<1x16xf32>,
    %get3A_2133 = vector.shape_cast %get3A_2132 : vector<1x16xf32> to vector<16xf32>
    %get3A_2134 = arith.constant 464 : index
    %get3A_2135 = tpu.vector_load %arg7[%get3A_2134] {strides = array<i32>} : memref<512xf32, #tpu.memory_space<vmem>>, vector<16xf32>,
    %get3A_2136 = vector.shape_cast %get3A_2135 : vector<16xf32> to vector<16xf32>
    %sub3A_2137 = arith.subf %get3A_2133, %get3A_2136 : vector<16xf32>
    %exp3A_2138 = math.exp %sub3A_2137 : vector<16xf32>
    %mul3A_2139 = arith.constant 1.500000e+01 : f32
    %mul3A_2140 = vector.broadcast %mul3A_2139 : f32 to vector<16xf32>
    %mul3A_2141 = arith.mulf %exp3A_2138, %mul3A_2140 : vector<16xf32>
    %convert_element_type3A_2142 = arith.fptosi %mul3A_2141 : vector<16xf32> to vector<16xi32>
    %jit3A_2143 = arith.constant 0 : i32
    %jit3A_2144 = arith.constant 14 : i32
    %max3A_2145 = vector.broadcast %jit3A_2143 : i32 to vector<16xi32>
    %max3A_2146 = arith.maxsi %max3A_2145, %convert_element_type3A_2142 : vector<16xi32>
    %min3A_2147 = vector.broadcast %jit3A_2144 : i32 to vector<16xi32>
    %min3A_2148 = arith.minsi %min3A_2147, %max3A_2146 : vector<16xi32>
    %ge3A_2149 = arith.constant 0 : i32
    %ge3A_2150 = vector.broadcast %ge3A_2149 : i32 to vector<16xi32>
    %ge3A_2151 = arith.cmpi sge, %min3A_2148, %ge3A_2150 : vector<16xi32>
    %jit3A_2152 = arith.constant 1.000000e+00 : f32
    %jit3A_2153 = arith.constant 1.000000e+00 : f32
    %broadcast_in_dim3A_2154 = vector.broadcast %jit3A_2152 : f32 to vector<16xf32>
    %broadcast_in_dim3A_2155 = vector.broadcast %jit3A_2153 : f32 to vector<16xf32>
    %select_n3A_2156 = arith.select %ge3A_2151, %broadcast_in_dim3A_2154, %broadcast_in_dim3A_2155 : vector<16xi1>, vector<16xf32>
    %sign3A_2157 = tpu.bitcast %select_n3A_2156 : vector<16xf32> -> vector<16xi32>
    %sign3A_2158 = arith.constant -2147483648 : i32
    %sign3A_2159 = vector.broadcast %sign3A_2158 : i32 to vector<16xi32>
    %sign3A_2160 = arith.andi %sign3A_2157, %sign3A_2159 : vector<16xi32>
    %sign3A_2161 = arith.constant 1065353216 : i32
    %sign3A_2162 = vector.broadcast %sign3A_2161 : i32 to vector<16xi32>
    %sign3A_2163 = arith.ori %sign3A_2162, %sign3A_2160 : vector<16xi32>
    %sign3A_2164 = tpu.bitcast %sign3A_2163 : vector<16xi32> -> vector<16xf32>
    %sign3A_2165 = math.absf %select_n3A_2156 : vector<16xf32>
    %sign3A_2166 = arith.constant 0.000000e+00 : f32
    %sign3A_2167 = vector.broadcast %sign3A_2166 : f32 to vector<16xf32>
    %sign3A_2168 = arith.cmpf ogt, %sign3A_2165, %sign3A_2167 : vector<16xf32>
    %sign3A_2169 = arith.select %sign3A_2168, %sign3A_2164, %select_n3A_2156 : vector<16xi1>, vector<16xf32>
    %mul3A_2170 = arith.mulf %sign3A_2169, %exp3A_2138 : vector<16xf32>
    %sub3A_2171 = arith.constant 1.000000e+00 : f32
    %sub3A_2172 = vector.broadcast %sub3A_2171 : f32 to vector<16xf32>
    %sub3A_2173 = arith.subf %sub3A_2172, %mul3A_2170 : vector<16xf32>
    %add3A_2174 = arith.constant 9.99999968E-21 : f32
    %add3A_2175 = vector.broadcast %add3A_2174 : f32 to vector<16xf32>
    %add3A_2176 = arith.addf %sub3A_2173, %add3A_2175 : vector<16xf32>
    %mul3A_2177 = arith.constant -1.000000e+00 : f32
    %mul3A_2178 = vector.broadcast %mul3A_2177 : f32 to vector<16xf32>
    %mul3A_2179 = arith.mulf %mul3A_2178, %add3A_2176 : vector<16xf32>
    %mul3A_2180 = arith.mulf %mul3A_2179, %sub3A_2137 : vector<16xf32>
    %add3A_2181 = arith.addf %add3A_2128, %mul3A_2180 : vector<16xf32>
    %get3A_2182 = arith.constant 3 : i32
    %get3A_2183 = arith.index_cast %get3A_2182 : i32 to index
    %get3A_2184 = arith.constant 96 : index
    %get3A_2185 = tpu.vector_load %arg9[%get3A_2183, %get3A_2184] {strides = array<i32>} : memref<4x128xf32, #tpu.memory_space<vmem>>, vector<1x16xf32>,
    %get3A_2186 = vector.shape_cast %get3A_2185 : vector<1x16xf32> to vector<16xf32>
    %get3A_2187 = arith.constant 480 : index
    %get3A_2188 = tpu.vector_load %arg7[%get3A_2187] {strides = array<i32>} : memref<512xf32, #tpu.memory_space<vmem>>, vector<16xf32>,
    %get3A_2189 = vector.shape_cast %get3A_2188 : vector<16xf32> to vector<16xf32>
    %sub3A_2190 = arith.subf %get3A_2186, %get3A_2189 : vector<16xf32>
    %exp3A_2191 = math.exp %sub3A_2190 : vector<16xf32>
    %mul3A_2192 = arith.constant 1.500000e+01 : f32
    %mul3A_2193 = vector.broadcast %mul3A_2192 : f32 to vector<16xf32>
    %mul3A_2194 = arith.mulf %exp3A_2191, %mul3A_2193 : vector<16xf32>
    %convert_element_type3A_2195 = arith.fptosi %mul3A_2194 : vector<16xf32> to vector<16xi32>
    %jit3A_2196 = arith.constant 0 : i32
    %jit3A_2197 = arith.constant 14 : i32
    %max3A_2198 = vector.broadcast %jit3A_2196 : i32 to vector<16xi32>
    %max3A_2199 = arith.maxsi %max3A_2198, %convert_element_type3A_2195 : vector<16xi32>
    %min3A_2200 = vector.broadcast %jit3A_2197 : i32 to vector<16xi32>
    %min3A_2201 = arith.minsi %min3A_2200, %max3A_2199 : vector<16xi32>
    %ge3A_2202 = arith.constant 0 : i32
    %ge3A_2203 = vector.broadcast %ge3A_2202 : i32 to vector<16xi32>
    %ge3A_2204 = arith.cmpi sge, %min3A_2201, %ge3A_2203 : vector<16xi32>
    %jit3A_2205 = arith.constant 1.000000e+00 : f32
    %jit3A_2206 = arith.constant 1.000000e+00 : f32
    %broadcast_in_dim3A_2207 = vector.broadcast %jit3A_2205 : f32 to vector<16xf32>
    %broadcast_in_dim3A_2208 = vector.broadcast %jit3A_2206 : f32 to vector<16xf32>
    %select_n3A_2209 = arith.select %ge3A_2204, %broadcast_in_dim3A_2207, %broadcast_in_dim3A_2208 : vector<16xi1>, vector<16xf32>
    %sign3A_2210 = tpu.bitcast %select_n3A_2209 : vector<16xf32> -> vector<16xi32>
    %sign3A_2211 = arith.constant -2147483648 : i32
    %sign3A_2212 = vector.broadcast %sign3A_2211 : i32 to vector<16xi32>
    %sign3A_2213 = arith.andi %sign3A_2210, %sign3A_2212 : vector<16xi32>
    %sign3A_2214 = arith.constant 1065353216 : i32
    %sign3A_2215 = vector.broadcast %sign3A_2214 : i32 to vector<16xi32>
    %sign3A_2216 = arith.ori %sign3A_2215, %sign3A_2213 : vector<16xi32>
    %sign3A_2217 = tpu.bitcast %sign3A_2216 : vector<16xi32> -> vector<16xf32>
    %sign3A_2218 = math.absf %select_n3A_2209 : vector<16xf32>
    %sign3A_2219 = arith.constant 0.000000e+00 : f32
    %sign3A_2220 = vector.broadcast %sign3A_2219 : f32 to vector<16xf32>
    %sign3A_2221 = arith.cmpf ogt, %sign3A_2218, %sign3A_2220 : vector<16xf32>
    %sign3A_2222 = arith.select %sign3A_2221, %sign3A_2217, %select_n3A_2209 : vector<16xi1>, vector<16xf32>
    %mul3A_2223 = arith.mulf %sign3A_2222, %exp3A_2191 : vector<16xf32>
    %sub3A_2224 = arith.constant 1.000000e+00 : f32
    %sub3A_2225 = vector.broadcast %sub3A_2224 : f32 to vector<16xf32>
    %sub3A_2226 = arith.subf %sub3A_2225, %mul3A_2223 : vector<16xf32>
    %add3A_2227 = arith.constant 9.99999968E-21 : f32
    %add3A_2228 = vector.broadcast %add3A_2227 : f32 to vector<16xf32>
    %add3A_2229 = arith.addf %sub3A_2226, %add3A_2228 : vector<16xf32>
    %mul3A_2230 = arith.constant -1.000000e+00 : f32
    %mul3A_2231 = vector.broadcast %mul3A_2230 : f32 to vector<16xf32>
    %mul3A_2232 = arith.mulf %mul3A_2231, %add3A_2229 : vector<16xf32>
    %mul3A_2233 = arith.mulf %mul3A_2232, %sub3A_2190 : vector<16xf32>
    %add3A_2234 = arith.addf %add3A_2181, %mul3A_2233 : vector<16xf32>
    %get3A_2235 = arith.constant 3 : i32
    %get3A_2236 = arith.index_cast %get3A_2235 : i32 to index
    %get3A_2237 = arith.constant 112 : index
    %get3A_2238 = tpu.vector_load %arg9[%get3A_2236, %get3A_2237] {strides = array<i32>} : memref<4x128xf32, #tpu.memory_space<vmem>>, vector<1x16xf32>,
    %get3A_2239 = vector.shape_cast %get3A_2238 : vector<1x16xf32> to vector<16xf32>
    %get3A_2240 = arith.constant 496 : index
    %get3A_2241 = tpu.vector_load %arg7[%get3A_2240] {strides = array<i32>} : memref<512xf32, #tpu.memory_space<vmem>>, vector<16xf32>,
    %get3A_2242 = vector.shape_cast %get3A_2241 : vector<16xf32> to vector<16xf32>
    %sub3A_2243 = arith.subf %get3A_2239, %get3A_2242 : vector<16xf32>
    %exp3A_2244 = math.exp %sub3A_2243 : vector<16xf32>
    %mul3A_2245 = arith.constant 1.500000e+01 : f32
    %mul3A_2246 = vector.broadcast %mul3A_2245 : f32 to vector<16xf32>
    %mul3A_2247 = arith.mulf %exp3A_2244, %mul3A_2246 : vector<16xf32>
    %convert_element_type3A_2248 = arith.fptosi %mul3A_2247 : vector<16xf32> to vector<16xi32>
    %jit3A_2249 = arith.constant 0 : i32
    %jit3A_2250 = arith.constant 14 : i32
    %max3A_2251 = vector.broadcast %jit3A_2249 : i32 to vector<16xi32>
    %max3A_2252 = arith.maxsi %max3A_2251, %convert_element_type3A_2248 : vector<16xi32>
    %min3A_2253 = vector.broadcast %jit3A_2250 : i32 to vector<16xi32>
    %min3A_2254 = arith.minsi %min3A_2253, %max3A_2252 : vector<16xi32>
    %ge3A_2255 = arith.constant 0 : i32
    %ge3A_2256 = vector.broadcast %ge3A_2255 : i32 to vector<16xi32>
    %ge3A_2257 = arith.cmpi sge, %min3A_2254, %ge3A_2256 : vector<16xi32>
    %jit3A_2258 = arith.constant 1.000000e+00 : f32
    %jit3A_2259 = arith.constant 1.000000e+00 : f32
    %broadcast_in_dim3A_2260 = vector.broadcast %jit3A_2258 : f32 to vector<16xf32>
    %broadcast_in_dim3A_2261 = vector.broadcast %jit3A_2259 : f32 to vector<16xf32>
    %select_n3A_2262 = arith.select %ge3A_2257, %broadcast_in_dim3A_2260, %broadcast_in_dim3A_2261 : vector<16xi1>, vector<16xf32>
    %sign3A_2263 = tpu.bitcast %select_n3A_2262 : vector<16xf32> -> vector<16xi32>
    %sign3A_2264 = arith.constant -2147483648 : i32
    %sign3A_2265 = vector.broadcast %sign3A_2264 : i32 to vector<16xi32>
    %sign3A_2266 = arith.andi %sign3A_2263, %sign3A_2265 : vector<16xi32>
    %sign3A_2267 = arith.constant 1065353216 : i32
    %sign3A_2268 = vector.broadcast %sign3A_2267 : i32 to vector<16xi32>
    %sign3A_2269 = arith.ori %sign3A_2268, %sign3A_2266 : vector<16xi32>
    %sign3A_2270 = tpu.bitcast %sign3A_2269 : vector<16xi32> -> vector<16xf32>
    %sign3A_2271 = math.absf %select_n3A_2262 : vector<16xf32>
    %sign3A_2272 = arith.constant 0.000000e+00 : f32
    %sign3A_2273 = vector.broadcast %sign3A_2272 : f32 to vector<16xf32>
    %sign3A_2274 = arith.cmpf ogt, %sign3A_2271, %sign3A_2273 : vector<16xf32>
    %sign3A_2275 = arith.select %sign3A_2274, %sign3A_2270, %select_n3A_2262 : vector<16xi1>, vector<16xf32>
    %mul3A_2276 = arith.mulf %sign3A_2275, %exp3A_2244 : vector<16xf32>
    %sub3A_2277 = arith.constant 1.000000e+00 : f32
    %sub3A_2278 = vector.broadcast %sub3A_2277 : f32 to vector<16xf32>
    %sub3A_2279 = arith.subf %sub3A_2278, %mul3A_2276 : vector<16xf32>
    %add3A_2280 = arith.constant 9.99999968E-21 : f32
    %add3A_2281 = vector.broadcast %add3A_2280 : f32 to vector<16xf32>
    %add3A_2282 = arith.addf %sub3A_2279, %add3A_2281 : vector<16xf32>
    %mul3A_2283 = arith.constant -1.000000e+00 : f32
    %mul3A_2284 = vector.broadcast %mul3A_2283 : f32 to vector<16xf32>
    %mul3A_2285 = arith.mulf %mul3A_2284, %add3A_2282 : vector<16xf32>
    %mul3A_2286 = arith.mulf %mul3A_2285, %sub3A_2243 : vector<16xf32>
    %add3A_2287 = arith.addf %add3A_2234, %mul3A_2286 : vector<16xf32>
    %swap3A_2288 = arith.constant 0 : index
    %swap3A_2289 = tpu.vector_load %arg10[%swap3A_2288] {strides = array<i32>} : memref<16xf32, #tpu.memory_space<vmem>>, vector<16xf32>,
    %swap3A_2290 = vector.shape_cast %swap3A_2289 : vector<16xf32> to vector<16xf32>
    %swap3A_2291 = vector.shape_cast %add3A_2287 : vector<16xf32> to vector<16xf32>
    tpu.vector_store %arg10[%swap3A_2288], %swap3A_2291 {strides = array<i32>} : memref<16xf32, #tpu.memory_space<vmem>>, vector<16xf32>,
    "tpu.region"() ({
      %run_scoped3A = tpu.sem_alloc : memref<!tpu.dma_semaphore, #tpu.memory_space<semaphore_mem>>
      %dma_start3A_2292 = arith.constant 0 : i32
      %dma_start3A_2293 = tpu.memref_slice %arg5[%add3A, %dma_start3A_2292] : memref<32x16xf32, #tpu.memory_space<hbm>> -> memref<1x16xf32, #tpu.memory_space<hbm>>
      %dma_start3A_2294 = tpu.memref_squeeze %dma_start3A_2293 : memref<1x16xf32, #tpu.memory_space<hbm>> -> memref<16xf32, #tpu.memory_space<hbm>>
      %dma_start3A_2295 = arith.constant 0 : i32
      %dma_start3A_2296 = tpu.memref_slice %arg5[%add3A, %dma_start3A_2295] : memref<32x16xf32, #tpu.memory_space<hbm>> -> memref<1x16xf32, #tpu.memory_space<hbm>>
      %dma_start3A_2297 = tpu.memref_squeeze %dma_start3A_2296 : memref<1x16xf32, #tpu.memory_space<hbm>> -> memref<16xf32, #tpu.memory_space<hbm>>
      tpu.enqueue_dma source(%arg10 : memref<16xf32, #tpu.memory_space<vmem>>) target(%dma_start3A_2297 : memref<16xf32, #tpu.memory_space<hbm>>) target_semaphore(%run_scoped3A : memref<!tpu.dma_semaphore, #tpu.memory_space<semaphore_mem>>)
      %dma_wait3A_2298 = arith.constant 0 : i32
      %dma_wait3A_2299 = tpu.memref_slice %arg5[%add3A, %dma_wait3A_2298] : memref<32x16xf32, #tpu.memory_space<hbm>> -> memref<1x16xf32, #tpu.memory_space<hbm>>
      %dma_wait3A_2300 = tpu.memref_squeeze %dma_wait3A_2299 : memref<1x16xf32, #tpu.memory_space<hbm>> -> memref<16xf32, #tpu.memory_space<hbm>>
      %dma_wait3A_2301 = arith.constant 0 : i32
      %dma_wait3A_2302 = tpu.memref_slice %arg5[%add3A, %dma_wait3A_2301] : memref<32x16xf32, #tpu.memory_space<hbm>> -> memref<1x16xf32, #tpu.memory_space<hbm>>
      %dma_wait3A_2303 = tpu.memref_squeeze %dma_wait3A_2302 : memref<1x16xf32, #tpu.memory_space<hbm>> -> memref<16xf32, #tpu.memory_space<hbm>>
      tpu.wait_dma2 semaphore(%run_scoped3A : memref<!tpu.dma_semaphore, #tpu.memory_space<semaphore_mem>>) src(%arg10 : memref<16xf32, #tpu.memory_space<vmem>>) dst(%dma_wait3A_2303 : memref<16xf32, #tpu.memory_space<hbm>>)
      tpu.yield
    }) : () -> ()
    return
  }
}

module attributes {stable_mosaic.version = 14 : i64} {
  func.func @_lse_body(%arg0: i32, %arg1: memref<512x1000xf32, #tpu.memory_space<vmem>>, %arg2: memref<512x1xf32, #tpu.memory_space<vmem>>) attributes {dimension_semantics = [#tpu.dimension_semantics<arbitrary>], iteration_bounds = array<i64: 32>, scalar_prefetch = 0 : i64, scratch_operands = 0 : i64, tpu.core_type = #tpu.core_type<tc>, window_params = [{transform_indices = @transform_0, window_bounds = array<i64: 512, 1000>}, {transform_indices = @transform_1, window_bounds = array<i64: 512, 1>}]} {
    %get3A = arith.constant 0 : index
    %get3A_0 = arith.constant 0 : index
    %get3A_1 = vector.load %arg1[%get3A, %get3A_0] : memref<512x1000xf32, #tpu.memory_space<vmem>>, vector<512x1000xf32>
    %reduce_max3A = arith.constant dense<0xFF800000> : vector<512xf32>
    %reduce_max3A_2 = vector.multi_reduction <maximumf>, %get3A_1, %reduce_max3A [1] : vector<512x1000xf32> to vector<512xf32>
    %broadcast_in_dim3A = vector.shape_cast %reduce_max3A_2 : vector<512xf32> to vector<512x1xf32>
    %sub3A = vector.broadcast %broadcast_in_dim3A : vector<512x1xf32> to vector<512x1000xf32>
    %sub3A_3 = arith.subf %get3A_1, %sub3A : vector<512x1000xf32>
    %exp3A = math.exp %sub3A_3 : vector<512x1000xf32>
    %reduce_sum3A = arith.constant dense<0.000000e+00> : vector<512xf32>
    %reduce_sum3A_4 = vector.multi_reduction <add>, %exp3A, %reduce_sum3A [1] : vector<512x1000xf32> to vector<512xf32>
    %broadcast_in_dim3A_5 = vector.shape_cast %reduce_sum3A_4 : vector<512xf32> to vector<512x1xf32>
    %log3A = math.log %broadcast_in_dim3A_5 : vector<512x1xf32>
    %add3A = arith.addf %broadcast_in_dim3A, %log3A : vector<512x1xf32>
    %swap3A = arith.constant 0 : index
    %swap3A_6 = arith.constant 0 : index
    %swap3A_7 = vector.load %arg2[%swap3A, %swap3A_6] : memref<512x1xf32, #tpu.memory_space<vmem>>, vector<512x1xf32>
    tpu.vector_store %arg2[%swap3A, %swap3A_6], %add3A {strides = array<i32>} : memref<512x1xf32, #tpu.memory_space<vmem>>, vector<512x1xf32>,
    return
  }
  func.func @transform_0(%arg0: i32) -> (i32, i32) {
    %c0_i32 = arith.constant 0 : i32
    %c0_i32_0 = arith.constant 0 : i32
    return %arg0, %c0_i32 : i32, i32
  }
  func.func @transform_1(%arg0: i32) -> (i32, i32) {
    %c0_i32 = arith.constant 0 : i32
    %c0_i32_0 = arith.constant 0 : i32
    return %arg0, %c0_i32 : i32, i32
  }
}

</mosaic_0001>

<sc_bundles>
// kernel: kernel.4.cloned.1.call-start
scs
__scs_entry_jumppad:
0x0: {  	(pc) =	sbr.rel $0x88, $3  }
0x1: {  	(tag) =	ssettag $0x0;
	lr =	simm.s32 $0x1  }
0x2: {  	[smem:$0x3F9F] =	sst lr;
	_ =	strace $0xD0000000  }
0x3: {  	_ = 	snop  }
0x4: {  	_ = 	snop  }
0x5: {  	_ = 	snop  }
0x6: {  	_ = 	snop  }
0x7: {  	_ = 	snop  }
__scs_overlays_trampoline_lowered:
0x8: {  	[smem:$0x3FAE] =	sst s0  }
0x9: {  	[smem:$0x3FAF] =	sst s1  }
0xa: {  	[smem:$0x3FB0] =	sst s2  }
0xb: {  	[smem:$0x3FB1] =	sst s3  }
0xc: {  	[smem:$0x3FB2] =	sst s4  }
0xd: {  	[smem:$0x3FB3] =	sst s5  }
0xe: {  	[smem:$0x3FB4] =	sst s6  }
0xf: {  	[smem:$0x3FB5] =	sst s7  }
0x10: {  	[smem:$0x3FB6] =	sst s8  }
0x11: {  	[smem:$0x3FB7] =	sst s9;
	s0 =	simm.s32 @!p0 $0x0  }
0x12: {  	s1 =	sld [smem:$0x3F9D];
	s0 =	simm.s32 @p0 $0x1  }
0x13: {  	[smem:$0x3FB8] =	sst s0;
	s0 =	simm.s32 @!p1 $0x0  }
0x14: {  	s2 =	sld [smem:$0x3F9C];
	s0 =	simm.s32 @p1 $0x1  }
0x15: {  	[smem:$0x3FB9] =	sst s0;
	s0 =	simm.s32 @!p2 $0x0  }
0x16: {  	s3 =	sld [smem:$0x3FDB];
	s0 =	simm.s32 @p2 $0x1  }
0x17: {  	s4 =	simm.s32 $0x1BF5;
	[smem:$0x3FBB] =	sst s0  }
0x18: {  	s0 =	sld [smem:$0x3F9E];
	_ =	swait.ge [sflag:s4], $0x0  }
0x19: {  	s7 =	sld [smem:$0x3F9F]  }
0x1a: {  	s8 =	sadd.s32 $0xFFFFE003, lr  }
0x1b: {  	s9 =	sadd.s32 $0xFFFFFEF7, lr;
	s5 =	simm.s32 $0xFFFFFFFF;
	p2 =	slt.u32 s8, $0xFFFFF086  }
0x1c: {  	p1 =	slt.u32 s9, $0xF7A;
	s5 =	simm.s32 @!p2 $0x0  }
0x1d: {  	s5 =	simm.s32 @p1 $0x1;
	p0 =	seq.s32 s7, s2  }
0x1e: {  	s7 =	smul.u32 @!p0 $0xF7A, s2;
	p2 =	seq.s32 @!p0 s5, $0x0  }
0x1f: {  	s9 =	smul.u32 $0xF7A, s1;
	s8 =	simm.s32 @!p0 $0x1BF5;
	p2 =	por !p2, p0  }
0x20: {  	[sflag:s8] =	ssyncset.s32 @!p0 $0xFFFFF086;
	s6 =	sadd.s32 @!p0 s3, s7;
	s7 =	simm.s32 @!p0 $0x108  }
0x21: {  	s3 =	sadd.s32 s3, s9;
	s6 =	sadd.s32 @!p0 $0x88, s6;
	s7 =	simm.s32 @p2 $0x1082  }
0x22: {  	[simem:s7], [sflag:s8] =	dma.local @!p0 [hbm:s6], $0xF7A  }
0x23: {  	s9 =	sor.u32 $0xD0000000, s2;
	s6 =	simm.s32 $0x108;
	_ =	swait.ge @!p0 [sflag:s8], $0x0  }
0x24: {  	s3 =	sadd.s32 $0x88, s3;
	s6 =	simm.s32 @!p1 $0x1082;
	[sflag:s4] =	ssyncset.s32 $0xFFFFF086  }
0x25: {  	[simem:s6], [sflag:s4] =	dma.local [hbm:s3], $0xF7A  }
0x26: {  	[smem:$0x3F9F] =	sst s1;
	(tag) =	ssettag s2;
	_ =	strace s9  }
0x27: {  	s1 =	sld [smem:$0x3FAF]  }
0x28: {  	s2 =	sld [smem:$0x3FB0]  }
0x29: {  	s4 =	sld [smem:$0x3FB2]  }
0x2a: {  	p0 =	seq.s32 s5, $0x0;
	s5 =	sld [smem:$0x3FB3]  }
0x2b: {  	s6 =	sld [smem:$0x3FB4]  }
0x2c: {  	s7 =	sld [smem:$0x3FB5]  }
0x2d: {  	s3 =	simm.s32 $0x108;
	s8 =	sld [smem:$0x3FB6]  }
0x2e: {  	s3 =	simm.s32 @!p0 $0x1082;
	s9 =	sld [smem:$0x3FB7]  }
0x2f: {  	lr =	sadd.s32 s0, s3;
	s0 =	sld [smem:$0x3FAE]  }
0x30: {  	s3 =	sld [smem:$0x3FB1]  }
0x31: {  	[smem:$0x3FBA] =	sst s10  }
0x32: {  	s10 =	sld [smem:$0x3FB8];
	_ =	sdelay $0x3  }
0x33: {  	p0 =	seq.s32 s10, $0x1;
	s10 =	sld [smem:$0x3FBA];
	_ =	sdelay $0x3  }
0x34: {  	[smem:$0x3FBA] =	sst s10  }
0x35: {  	s10 =	sld [smem:$0x3FB9];
	_ =	sdelay $0x3  }
0x36: {  	p1 =	seq.s32 s10, $0x1;
	s10 =	sld [smem:$0x3FBA];
	_ =	sdelay $0x3  }
0x37: {  	[smem:$0x3FBA] =	sst s10  }
0x38: {  	s10 =	sld [smem:$0x3FBB]  }
0x39: {  	_ = 	snop;
	(pc) =	sbr.ind lr, $3  }
0x3a: {  	_ = 	snop  }
0x3b: {  	_ = 	snop  }
0x3c: {  	p2 =	seq.s32 s10, $0x1;
	s10 =	sld [smem:$0x3FBA]  }
0x3d: {  	_ =	shalt  }
0x3e: {  	_ =	shalt  }
0x3f: {  	_ =	shalt  }
0x40: {  	_ =	shalt  }
0x41: {  	_ =	shalt  }
0x42: {  	_ =	shalt  }
0x43: {  	_ =	shalt  }
0x44: {  	_ =	shalt  }
0x45: {  	_ =	shalt  }
0x46: {  	_ =	shalt  }
0x47: {  	_ =	shalt  }
0x48: {  	_ =	shalt  }
0x49: {  	_ =	shalt  }
0x4a: {  	_ =	shalt  }
0x4b: {  	_ =	shalt  }
0x4c: {  	_ =	shalt  }
0x4d: {  	_ =	shalt  }
0x4e: {  	_ =	shalt  }
0x4f: {  	_ =	shalt  }
0x50: {  	_ =	shalt  }
0x51: {  	_ =	shalt  }
0x52: {  	_ =	shalt  }
0x53: {  	_ =	shalt  }
0x54: {  	_ =	shalt  }
0x55: {  	_ =	shalt  }
0x56: {  	_ =	shalt  }
0x57: {  	_ =	shalt  }
0x58: {  	_ =	shalt  }
0x59: {  	_ =	shalt  }
0x5a: {  	_ =	shalt  }
0x5b: {  	_ =	shalt  }
0x5c: {  	_ =	shalt  }
0x5d: {  	_ =	shalt  }
0x5e: {  	_ =	shalt  }
0x5f: {  	_ =	shalt  }
0x60: {  	_ =	shalt  }
0x61: {  	_ =	shalt  }
0x62: {  	_ =	shalt  }
0x63: {  	_ =	shalt  }
0x64: {  	_ =	shalt  }
0x65: {  	_ =	shalt  }
0x66: {  	_ =	shalt  }
0x67: {  	_ =	shalt  }
0x68: {  	_ =	shalt  }
0x69: {  	_ =	shalt  }
0x6a: {  	_ =	shalt  }
0x6b: {  	_ =	shalt  }
0x6c: {  	_ =	shalt  }
0x6d: {  	_ =	shalt  }
0x6e: {  	_ =	shalt  }
0x6f: {  	_ =	shalt  }
0x70: {  	_ =	shalt  }
0x71: {  	_ =	shalt  }
0x72: {  	_ =	shalt  }
0x73: {  	_ =	shalt  }
0x74: {  	_ =	shalt  }
0x75: {  	_ =	shalt  }
0x76: {  	_ =	shalt  }
0x77: {  	_ =	shalt  }
0x78: {  	_ =	shalt  }
0x79: {  	_ =	shalt  }
0x7a: {  	_ =	shalt  }
0x7b: {  	_ =	shalt  }
0x7c: {  	_ =	shalt  }
0x7d: {  	_ =	shalt  }
0x7e: {  	_ =	shalt  }
0x7f: {  	_ =	shalt  }
0x80: {  	_ =	shalt  }
0x81: {  	_ =	shalt  }
0x82: {  	_ =	shalt  }
0x83: {  	_ =	shalt  }
0x84: {  	_ =	shalt  }
0x85: {  	_ =	shalt  }
0x86: {  	_ =	shalt  }
0x87: {  	_ =	shalt  }
.Lfunc_end0:
.L_simem_size_0:
called_computation_lowered:
.L_overlay_start_0:
0x88: {  	s2 =	sld [smem:$0x3FD9]  }
0x89: {  	s3 =	sld [smem:$0x3FFE];
	_ =	sdelay $0x1  }
0x8a: {  	s1 =	srdreg.scid  }
0x8b: {  	s0 =	sand.u32 $0x1, s1  }
0x8c: {  	s17 =	sshll.u32 s0, $0xA;
	s2 =	sadd.s32 s3, s2  }
0x8d: {  	s2 =	sadd.s32 s2, s17  }
0x8e: {  	[smem:$0x3FC6] =	sst s2  }
0x8f: {  	_ = 	snop  }
0x90: {  	s2 =	sld [smem:$0x3FC8];
	(tm) =	ssettm $0x1  }
0x91: {  	s18 =	sld [smem:$0x3FFB];
	_ =	sdelay $0x3  }
0x92: {  	_ =	strace s18  }
0x93: {  	s3 =	sld [smem:$0x3FFC];
	_ =	sdelay $0x3  }
0x94: {  	_ =	strace s3  }
0x95: {  	s3 =	sld [smem:$0x3FFD];
	_ =	sdelay $0x3  }
0x96: {  	_ =	strace s3  }
0x97: {  	_ =	strace $0x8FFFFFFF  }
0x98: {  	s19 =	sld [smem:$0x3FDB];
	_ =	sdelay $0x1  }
0x99: {  	s4 =	simm.s32 $_scs_section_size  }
0x9a: {  	s5 =	simm.s32 $_size__tile_overlayer_lowered;
	s6 =	simm.s32 $_tile_overlayer_lowered  }
0x9b: {  	s22 =	simm.s32 $0x1BFF;
	s21 =	sshll.u32 s6, $0x1;
	s3 =	sadd.s32 s4, s19  }
0x9c: {  	s7 =	simm.s32 $0x0;
	s20 =	sshll.u32 s5, $0x1;
	s5 =	sadd.s32 s21, s3  }
0x9d: {  	[timem:s7], [sflag:s22] =	dma.local [hbm:s5], s20  }
0x9e: {  	_ =	swait.ge [sflag:s22], s20  }
0x9f: {  	s4 =	ssub.s32 $0x0, s20;
	[sflag:s22] =	ssyncset.done $0x0  }
0xa0: {  	[sflag:s22] =	ssyncadd.s32 s4;
	_ =	sdelay $0x1  }
0xa1: {  	s23 =	simm.s32 $0x1B8B  }
0xa2: {  	_ =	swait.ge [sflag:s23], $0x1  }
0xa3: {  	[sflag:s23] =	ssyncset.done $0x0  }
0xa4: {  	s25 =	simm.s32 $0x1B8E;
	s24 =	sld [smem:$0x3FFE];
	[sflag:s23] =	ssyncadd.s32 $0xFFFFFFFF  }
0xa5: {  	s26 =	simm.s32 $execute0_lowered;
	[smem:$0x3FD2] =	sst s25  }
0xa6: {  	s5 =	sshll.u32 s26, $0x1;
	_ =	strace $0x80000046;
	[dreg:$0x1] =	wrdreg $0xFFFFFFFF  }
0xa7: {  	s28 =	simm.s32 $_size_execute0_lowered;
	s3 =	sadd.s32 s3, s5;
	[dreg:$0x0] =	wrdreg $0x0  }
0xa8: {  	s5 =	sshll.u32 s28, $0x1;
	[dreg:$0x2] =	wrdreg s3  }
0xa9: {  	[dreg:$0x3] =	wrdreg s5  }
0xaa: {  	[dreg:$0x4] =	wrdreg $0xC0  }
0xab: {  	_ =	task [dreg:s7], $0x5FFFF  }
0xac: {  	[dreg:$0x1] =	wrdreg $0xFFFFFFFF  }
0xad: {  	[dreg:$0x0] =	wrdreg $0x60  }
0xae: {  	[dreg:$0x2] =	wrdreg s24  }
0xaf: {  	[dreg:$0x3] =	wrdreg s2  }
0xb0: {  	[dreg:$0x4] =	wrdreg $0x9  }
0xb1: {  	_ =	task.clear_ibuf [dreg:s7], $0x5FFFF;
	_ =	strace $0x90000046  }
0xb2: {  	s29 =	simm.s32 $0x9;
	_ =	strace $0x80000048  }
0xb3: {  	_ =	swait.ge [sflag:s29], $0x1  }
0xb4: {  	[sflag:s29] =	ssyncadd.s32 $0xFFFFFFFF  }
0xb5: {  	_ =	strace $0x90000048  }
0xb6: {  	_ =	sfence  }
0xb7: {  	s30 =	sld [smem:$0x0];
	_ =	sdelay $0x2  }
0xb8: {  	s31 =	sshll.u32 s1, $0xD;
	s1 =	sshrl.u32 s1, $0x2  }
0xb9: {  	s3 =	sand.u32 $0x4000, s31;
	s1 =	sadd.s32 s1, s30  }
0xba: {  	s0 =	sor.u32 s3, s0;
	s1 =	sshll.u32 s1, $0x11  }
0xbb: {  	s0 =	sor.u32 s1, s0  }
0xbc: {  	s0 =	sadd.s32 $0x8F2B, s0  }
0xbd: {  	[sflag:s0] =	ssyncadd.remote.s32 $0x1  }
0xbe: {  	_ =	sfence.sel $0xFFFF  }
0xbf: {  	[dreg:$0x0] =	wrdreg $0xFFFFFFFF;
	(pc) =	sbr.abs _section_cstart, $3  }
0xc0: {  	[dreg:$0x1] =	wrdreg $0xFFFFFFFF  }
0xc1: {  	_ =	task.clear_ibuf [dreg:s7], $0x2FFFF;
	_ =	strace $0x9FFFFFFF  }
0xc2: {  	(tm) =	ssettm $0x7FFFFFFF  }
0xc3: {  	_ =	shalt  }
tec
execute0_lowered:
.L_overlay_start_1:
0x0: {  	(tag) =	ssettag $0x1  }
0x1: {  	s5 =	rddreg [dreg:$0x0]  }
0x2: {  	s4 =	rddreg [dreg:$0x1]  }
0x3: {  	s0 =	rddreg [dreg:$0x2];
	s2 =	simm.s32 $0x0;
	s3 =	srdreg.scid  }
0x4: {  	s1 =	stileid.u32;
	[smem:$0x7FF] =	sst s2  }
0x5: {  	s6 =	sand.u32 $0x1, s3;
	s7 =	sshll.u32 s1, $0x1;
	s3 =	sadd.s32 $0x200000, s5  }
0x6: {  	_ =	strace $0x80000047;
	s7 =	sor.u32 s6, s7;
	s6 =	ssub.s32 $0x2, s6  }
0x7: {  	s8 =	sshll.u32 s7, $0x4;
	s9 =	sshrl.u32 s6, $0x1;
	s10 =	smul.u32 $0x7D000, s7  }
0x8: {  	s31 =	sshll.u32 s7, $0x6;
	s8 =	sadd.s32 s8, s5;
	s9 =	ssub.s32 s6, s9  }
0x9: {  	s4 =	sadd.s32 s4, s31;
	s5 =	sadd.s32 s5, s31;
	s7 =	sadd.s32 $0x3E80, s10  }
0xa: {  	s22 =	sadd.s32 $0x7D00, s10;
	s11 =	sadd.s32 $0xBB80, s10;
	s12 =	sadd.s32 $0xFA00, s10  }
0xb: {  	v0 =	vlaneseq.u32;
	s13 =	sadd.s32 $0x13880, s10;
	s14 =	sadd.s32 $0x17700, s10;
	s15 =	sadd.s32 $0x1B580, s10  }
0xc: {  	v31 =	vmul.u32 $0x3E8, v0;
	s16 =	sadd.s32 $0x1F400, s10;
	s17 =	sadd.s32 $0x23280, s10;
	s18 =	sadd.s32 $0x27100, s10  }
0xd: {  	s19 =	sadd.s32 $0x2AF80, s10;
	s20 =	sadd.s32 $0x2EE00, s10;
	s21 =	sadd.s32 $0x32C80, s10  }
0xe: {  	v32 =	vimm.f32 $1.000000000e+00;
	s23 =	sadd.s32 $0x36B00, s10;
	s24 =	sadd.s32 $0x3A980, s10;
	s25 =	sadd.s32 $0x3E800, s10;
	v15 =	vadd.s32 s10, v31;
	v0 =	vadd.s32 s7, v31  }
0xf: {  	s26 =	sadd.s32 $0x42680, s10;
	s28 =	sadd.s32 $0x59D80, s10;
	s29 =	sadd.s32 $0x5DC00, s10;
	v1 =	vadd.s32 s22, v31;
	v2 =	vadd.s32 s11, v31;
	v3 =	vadd.s32 s12, v31  }
0x10: {  	s30 =	sadd.s32 $0x61A80, s10;
	s31 =	sadd.s32 $0x65900, s10;
	s6 =	sadd.s32 $0x800, s8;
	v4 =	vadd.s32 s13, v31;
	v5 =	vadd.s32 s14, v31;
	v6 =	vadd.s32 s15, v31  }
0x11: {  	s8 =	simm.s32 $0x2;
	s13 =	sadd.s32 $0x46500, s10;
	s14 =	sadd.s32 $0x4A380, s10;
	v7 =	vadd.s32 s16, v31;
	v8 =	vadd.s32 s17, v31;
	v9 =	vadd.s32 s18, v31  }
0x12: {  	s15 =	sadd.s32 $0x4E200, s10;
	s16 =	sadd.s32 $0x52080, s10;
	s17 =	sadd.s32 $0x55F00, s10;
	v10 =	vadd.s32 s19, v31;
	v11 =	vadd.s32 s20, v31;
	v12 =	vadd.s32 s21, v31  }
0x13: {  	v13 =	vadd.s32 s23, v31;
	v14 =	vadd.s32 s24, v31;
	s22 =	sadd.s32 $0x69780, s10;
	s23 =	sadd.s32 $0x6D600, s10;
	v16 =	vadd.s32 s25, v31;
	s24 =	sadd.s32 $0x71480, s10  }
0x14: {  	v17 =	vadd.s32 s26, v31;
	s25 =	sadd.s32 $0x75300, s10;
	s26 =	sadd.s32 $0x79180, s10;
	s7 =	smax.u32 s9, $0x1;
	v23 =	vadd.s32 s28, v31;
	v24 =	vadd.s32 s29, v31  }
0x15: {  	s9 =	simm.s32 $0x200;
	s10 =	simm.s32 $0x80;
	s11 =	simm.s32 $0x400;
	v25 =	vadd.s32 s30, v31;
	v26 =	vadd.s32 s31, v31;
	v18 =	vadd.s32 s13, v31  }
0x16: {  	s12 =	simm.s32 $0x600;
	s18 =	simm.s32 $0x780;
	s19 =	simm.s32 $0x1;
	v19 =	vadd.s32 s14, v31;
	v20 =	vadd.s32 s15, v31;
	v21 =	vadd.s32 s16, v31  }
0x17: {  	s20 =	simm.s32 $0x800;
	v22 =	vadd.s32 s17, v31;
	s13 =	simm.s32 $0x480;
	s14 =	simm.s32 $0x680;
	v27 =	vadd.s32 s22, v31;
	v28 =	vadd.s32 s23, v31  }
0x18: {  	v29 =	vadd.s32 s24, v31;
	s15 =	simm.s32 $0x500;
	s16 =	simm.s32 $0x700;
	s17 =	simm.s32 $0x580;
	v30 =	vadd.s32 s25, v31;
	v31 =	vadd.s32 s26, v31  }
.LBB2_1:
0x19: {  	[tilespmem:s2], [sflag:$0x2] =	stream.linear.gather [hbm4b:s4+s2], $0x200, $0x38;
	[tilespmem:$0x900] =	vst v63  }
0x1a: {  	_ =	swait.ge [sflag:s8], $0x200  }
0x1b: {  	[sflag:s8] =	ssyncset.done $0x0  }
0x1c: {  	[sflag:s8] =	ssyncadd.s32 $0xFFFFFE00  }
0x1d: {  	[tilespmem:s9], [sflag:$0x2] =	stream.linear.gather [hbm4b:s5+s2], $0x200, $0x38;
	[tilespmem:$0x900] =	vst v63  }
0x1e: {  	_ =	swait.ge [sflag:s8], $0x200  }
0x1f: {  	[sflag:s8] =	ssyncset.done $0x0  }
0x20: {  	[sflag:s8] =	ssyncadd.s32 $0xFFFFFE00  }
0x21: {  	v33 =	vld [tilespmem:$0x0]  }
0x22: {  	v34 =	vld [tilespmem:$0x10]  }
0x23: {  	v35 =	vld [tilespmem:$0x20]  }
0x24: {  	v36 =	vld [tilespmem:$0x30]  }
0x25: {  	v37 =	vld [tilespmem:$0x40]  }
0x26: {  	[tilespmem:$0x880] =	vst v32;
	v38 =	vld [tilespmem:$0x50];
	v33 =	vadd.s32 v33, v15  }
0x27: {  	v40 =	vld [tilespmem:$0x60];
	v39 =	vadd.s32 v34, v0;
	[tilespmem:$0x400] =	vst v33  }
0x28: {  	v42 =	vld [tilespmem:$0x70];
	v41 =	vadd.s32 v35, v1;
	[tilespmem:$0x410] =	vst v39  }
0x29: {  	v44 =	vld [tilespmem:$0x80];
	v43 =	vadd.s32 v36, v2;
	[tilespmem:$0x420] =	vst v41  }
0x2a: {  	v46 =	vld [tilespmem:$0x90];
	v45 =	vadd.s32 v37, v3;
	[tilespmem:$0x430] =	vst v43  }
0x2b: {  	v48 =	vld [tilespmem:$0xA0];
	v47 =	vadd.s32 v38, v4;
	[tilespmem:$0x440] =	vst v45  }
0x2c: {  	v50 =	vld [tilespmem:$0xB0];
	v49 =	vadd.s32 v40, v5;
	[tilespmem:$0x450] =	vst v47  }
0x2d: {  	v52 =	vld [tilespmem:$0xC0];
	v51 =	vadd.s32 v42, v6;
	[tilespmem:$0x460] =	vst v49  }
0x2e: {  	v54 =	vld [tilespmem:$0xD0];
	v53 =	vadd.s32 v44, v7;
	[tilespmem:$0x470] =	vst v51  }
0x2f: {  	v56 =	vld [tilespmem:$0xE0];
	v55 =	vadd.s32 v46, v8;
	[tilespmem:$0x480] =	vst v53  }
0x30: {  	v58 =	vld [tilespmem:$0xF0];
	v57 =	vadd.s32 v48, v9;
	[tilespmem:$0x490] =	vst v55  }
0x31: {  	v60 =	vld [tilespmem:$0x100];
	v59 =	vadd.s32 v50, v10;
	[tilespmem:$0x4A0] =	vst v57  }
0x32: {  	v62 =	vld [tilespmem:$0x110];
	v61 =	vadd.s32 v52, v11;
	[tilespmem:$0x4B0] =	vst v59  }
0x33: {  	v63 =	vadd.s32 v54, v12;
	v40 =	vld [tilespmem:$0x120];
	[tilespmem:$0x4C0] =	vst v61  }
0x34: {  	v42 =	vld [tilespmem:$0x130];
	[tilespmem:$0x4D0] =	vst v63;
	v41 =	vadd.s32 v56, v13  }
0x35: {  	v44 =	vld [tilespmem:$0x140];
	v43 =	vadd.s32 v58, v14;
	[tilespmem:$0x4E0] =	vst v41  }
0x36: {  	v46 =	vld [tilespmem:$0x150];
	v45 =	vadd.s32 v60, v16;
	[tilespmem:$0x4F0] =	vst v43  }
0x37: {  	v48 =	vld [tilespmem:$0x160];
	v47 =	vadd.s32 v62, v17;
	[tilespmem:$0x500] =	vst v45  }
0x38: {  	v50 =	vld [tilespmem:$0x170];
	[tilespmem:$0x510] =	vst v47;
	v49 =	vadd.s32 v40, v18  }
0x39: {  	v52 =	vld [tilespmem:$0x180];
	v51 =	vadd.s32 v42, v19;
	[tilespmem:$0x520] =	vst v49  }
0x3a: {  	v54 =	vld [tilespmem:$0x190];
	v53 =	vadd.s32 v44, v20;
	[tilespmem:$0x530] =	vst v51  }
0x3b: {  	v56 =	vld [tilespmem:$0x1A0];
	v55 =	vadd.s32 v46, v21;
	[tilespmem:$0x540] =	vst v53  }
0x3c: {  	v58 =	vld [tilespmem:$0x1B0];
	v57 =	vadd.s32 v48, v22;
	[tilespmem:$0x550] =	vst v55  }
0x3d: {  	v60 =	vld [tilespmem:$0x1C0];
	v59 =	vadd.s32 v50, v23;
	[tilespmem:$0x560] =	vst v57  }
0x3e: {  	v62 =	vld [tilespmem:$0x1D0];
	v61 =	vadd.s32 v52, v24;
	[tilespmem:$0x570] =	vst v59  }
0x3f: {  	v63 =	vadd.s32 v54, v25;
	v40 =	vld [tilespmem:$0x1E0];
	[tilespmem:$0x580] =	vst v61  }
0x40: {  	v42 =	vld [tilespmem:$0x1F0];
	[tilespmem:$0x590] =	vst v63;
	v41 =	vadd.s32 v56, v26  }
0x41: {  	v43 =	vadd.s32 v58, v27;
	[tilespmem:$0x5A0] =	vst v41  }
0x42: {  	v44 =	vadd.s32 v60, v28;
	[tilespmem:$0x5B0] =	vst v43  }
0x43: {  	v45 =	vadd.s32 v62, v29;
	[tilespmem:$0x5C0] =	vst v44  }
0x44: {  	[tilespmem:$0x5D0] =	vst v45;
	v46 =	vadd.s32 v40, v30  }
0x45: {  	v47 =	vadd.s32 v42, v31;
	[tilespmem:$0x5E0] =	vst v46  }
0x46: {  	[tilespmem:$0x5F0] =	vst v47  }
0x47: {  	[tilespmem:s12], [sflag:$0x1] =	stream.indirect.gather [hbm4b:s3+s10], $0x1, s11, s10, $0xb8;
	[tilespmem:$0x900] =	vst v63  }
0x48: {  	_ = 	snop  }
0x49: {  	[tilespmem:s14], [sflag:$0x1] =	stream.indirect.gather [hbm4b:s3+s10], $0x1, s13, s10, $0xb8;
	[tilespmem:$0x900] =	vst v63  }
0x4a: {  	_ = 	snop  }
0x4b: {  	[tilespmem:s16], [sflag:$0x1] =	stream.indirect.gather [hbm4b:s3+s10], $0x1, s15, s10, $0xb8;
	[tilespmem:$0x900] =	vst v63  }
0x4c: {  	_ = 	snop  }
0x4d: {  	[tilespmem:s18], [sflag:$0x1] =	stream.indirect.gather [hbm4b:s3+s10], $0x1, s17, s10, $0xb8;
	[tilespmem:$0x900] =	vst v63  }
0x4e: {  	_ =	swait.ge [sflag:s19], $0x80  }
0x4f: {  	[sflag:s19] =	ssyncset.done $0x0  }
0x50: {  	[sflag:s19] =	ssyncadd.s32 $0xFFFFFF80  }
0x51: {  	_ =	swait.ge [sflag:s19], $0x80  }
0x52: {  	[sflag:s19] =	ssyncset.done $0x0  }
0x53: {  	[sflag:s19] =	ssyncadd.s32 $0xFFFFFF80  }
0x54: {  	_ =	swait.ge [sflag:s19], $0x80  }
0x55: {  	[sflag:s19] =	ssyncset.done $0x0  }
0x56: {  	[sflag:s19] =	ssyncadd.s32 $0xFFFFFF80  }
0x57: {  	_ =	swait.ge [sflag:s19], $0x80  }
0x58: {  	[sflag:s19] =	ssyncset.done $0x0  }
0x59: {  	[sflag:s19] =	ssyncadd.s32 $0xFFFFFF80  }
0x5a: {  	v48 =	vld [tilespmem:$0x600]  }
0x5b: {  	v49 =	vld [tilespmem:$0x200]  }
0x5c: {  	v50 =	vld [tilespmem:$0x610]  }
0x5d: {  	v51 =	vld [tilespmem:$0x210]  }
0x5e: {  	v52 =	vld [tilespmem:$0x620]  }
0x5f: {  	v53 =	vld [tilespmem:$0x220]  }
0x60: {  	v39 =	vld [tilespmem:$0x630]  }
0x61: {  	v40 =	vld [tilespmem:$0x230]  }
0x62: {  	v55 =	vld [tilespmem:$0x640]  }
0x63: {  	v57 =	vld [tilespmem:$0x240];
	v33 =	vsub.f32 v48, v49  }
0x64: {  	v41 =	vld [tilespmem:$0x650];
	v35 =	vsub.f32 v50, v51  }
0x65: {  	v59 =	vld [tilespmem:$0x250];
	v34 =	vsub.f32 v52, v53;
	v54 =	vmul.f32 $1.442695020e+00, v33  }
0x66: {  	v42 =	vld [tilespmem:$0x660];
	v39 =	vsub.f32 v39, v40;
	v56 =	vmul.f32 $1.442695020e+00, v35  }
0x67: {  	v43 =	vld [tilespmem:$0x260];
	v58 =	vmul.f32 $1.442695020e+00, v34;
	(erf) = vpow2.f32 v54  }
0x68: {  	v63 =	vld [tilespmem:$0x670];
	v60 =	vmul.f32 $1.442695020e+00, v39;
	(erf) = vpow2.f32 v56  }
0x69: {  	v45 =	vld [tilespmem:$0x280];
	(erf) = vpow2.f32 v58  }
0x6a: {  	v53 =	vld [tilespmem:$0x680];
	(erf) = vpow2.f32 v60  }
0x6b: {  	v44 =	vld [tilespmem:$0x270]  }
0x6c: {  	v47 =	vld [tilespmem:$0x690];
	v36 =	vsub.f32 v55, v57  }
0x6d: {  	v48 =	vld [tilespmem:$0x290]  }
0x6e: {  	v40 =	vsub.f32 v41, v59;
	v50 =	vld [tilespmem:$0x2C0];
	v62 =	vmul.f32 $1.442695020e+00, v36  }
0x6f: {  	v42 =	vsub.f32 v42, v43;
	v43 =	vsub.f32 v53, v45;
	v53 =	vld [tilespmem:$0x6C0]  }
0x70: {  	v52 =	vmul.f32 $1.442695020e+00, v40;
	v61 =	vpop (erf);
	(erf) = vpow2.f32 v62  }
0x71: {  	v54 =	vmul.f32 $1.442695020e+00, v42;
	v37 =	vsub.f32 $1.000000000e+00, v61;
	v46 =	vpop (erf)  }
0x72: {  	v38 =	vsub.f32 v63, v44;
	v44 =	vld [tilespmem:$0x6A0];
	v47 =	vsub.f32 v47, v48;
	(erf) = vpow2.f32 v52;
	v55 =	vpop (erf)  }
0x73: {  	v58 =	vld [tilespmem:$0x2A0];
	v46 =	vsub.f32 $1.000000000e+00, v46;
	(erf) = vpow2.f32 v54;
	v37 =	vadd.f32 $9.999999680e-21, v37;
	v57 =	vpop (erf)  }
0x74: {  	v49 =	vmul.f32 $1.442695020e+00, v38;
	v60 =	vld [tilespmem:$0x6B0];
	v41 =	vsub.f32 v53, v50;
	v59 =	vsub.f32 $1.000000000e+00, v57  }
0x75: {  	v62 =	vld [tilespmem:$0x2B0];
	v56 =	vadd.f32 $9.999999680e-21, v46;
	v33 =	vmul.f32 v37, v33;
	v37 =	vsub.f32 $1.000000000e+00, v55  }
0x76: {  	v61 =	vmul.f32 $1.442695020e+00, v43;
	(erf) = vpow2.f32 v49;
	v63 =	vadd.f32 $9.999999680e-21, v59  }
0x77: {  	v35 =	vmul.f32 v56, v35;
	v33 =	vsub.f32 $0.0e+00, v33;
	v37 =	vadd.f32 $9.999999680e-21, v37  }
0x78: {  	v53 =	vld [tilespmem:$0x6F0];
	v54 =	vmul.f32 $1.442695020e+00, v47;
	v55 =	vmul.f32 v63, v39;
	v39 =	vsub.f32 v44, v58  }
0x79: {  	v59 =	vld [tilespmem:$0x2D0];
	v33 =	vsub.f32 v33, v35;
	v34 =	vmul.f32 v37, v34;
	v52 =	vpop (erf);
	(erf) = vpow2.f32 v61  }
0x7a: {  	v45 =	vsub.f32 v60, v62;
	v58 =	vld [tilespmem:$0x6D0];
	v37 =	vsub.f32 $1.000000000e+00, v52  }
0x7b: {  	v62 =	vld [tilespmem:$0x2E0];
	v56 =	vpop (erf);
	(erf) = vpow2.f32 v54;
	v44 =	vmul.f32 $1.442695020e+00, v39;
	v33 =	vsub.f32 v33, v34  }
0x7c: {  	v60 =	vmul.f32 $1.442695020e+00, v45;
	v61 =	vld [tilespmem:$0x6E0];
	v35 =	vsub.f32 $1.000000000e+00, v56;
	v57 =	vpop (erf);
	v37 =	vadd.f32 $9.999999680e-21, v37  }
0x7d: {  	v52 =	vmul.f32 $1.442695020e+00, v41;
	v34 =	vsub.f32 $1.000000000e+00, v57;
	(erf) = vpow2.f32 v44;
	v44 =	vld [tilespmem:$0x700]  }
0x7e: {  	v33 =	vsub.f32 v33, v55;
	v35 =	vadd.f32 $9.999999680e-21, v35;
	v55 =	vld [tilespmem:$0x2F0];
	v36 =	vmul.f32 v37, v36  }
0x7f: {  	v63 =	vpop (erf);
	(erf) = vpow2.f32 v60;
	v34 =	vadd.f32 $9.999999680e-21, v34;
	v37 =	vsub.f32 v58, v59;
	v58 =	vld [tilespmem:$0x300]  }
0x80: {  	v54 =	vsub.f32 $1.000000000e+00, v63;
	v60 =	vld [tilespmem:$0x710];
	v35 =	vmul.f32 v35, v40;
	v33 =	vsub.f32 v33, v36  }
0x81: {  	v34 =	vmul.f32 v34, v42;
	v46 =	vmul.f32 $1.442695020e+00, v37;
	v36 =	vsub.f32 v61, v62;
	v62 =	vld [tilespmem:$0x310]  }
0x82: {  	v33 =	vsub.f32 v33, v35;
	v56 =	vpop (erf);
	(erf) = vpow2.f32 v52;
	v35 =	vadd.f32 $9.999999680e-21, v54  }
0x83: {  	v61 =	vmul.f32 $1.442695020e+00, v36;
	v40 =	vsub.f32 v53, v55;
	v42 =	vsub.f32 $1.000000000e+00, v56  }
0x84: {  	v57 =	vpop (erf);
	(erf) = vpow2.f32 v46;
	v44 =	vsub.f32 v44, v58;
	v33 =	vsub.f32 v33, v34  }
0x85: {  	v53 =	vld [tilespmem:$0x720];
	v35 =	vmul.f32 v35, v38;
	v34 =	vsub.f32 $1.000000000e+00, v57;
	v54 =	vmul.f32 $1.442695020e+00, v40  }
0x86: {  	v55 =	vld [tilespmem:$0x320];
	v59 =	vadd.f32 $9.999999680e-21, v42;
	v52 =	vpop (erf);
	(erf) = vpow2.f32 v61;
	v42 =	vsub.f32 v60, v62  }
0x87: {  	v60 =	vld [tilespmem:$0x330];
	v33 =	vsub.f32 v33, v35;
	v38 =	vsub.f32 $1.000000000e+00, v52  }
0x88: {  	v34 =	vadd.f32 $9.999999680e-21, v34;
	v56 =	vpop (erf);
	(erf) = vpow2.f32 v54;
	v63 =	vmul.f32 v59, v43;
	v59 =	vld [tilespmem:$0x730]  }
0x89: {  	v58 =	vmul.f32 $1.442695020e+00, v44;
	v35 =	vsub.f32 $1.000000000e+00, v56;
	v38 =	vadd.f32 $9.999999680e-21, v38  }
0x8a: {  	v62 =	vld [tilespmem:$0x740];
	v61 =	vmul.f32 $1.442695020e+00, v42;
	v34 =	vmul.f32 v34, v47;
	v33 =	vsub.f32 v33, v63  }
0x8b: {  	v43 =	vsub.f32 v53, v55;
	v35 =	vadd.f32 $9.999999680e-21, v35;
	v63 =	vld [tilespmem:$0x340];
	v38 =	vmul.f32 v38, v39;
	v57 =	vpop (erf)  }
0x8c: {  	v33 =	vsub.f32 v33, v34;
	(erf) = vpow2.f32 v58;
	v34 =	vsub.f32 $1.000000000e+00, v57  }
0x8d: {  	v50 =	vmul.f32 $1.442695020e+00, v43;
	v49 =	vpop (erf);
	(erf) = vpow2.f32 v61;
	v39 =	vsub.f32 v59, v60  }
0x8e: {  	v35 =	vmul.f32 v35, v45;
	v57 =	vld [tilespmem:$0x760];
	v33 =	vsub.f32 v33, v38;
	v34 =	vadd.f32 $9.999999680e-21, v34  }
0x8f: {  	v59 =	vld [tilespmem:$0x360];
	v51 =	vsub.f32 $1.000000000e+00, v49;
	v52 =	vpop (erf);
	(erf) = vpow2.f32 v50;
	v54 =	vmul.f32 $1.442695020e+00, v39  }
0x90: {  	v55 =	vld [tilespmem:$0x350];
	v38 =	vsub.f32 v62, v63;
	v33 =	vsub.f32 v33, v35;
	v34 =	vmul.f32 v34, v41  }
0x91: {  	v45 =	vld [tilespmem:$0x750];
	v35 =	vadd.f32 $9.999999680e-21, v51;
	v53 =	vpop (erf);
	v41 =	vsub.f32 $1.000000000e+00, v52  }
0x92: {  	v62 =	vld [tilespmem:$0x770];
	(erf) = vpow2.f32 v54;
	v33 =	vsub.f32 v33, v34;
	v34 =	vsub.f32 $1.000000000e+00, v53  }
0x93: {  	v63 =	vld [tilespmem:$0x370];
	v58 =	vmul.f32 $1.442695020e+00, v38;
	v35 =	vmul.f32 v35, v37;
	v56 =	vadd.f32 $9.999999680e-21, v41  }
0x94: {  	v41 =	vsub.f32 v57, v59;
	v34 =	vadd.f32 $9.999999680e-21, v34  }
0x95: {  	v33 =	vsub.f32 v33, v35;
	v60 =	vmul.f32 v56, v36;
	v61 =	vpop (erf);
	(erf) = vpow2.f32 v58  }
0x96: {  	v36 =	vsub.f32 $1.000000000e+00, v61;
	v52 =	vpop (erf);
	v34 =	vmul.f32 v34, v40;
	v40 =	vsub.f32 v45, v55  }
0x97: {  	v53 =	vld [tilespmem:$0x780];
	v33 =	vsub.f32 v33, v60;
	v35 =	vsub.f32 $1.000000000e+00, v52  }
0x98: {  	v37 =	vsub.f32 v62, v63;
	v55 =	vld [tilespmem:$0x380];
	v36 =	vadd.f32 $9.999999680e-21, v36;
	v47 =	vmul.f32 $1.442695020e+00, v40  }
0x99: {  	v57 =	vld [tilespmem:$0x790];
	v56 =	vmul.f32 $1.442695020e+00, v41;
	v54 =	vpop (erf);
	v33 =	vsub.f32 v33, v34;
	v35 =	vadd.f32 $9.999999680e-21, v35  }
0x9a: {  	v63 =	vld [tilespmem:$0x3A0];
	v34 =	vsub.f32 $1.000000000e+00, v54;
	v36 =	vmul.f32 v36, v44;
	(erf) = vpow2.f32 v47  }
0x9b: {  	v58 =	vld [tilespmem:$0x390];
	v60 =	vmul.f32 $1.442695020e+00, v37;
	v35 =	vmul.f32 v35, v42  }
0x9c: {  	v61 =	vld [tilespmem:$0x7A0];
	v59 =	vpop (erf);
	v34 =	vadd.f32 $9.999999680e-21, v34;
	v33 =	vsub.f32 v33, v36;
	(erf) = vpow2.f32 v56  }
0x9d: {  	v54 =	vld [tilespmem:$0x3B0];
	v42 =	vsub.f32 $1.000000000e+00, v59;
	v45 =	vsub.f32 v53, v55  }
0x9e: {  	v53 =	vld [tilespmem:$0x7B0];
	v34 =	vmul.f32 v34, v43;
	v33 =	vsub.f32 v33, v35;
	v62 =	vpop (erf);
	(erf) = vpow2.f32 v60  }
0x9f: {  	v55 =	vld [tilespmem:$0x7C0];
	v42 =	vadd.f32 $9.999999680e-21, v42;
	v52 =	vmul.f32 $1.442695020e+00, v45;
	v35 =	vsub.f32 $1.000000000e+00, v62  }
0xa0: {  	v33 =	vsub.f32 v33, v34;
	v34 =	vsub.f32 v57, v58;
	v57 =	vld [tilespmem:$0x3C0]  }
0xa1: {  	v39 =	vmul.f32 v42, v39;
	(erf) = vpow2.f32 v52;
	v35 =	vadd.f32 $9.999999680e-21, v35  }
0xa2: {  	v56 =	vmul.f32 $1.442695020e+00, v34  }
0xa3: {  	v59 =	vld [tilespmem:$0x7D0];
	v33 =	vsub.f32 v33, v39;
	v39 =	vsub.f32 v61, v63;
	v35 =	vmul.f32 v35, v38;
	v58 =	vpop (erf)  }
0xa4: {  	v60 =	vld [tilespmem:$0x3D0];
	v36 =	vsub.f32 v53, v54;
	(erf) = vpow2.f32 v56;
	v38 =	vsub.f32 $1.000000000e+00, v58  }
0xa5: {  	v62 =	vld [tilespmem:$0x7E0];
	v47 =	vmul.f32 $1.442695020e+00, v39;
	v33 =	vsub.f32 v33, v35;
	v61 =	vpop (erf);
	v42 =	vsub.f32 v55, v57  }
0xa6: {  	v53 =	vld [tilespmem:$0x3E0];
	v35 =	vsub.f32 $1.000000000e+00, v61;
	v38 =	vadd.f32 $9.999999680e-21, v38  }
0xa7: {  	v52 =	vmul.f32 $1.442695020e+00, v36;
	v55 =	vld [tilespmem:$0x7F0];
	v63 =	vpop (erf);
	(erf) = vpow2.f32 v47  }
0xa8: {  	v57 =	vld [tilespmem:$0x3F0];
	v56 =	vmul.f32 $1.442695020e+00, v42;
	v35 =	vadd.f32 $9.999999680e-21, v35;
	v38 =	vmul.f32 v38, v40  }
0xa9: {  	v43 =	vsub.f32 v59, v60;
	v54 =	vsub.f32 $1.000000000e+00, v63;
	(erf) = vpow2.f32 v52  }
0xaa: {  	v59 =	vpop (erf);
	(erf) = vpow2.f32 v56;
	v35 =	vmul.f32 v35, v41;
	v33 =	vsub.f32 v33, v38  }
0xab: {  	v58 =	vadd.f32 $9.999999680e-21, v54;
	v40 =	vsub.f32 $1.000000000e+00, v59  }
0xac: {  	v60 =	vmul.f32 $1.442695020e+00, v43;
	v33 =	vsub.f32 v33, v35;
	v35 =	vsub.f32 v62, v53  }
0xad: {  	v41 =	vsub.f32 v55, v57;
	v37 =	vmul.f32 v58, v37  }
0xae: {  	v40 =	vadd.f32 $9.999999680e-21, v40;
	v61 =	vpop (erf);
	(erf) = vpow2.f32 v60;
	v62 =	vmul.f32 $1.442695020e+00, v35  }
0xaf: {  	v49 =	vmul.f32 $1.442695020e+00, v41;
	v38 =	vsub.f32 $1.000000000e+00, v61  }
0xb0: {  	v63 =	vmul.f32 v40, v45;
	v33 =	vsub.f32 v33, v37;
	v48 =	vpop (erf);
	(erf) = vpow2.f32 v62  }
0xb1: {  	v38 =	vadd.f32 $9.999999680e-21, v38;
	v40 =	vsub.f32 $1.000000000e+00, v48  }
0xb2: {  	v33 =	vsub.f32 v33, v63;
	v50 =	vpop (erf);
	(erf) = vpow2.f32 v49  }
0xb3: {  	v34 =	vmul.f32 v38, v34;
	v37 =	vsub.f32 $1.000000000e+00, v50;
	v52 =	vpop (erf);
	v51 =	vadd.f32 $9.999999680e-21, v40  }
0xb4: {  	v54 =	vsub.f32 $1.000000000e+00, v52  }
0xb5: {  	v33 =	vsub.f32 v33, v34;
	v37 =	vadd.f32 $9.999999680e-21, v37;
	v53 =	vmul.f32 v51, v39;
	_ =	sdelay $0x1  }
0xb6: {  	v57 =	vadd.f32 $9.999999680e-21, v54;
	v55 =	vpop (erf);
	v56 =	vmul.f32 v37, v36;
	v33 =	vsub.f32 v33, v53  }
0xb7: {  	v58 =	vsub.f32 $1.000000000e+00, v55  }
0xb8: {  	v60 =	vmul.f32 v57, v42;
	v33 =	vsub.f32 v33, v56;
	v59 =	vpop (erf)  }
0xb9: {  	v61 =	vadd.f32 $9.999999680e-21, v58;
	v62 =	vsub.f32 $1.000000000e+00, v59  }
0xba: {  	v33 =	vsub.f32 v33, v60;
	v63 =	vpop (erf)  }
0xbb: {  	v36 =	vmul.f32 v61, v43;
	v34 =	vsub.f32 $1.000000000e+00, v63;
	v37 =	vadd.f32 $9.999999680e-21, v62;
	_ =	sdelay $0x1  }
0xbc: {  	v33 =	vsub.f32 v33, v36;
	v34 =	vadd.f32 $9.999999680e-21, v34;
	v35 =	vmul.f32 v37, v35;
	_ =	sdelay $0x1  }
0xbd: {  	v34 =	vmul.f32 v34, v41;
	v33 =	vsub.f32 v33, v35;
	_ =	sdelay $0x1  }
0xbe: {  	v33 =	vsub.f32 v33, v34  }
0xbf: {  	p0 =	sne.s32 s7, $0x1  }
.Ltmp0:
0xc0: {  	[tilespmem:$0x800] =	vst v33;
	(pc) =	sbr.rel @p0 .LBB2_1-.Ltmp0, $4  }
0xc1: {  	[hbm4b:s6+s2] =	stream.linear.scatter [tilespmem:s20], [sflag:$0x2], $0x80, $0x38;
	[tilespmem:$0x900] =	vst v63  }
0xc2: {  	_ =	swait.ge [sflag:s8], $0x80  }
0xc3: {  	[sflag:s8] =	ssyncset.done $0x0  }
0xc4: {  	s7 =	sadd.s32 $0xFFFFFFFF, s7;
	[sflag:s8] =	ssyncadd.s32 $0xFFFFFF80  }
0xc5: {  	_ =	sfence.sel $0x180000  }
0xc6: {  	[bflag:$0x0] =	sbarrier.arrive $0xFFFF  }
0xc7: {  	p0 =	sne.s32 s1, $0x0;
	_ =	strace $0x90000047  }
0xc8: {  	s0 =	sadd.s32 @!p0 $0x100000, s0;
	[bflag:$0x2] =	sbarrier.arrive $0xFFFF  }
0xc9: {  	[sflag:s0] =	ssyncadd.tile.s32 @!p0 $0x1;
	_ =	shalt  }
.Lfunc_end2:
_tile_overlayer_lowered:
.L_overlay_start_2:
0xca: {  	(tag) =	ssettag $0x2  }
0xcb: {  	s0 =	rddreg [dreg:$0x0];
	s2 =	stileid.u32  }
0xcc: {  	s1 =	rddreg [dreg:$0x1];
	p0 =	sne.s32 s2, $0x0  }
0xcd: {  	s3 =	rddreg [dreg:$0x2];
	[bflag:$0x3] =	sbarrier.arrive $0xFFFF;
	s2 =	simm.s32 @!p0 $0x1C02  }
0xce: {  	[timem:s3], [sflag:s2] =	dma.local @!p0 [hbm:s0], s1  }
0xcf: {  	s0 =	simm.s32 @!p0 $0x2  }
0xd0: {  	_ =	swait.ge @!p0 [sflag:s0], s1  }
0xd1: {  	s1 =	ssub.s32 @!p0 $0x0, s1;
	[sflag:s0] =	ssyncset.done @!p0 $0x0  }
0xd2: {  	[sflag:s0] =	ssyncadd.s32 @!p0 s1  }
0xd3: {  	[bflag:$0x3] =	sbarrier.arrive $0xFFFF  }
0xd4: {  	_ =	shalt  }

</sc_bundles>
